<compile_context>
chip_gen: v7x
topology: tpu7x:2x2x1
jax: 0.10.2.dev20260603
libtpu: 0.0.44.dev20260713+nightly
codegen_flags: <defaults>
</compile_context>

<pallas_src>
import functools

import jax
import jax.numpy as jnp
from jax import lax
from jax.experimental import pallas as pl
from jax.experimental.pallas import tpu as pltpu
from jax.experimental.pallas import tpu_sc as plsc

N = 10000
E = 320000
NC = 2
NS = 16
NW = NC * NS
B = 128
NBATCH = 80
NH = 2
NBH = NBATCH // NH
QN = 20
NQ = NBATCH // QN
E_PAD = NW * NBATCH * B
N_PAD = 10112
RPT = N_PAD // NS
RB = 2000

_MESH = plsc.VectorSubcoreMesh(core_axis_name="c", subcore_axis_name="s")



@functools.partial(
    pl.kernel,
    out_type=jax.ShapeDtypeStruct((NC, N_PAD, 128), jnp.float32),
    mesh=_MESH,
    scratch_types=[
        pltpu.VMEM((NBATCH, B), jnp.int32),
        pltpu.VMEM((B, 128), jnp.float32),
        pltpu.VMEM_SHARED((N_PAD, 128), jnp.float32),
    ],
)
def _deg(dst_hbm, ones_hbm, zeros_hbm, out_hbm, dst_v, ones_v, acc_sh):
    c = lax.axis_index("c")
    s = lax.axis_index("s")
    wid = s * NC + c
    pltpu.sync_copy(dst_hbm.at[wid], dst_v)
    pltpu.sync_copy(ones_hbm, ones_v)
    pltpu.sync_copy(zeros_hbm.at[pl.ds(s * RPT, RPT)],
                    acc_sh.at[pl.ds(s * RPT, RPT)])
    plsc.subcore_barrier()

    def body(j, carry):
        pltpu.sync_copy(ones_v, acc_sh.at[dst_v.at[j]], add=True)
        return carry

    lax.fori_loop(0, NBATCH, body, 0)
    plsc.subcore_barrier()
    pltpu.sync_copy(acc_sh.at[pl.ds(s * RPT, RPT)],
                    out_hbm.at[c, pl.ds(s * RPT, RPT)])


def _make_spmm(K):
    @functools.partial(
        pl.kernel,
        out_type=jax.ShapeDtypeStruct((NC, N_PAD, K), jnp.float32),
        mesh=_MESH,
        scratch_types=[
            pltpu.VMEM((QN, B), jnp.int32),
            pltpu.VMEM((QN, B), jnp.int32),
            pltpu.VMEM((B, K), jnp.float32),
            pltpu.VMEM((B, K), jnp.float32),
            pltpu.VMEM_SHARED((N_PAD, K), jnp.float32),
            pltpu.SemaphoreType.DMA,
            pltpu.SemaphoreType.DMA,
        ],
    )
    def spmm(z_hbm, src_hbm, dst_hbm, zeros_hbm, out_hbm,
             src_v, dst_v, buf0, buf1, acc_sh, sem0, sem1):
        c = lax.axis_index("c")
        s = lax.axis_index("s")
        wid = s * NC + c
        pltpu.sync_copy(zeros_hbm.at[pl.ds(s * RPT, RPT)],
                        acc_sh.at[pl.ds(s * RPT, RPT)])
        plsc.subcore_barrier()

        def slice_body(q, carry):
            pltpu.sync_copy(src_hbm.at[wid, q], src_v)
            pltpu.sync_copy(dst_hbm.at[wid, q], dst_v)
            pltpu.async_copy(z_hbm.at[src_v.at[0]], buf0, sem0)

            def body(t, carry2):
                j0 = 2 * t
                cp1 = pltpu.async_copy(
                    z_hbm.at[src_v.at[j0 + 1]], buf1, sem1)
                pltpu.make_async_copy(
                    z_hbm.at[src_v.at[j0]], buf0, sem0).wait()
                pltpu.sync_copy(buf0, acc_sh.at[dst_v.at[j0]], add=True)

                @pl.when(j0 + 2 < QN)
                def _():
                    pltpu.async_copy(
                        z_hbm.at[src_v.at[j0 + 2]], buf0, sem0)

                cp1.wait()
                pltpu.sync_copy(buf1, acc_sh.at[dst_v.at[j0 + 1]],
                                add=True)
                return carry2

            lax.fori_loop(0, QN // 2, body, 0)
            return carry

        lax.fori_loop(0, NQ, slice_body, 0)
        plsc.subcore_barrier()
        pltpu.sync_copy(acc_sh.at[pl.ds(s * RPT, RPT)],
                        out_hbm.at[c, pl.ds(s * RPT, RPT)])

    return spmm


_spmm128 = _make_spmm(128)



def _dinv_block(degp_ref):
    deg = (degp_ref[0] + degp_ref[1])[:, 0:1]
    return lax.rsqrt(jnp.maximum(deg, 1.0))


def _dense0_body(f_ref, w_ref, degp_ref, z_ref):
    dinv = _dinv_block(degp_ref)
    z = jnp.dot(f_ref[...], w_ref[...], preferred_element_type=jnp.float32)
    z_ref[...] = z * dinv


def _mid_body(p_ref, degp_ref, b_ref, g_ref, bn_ref, w_ref, z_ref):
    dinv = _dinv_block(degp_ref)
    agg = (p_ref[0] + p_ref[1]) * dinv
    h = jnp.maximum(agg + b_ref[...], 0.0)
    mu = jnp.mean(h, axis=1, keepdims=True)
    var = jnp.mean((h - mu) * (h - mu), axis=1, keepdims=True)
    hn = (h - mu) * lax.rsqrt(var + 1e-5) * g_ref[...] + bn_ref[...]
    z_ref[...] = jnp.dot(hn * dinv, w_ref[...],
                         preferred_element_type=jnp.float32)


def _final_body(p_ref, degp_ref, b_ref, out_ref):
    dinv = _dinv_block(degp_ref)
    out_ref[...] = (p_ref[0] + p_ref[1])[:, :64] * dinv + b_ref[...]


def _dense0(features, w0, degp):
    return pl.pallas_call(
        _dense0_body,
        grid=(N // RB,),
        in_specs=[
            pl.BlockSpec((RB, 128), lambda i: (i, 0)),
            pl.BlockSpec((128, 128), lambda i: (0, 0)),
            pl.BlockSpec((NC, RB, 128), lambda i: (0, i, 0)),
        ],
        out_specs=pl.BlockSpec((RB, 128), lambda i: (i, 0)),
        out_shape=jax.ShapeDtypeStruct((N, 128), jnp.float32),
    )(features, w0, degp)


def _mid(p, degp, b, g, bn, w, kout):
    return pl.pallas_call(
        _mid_body,
        grid=(N // RB,),
        in_specs=[
            pl.BlockSpec((NC, RB, 128), lambda i: (0, i, 0)),
            pl.BlockSpec((NC, RB, 128), lambda i: (0, i, 0)),
            pl.BlockSpec((1, 128), lambda i: (0, 0)),
            pl.BlockSpec((1, 128), lambda i: (0, 0)),
            pl.BlockSpec((1, 128), lambda i: (0, 0)),
            pl.BlockSpec((128, kout), lambda i: (0, 0)),
        ],
        out_specs=pl.BlockSpec((RB, kout), lambda i: (i, 0)),
        out_shape=jax.ShapeDtypeStruct((N, kout), jnp.float32),
    )(p, degp, b, g, bn, w)


def _final(p, degp, b):
    return pl.pallas_call(
        _final_body,
        grid=(N // RB,),
        in_specs=[
            pl.BlockSpec((NC, RB, 128), lambda i: (0, i, 0)),
            pl.BlockSpec((NC, RB, 128), lambda i: (0, i, 0)),
            pl.BlockSpec((1, 64), lambda i: (0, 0)),
        ],
        out_specs=pl.BlockSpec((RB, 64), lambda i: (i, 0)),
        out_shape=jax.ShapeDtypeStruct((N, 64), jnp.float32),
    )(p, degp, b)



def kernel(features, edge_index, W0, b0, W1, b1, W2, b2,
           ln0_g, ln0_b, ln1_g, ln1_b):
    pad = E_PAD - E
    srcp = jnp.concatenate([edge_index[0],
                            jnp.arange(pad, dtype=jnp.int32) % N])
    dstp = jnp.concatenate([edge_index[1], jnp.full((pad,), N, jnp.int32)])
    src4 = srcp.reshape(NW, NQ, QN, B)
    dst4 = dstp.reshape(NW, NQ, QN, B)
    dst3 = dstp.reshape(NW, NBATCH, B)
    src, dst = src4, dst4
    zeros128 = jnp.zeros((N_PAD, 128), jnp.float32)
    ones128 = jnp.ones((B, 128), jnp.float32)
    w2p = jnp.concatenate([W2, jnp.zeros((128, 64), jnp.float32)], axis=1)

    degp = _deg(dst3, ones128, zeros128)
    z0 = _dense0(features, W0, degp)
    p0 = _spmm128(z0, src, dst, zeros128)
    z1 = _mid(p0, degp, b0.reshape(1, -1), ln0_g.reshape(1, -1),
              ln0_b.reshape(1, -1), W1, 128)
    p1 = _spmm128(z1, src, dst, zeros128)
    z2 = _mid(p1, degp, b1.reshape(1, -1), ln1_g.reshape(1, -1),
              ln1_b.reshape(1, -1), w2p, 128)
    p2 = _spmm128(z2, src, dst, zeros128)
    return _final(p2, degp, b2.reshape(1, -1))

# --- scband reference (transcript-rebuilt; emitter-appended) ---
"""Pipeline reference for scband-gcn-bcsr-29918742184457 (READ-ONLY COPY).

The authoritative reference and input builder live on the scoring server;
editing this copy changes nothing except your own understanding.
"""

import jax, jax.numpy as jnp
import numpy as np

N = 10000
E = 320000
D = 128
H = 128
C = 64


def setup_inputs(seed: int = 0) -> dict:
    key = jax.random.key(seed)
    ks = jax.random.split(key, 12)
    features = jax.random.normal(ks[0], (N, D), dtype=jnp.float32)
    edge_index = jax.random.randint(ks[1], (2, E), 0, N, dtype=jnp.int32)
    # GCN layer weights (Glorot-style scale)
    W0 = jax.random.normal(ks[2], (D, H), dtype=jnp.float32) * (1.0 / np.sqrt(D))
    b0 = jnp.zeros((H,), dtype=jnp.float32)
    W1 = jax.random.normal(ks[3], (H, H), dtype=jnp.float32) * (1.0 / np.sqrt(H))
    b1 = jnp.zeros((H,), dtype=jnp.float32)
    W2 = jax.random.normal(ks[4], (H, C), dtype=jnp.float32) * (1.0 / np.sqrt(H))
    b2 = jnp.zeros((C,), dtype=jnp.float32)
    # LayerNorm params (num_layers - 1 = 2 norms, all on hidden_size)
    ln0_g = jnp.ones((H,), dtype=jnp.float32)
    ln0_b = jnp.zeros((H,), dtype=jnp.float32)
    ln1_g = jnp.ones((H,), dtype=jnp.float32)
    ln1_b = jnp.zeros((H,), dtype=jnp.float32)
    return {
        "features": features, "edge_index": edge_index,
        "W0": W0, "b0": b0, "W1": W1, "b1": b1, "W2": W2, "b2": b2,
        "ln0_g": ln0_g, "ln0_b": ln0_b, "ln1_g": ln1_g, "ln1_b": ln1_b,
    }


def _layer_norm(x, g, b, eps=1e-5):
    mu = jnp.mean(x, axis=-1, keepdims=True)
    var = jnp.var(x, axis=-1, keepdims=True)
    return (x - mu) / jnp.sqrt(var + eps) * g + b


def reference(features, edge_index, W0, b0, W1, b1, W2, b2, ln0_g, ln0_b, ln1_g, ln1_b):
    src = edge_index[0]
    dst = edge_index[1]
    # symmetric degree normalization D^{-1/2} A D^{-1/2} (in-degree, clamped >= 1)
    deg = jax.ops.segment_sum(jnp.ones((E,), dtype=jnp.float32), dst, num_segments=N)
    deg = jnp.maximum(deg, 1.0)
    dinv = jax.lax.rsqrt(deg)

    def conv(h, W, b):
        m = (h * dinv[:, None])[src]                      # gather from src nodes
        agg = jax.ops.segment_sum(m, dst, num_segments=N) # scatter-add to dst nodes
        agg = agg * dinv[:, None]
        return agg @ W + b

    # layer 0: in_feats -> hidden
    h = conv(features, W0, b0)
    h = jax.nn.relu(h)
    h = _layer_norm(h, ln0_g, ln0_b)
    # layer 1: hidden -> hidden
    h = conv(h, W1, b1)
    h = jax.nn.relu(h)
    h = _layer_norm(h, ln1_g, ln1_b)
    # layer 2 (output): hidden -> num_classes, no activation/norm
    h = conv(h, W2, b2)
    return h

if __name__ == "__main__":
    import jax
    _d = setup_inputs()
    print(jax.jit(kernel)(*tuple(_d.values())))

</pallas_src>

<mosaic_0001>
#map = affine_map<(d0, d1) -> (0, 0)>
#map1 = affine_map<(d0, d1) -> (0, 0, 0, 0)>
#map2 = affine_map<(d0, d1) -> (0, 0, 0)>
module attributes {stable_mosaic.version = 14 : i64} {
  func.func @spmm(%arg0: i32, %arg1: i32, %arg2: memref<10000x128xf32, #tpu.memory_space<hbm>>, %arg3: memref<32x4x20x128xi32, #tpu.memory_space<hbm>>, %arg4: memref<32x4x20x128xi32, #tpu.memory_space<hbm>>, %arg5: memref<10112x128xf32, #tpu.memory_space<hbm>>, %arg6: memref<2x10112x128xf32, #tpu.memory_space<hbm>>, %arg7: memref<20x128xi32, #tpu.memory_space<vmem>>, %arg8: memref<20x128xi32, #tpu.memory_space<vmem>>, %arg9: memref<128x128xf32, #tpu.memory_space<vmem>>, %arg10: memref<128x128xf32, #tpu.memory_space<vmem>>, %arg11: memref<10112x128xf32, #tpu.memory_space<vmem_shared>>, %arg12: memref<!tpu.dma_semaphore, #tpu.memory_space<semaphore_mem>>, %arg13: memref<!tpu.dma_semaphore, #tpu.memory_space<semaphore_mem>>) attributes {dimension_semantics = [#tpu.dimension_semantics<core_parallel>, #tpu.dimension_semantics<subcore_parallel>], iteration_bounds = array<i64: 2, 16>, scalar_prefetch = 0 : i64, scratch_operands = 7 : i64, tpu.core_type = #tpu.core_type<sc_vector_subcore>, window_params = [{transform_indices = #map}, {transform_indices = #map1}, {transform_indices = #map1}, {transform_indices = #map}, {transform_indices = #map2}]} {
    %mul3A = arith.constant 2 : i32
    %mul3A_0 = arith.muli %arg1, %mul3A : i32
    %add3A = arith.addi %mul3A_0, %arg0 : i32
    %mul3A_1 = arith.constant 632 : i32
    %mul3A_2 = arith.muli %arg1, %mul3A_1 : i32
    %mul3A_3 = arith.constant 632 : i32
    %mul3A_4 = arith.muli %arg1, %mul3A_3 : i32
    "tpu.region"() ({
      %run_scoped3A = tpu.sem_alloc : memref<!tpu.dma_semaphore, #tpu.memory_space<semaphore_mem>>
      %dma_start3A = arith.constant 0 : i32
      %dma_start3A_15 = tpu.memref_slice %arg11[%mul3A_4, %dma_start3A] : memref<10112x128xf32, #tpu.memory_space<vmem_shared>> -> memref<632x128xf32, #tpu.memory_space<vmem_shared>>
      %dma_start3A_16 = arith.constant 0 : i32
      %dma_start3A_17 = tpu.memref_slice %arg5[%mul3A_2, %dma_start3A_16] : memref<10112x128xf32, #tpu.memory_space<hbm>> -> memref<632x128xf32, #tpu.memory_space<hbm>>
      tpu.enqueue_dma source(%dma_start3A_17 : memref<632x128xf32, #tpu.memory_space<hbm>>) target(%dma_start3A_15 : memref<632x128xf32, #tpu.memory_space<vmem_shared>>) target_semaphore(%run_scoped3A : memref<!tpu.dma_semaphore, #tpu.memory_space<semaphore_mem>>)
      %dma_wait3A = arith.constant 0 : i32
      %dma_wait3A_18 = tpu.memref_slice %arg11[%mul3A_4, %dma_wait3A] : memref<10112x128xf32, #tpu.memory_space<vmem_shared>> -> memref<632x128xf32, #tpu.memory_space<vmem_shared>>
      %dma_wait3A_19 = arith.constant 0 : i32
      %dma_wait3A_20 = tpu.memref_slice %arg5[%mul3A_2, %dma_wait3A_19] : memref<10112x128xf32, #tpu.memory_space<hbm>> -> memref<632x128xf32, #tpu.memory_space<hbm>>
      tpu.wait_dma2 semaphore(%run_scoped3A : memref<!tpu.dma_semaphore, #tpu.memory_space<semaphore_mem>>) src(%dma_wait3A_20 : memref<632x128xf32, #tpu.memory_space<hbm>>) dst(%dma_wait3A_18 : memref<632x128xf32, #tpu.memory_space<vmem_shared>>)
      tpu.yield
    }) : () -> ()
    %barrier3A = arith.constant 0 : index
    tpu.barrier barrier_id(%barrier3A)
    %scan3A = arith.constant 0 : i32
    %scan3A_5 = arith.constant 0 : i32
    %scan3A_6 = arith.constant 4 : i32
    %scan3A_7 = arith.addi %scan3A_5, %scan3A_6 : i32
    %scan3A_8 = arith.constant 1 : i32
    scf.for %scan3A_15 = %scan3A_5 to %scan3A_7 step %scan3A_8  : i32 {
      "tpu.region"() ({
        %run_scoped3A = tpu.sem_alloc : memref<!tpu.dma_semaphore, #tpu.memory_space<semaphore_mem>>
        %dma_start3A_28 = arith.constant 0 : i32
        %dma_start3A_29 = arith.constant 0 : i32
        %dma_start3A_30 = tpu.memref_slice %arg3[%add3A, %scan3A_15, %dma_start3A_28, %dma_start3A_29] : memref<32x4x20x128xi32, #tpu.memory_space<hbm>> -> memref<1x1x20x128xi32, #tpu.memory_space<hbm>>
        %dma_start3A_31 = tpu.memref_squeeze %dma_start3A_30 : memref<1x1x20x128xi32, #tpu.memory_space<hbm>> -> memref<20x128xi32, #tpu.memory_space<hbm>>
        %dma_start3A_32 = arith.constant 0 : i32
        %dma_start3A_33 = arith.constant 0 : i32
        %dma_start3A_34 = tpu.memref_slice %arg3[%add3A, %scan3A_15, %dma_start3A_32, %dma_start3A_33] : memref<32x4x20x128xi32, #tpu.memory_space<hbm>> -> memref<1x1x20x128xi32, #tpu.memory_space<hbm>>
        %dma_start3A_35 = tpu.memref_squeeze %dma_start3A_34 : memref<1x1x20x128xi32, #tpu.memory_space<hbm>> -> memref<20x128xi32, #tpu.memory_space<hbm>>
        tpu.enqueue_dma source(%dma_start3A_35 : memref<20x128xi32, #tpu.memory_space<hbm>>) target(%arg7 : memref<20x128xi32, #tpu.memory_space<vmem>>) target_semaphore(%run_scoped3A : memref<!tpu.dma_semaphore, #tpu.memory_space<semaphore_mem>>)
        %dma_wait3A = arith.constant 0 : i32
        %dma_wait3A_36 = arith.constant 0 : i32
        %dma_wait3A_37 = tpu.memref_slice %arg3[%add3A, %scan3A_15, %dma_wait3A, %dma_wait3A_36] : memref<32x4x20x128xi32, #tpu.memory_space<hbm>> -> memref<1x1x20x128xi32, #tpu.memory_space<hbm>>
        %dma_wait3A_38 = tpu.memref_squeeze %dma_wait3A_37 : memref<1x1x20x128xi32, #tpu.memory_space<hbm>> -> memref<20x128xi32, #tpu.memory_space<hbm>>
        %dma_wait3A_39 = arith.constant 0 : i32
        %dma_wait3A_40 = arith.constant 0 : i32
        %dma_wait3A_41 = tpu.memref_slice %arg3[%add3A, %scan3A_15, %dma_wait3A_39, %dma_wait3A_40] : memref<32x4x20x128xi32, #tpu.memory_space<hbm>> -> memref<1x1x20x128xi32, #tpu.memory_space<hbm>>
        %dma_wait3A_42 = tpu.memref_squeeze %dma_wait3A_41 : memref<1x1x20x128xi32, #tpu.memory_space<hbm>> -> memref<20x128xi32, #tpu.memory_space<hbm>>
        tpu.wait_dma2 semaphore(%run_scoped3A : memref<!tpu.dma_semaphore, #tpu.memory_space<semaphore_mem>>) src(%dma_wait3A_42 : memref<20x128xi32, #tpu.memory_space<hbm>>) dst(%arg7 : memref<20x128xi32, #tpu.memory_space<vmem>>)
        tpu.yield
      }) : () -> ()
      "tpu.region"() ({
        %run_scoped3A = tpu.sem_alloc : memref<!tpu.dma_semaphore, #tpu.memory_space<semaphore_mem>>
        %dma_start3A_28 = arith.constant 0 : i32
        %dma_start3A_29 = arith.constant 0 : i32
        %dma_start3A_30 = tpu.memref_slice %arg4[%add3A, %scan3A_15, %dma_start3A_28, %dma_start3A_29] : memref<32x4x20x128xi32, #tpu.memory_space<hbm>> -> memref<1x1x20x128xi32, #tpu.memory_space<hbm>>
        %dma_start3A_31 = tpu.memref_squeeze %dma_start3A_30 : memref<1x1x20x128xi32, #tpu.memory_space<hbm>> -> memref<20x128xi32, #tpu.memory_space<hbm>>
        %dma_start3A_32 = arith.constant 0 : i32
        %dma_start3A_33 = arith.constant 0 : i32
        %dma_start3A_34 = tpu.memref_slice %arg4[%add3A, %scan3A_15, %dma_start3A_32, %dma_start3A_33] : memref<32x4x20x128xi32, #tpu.memory_space<hbm>> -> memref<1x1x20x128xi32, #tpu.memory_space<hbm>>
        %dma_start3A_35 = tpu.memref_squeeze %dma_start3A_34 : memref<1x1x20x128xi32, #tpu.memory_space<hbm>> -> memref<20x128xi32, #tpu.memory_space<hbm>>
        tpu.enqueue_dma source(%dma_start3A_35 : memref<20x128xi32, #tpu.memory_space<hbm>>) target(%arg8 : memref<20x128xi32, #tpu.memory_space<vmem>>) target_semaphore(%run_scoped3A : memref<!tpu.dma_semaphore, #tpu.memory_space<semaphore_mem>>)
        %dma_wait3A = arith.constant 0 : i32
        %dma_wait3A_36 = arith.constant 0 : i32
        %dma_wait3A_37 = tpu.memref_slice %arg4[%add3A, %scan3A_15, %dma_wait3A, %dma_wait3A_36] : memref<32x4x20x128xi32, #tpu.memory_space<hbm>> -> memref<1x1x20x128xi32, #tpu.memory_space<hbm>>
        %dma_wait3A_38 = tpu.memref_squeeze %dma_wait3A_37 : memref<1x1x20x128xi32, #tpu.memory_space<hbm>> -> memref<20x128xi32, #tpu.memory_space<hbm>>
        %dma_wait3A_39 = arith.constant 0 : i32
        %dma_wait3A_40 = arith.constant 0 : i32
        %dma_wait3A_41 = tpu.memref_slice %arg4[%add3A, %scan3A_15, %dma_wait3A_39, %dma_wait3A_40] : memref<32x4x20x128xi32, #tpu.memory_space<hbm>> -> memref<1x1x20x128xi32, #tpu.memory_space<hbm>>
        %dma_wait3A_42 = tpu.memref_squeeze %dma_wait3A_41 : memref<1x1x20x128xi32, #tpu.memory_space<hbm>> -> memref<20x128xi32, #tpu.memory_space<hbm>>
        tpu.wait_dma2 semaphore(%run_scoped3A : memref<!tpu.dma_semaphore, #tpu.memory_space<semaphore_mem>>) src(%dma_wait3A_42 : memref<20x128xi32, #tpu.memory_space<hbm>>) dst(%arg8 : memref<20x128xi32, #tpu.memory_space<vmem>>)
        tpu.yield
      }) : () -> ()
      %dma_start3A = arith.constant 0 : i32
      %dma_start3A_16 = arith.constant 0 : i32
      %dma_start3A_17 = tpu.memref_slice %arg7[%dma_start3A, %dma_start3A_16] : memref<20x128xi32, #tpu.memory_space<vmem>> -> memref<1x128xi32, #tpu.memory_space<vmem>>
      %dma_start3A_18 = tpu.memref_squeeze %dma_start3A_17 : memref<1x128xi32, #tpu.memory_space<vmem>> -> memref<128xi32, #tpu.memory_space<vmem>>
      %dma_start3A_19 = arith.constant 0 : i32
      %dma_start3A_20 = arith.constant 0 : i32
      %dma_start3A_21 = tpu.memref_slice %arg2[%dma_start3A_19, %dma_start3A_20] : memref<10000x128xf32, #tpu.memory_space<hbm>> -> memref<10000x128xf32, #tpu.memory_space<hbm>>
      tpu.enqueue_indirect_dma source(%dma_start3A_21 : memref<10000x128xf32, #tpu.memory_space<hbm>>) target(%arg9 : memref<128x128xf32, #tpu.memory_space<vmem>>) offsets(%dma_start3A_18 : memref<128xi32, #tpu.memory_space<vmem>>) semaphore(%arg12 : memref<!tpu.dma_semaphore, #tpu.memory_space<semaphore_mem>>)
      %scan3A_22 = arith.constant 0 : i32
      %scan3A_23 = arith.constant 0 : i32
      %scan3A_24 = arith.constant 10 : i32
      %scan3A_25 = arith.addi %scan3A_23, %scan3A_24 : i32
      %scan3A_26 = arith.constant 1 : i32
      scf.for %scan3A_28 = %scan3A_23 to %scan3A_25 step %scan3A_26  : i32 {
        %mul3A_29 = arith.constant 2 : i32
        %mul3A_30 = arith.muli %mul3A_29, %scan3A_28 : i32
        %add3A_31 = arith.constant 1 : i32
        %add3A_32 = arith.addi %mul3A_30, %add3A_31 : i32
        %dma_start3A_33 = arith.constant 0 : i32
        %dma_start3A_34 = tpu.memref_slice %arg7[%add3A_32, %dma_start3A_33] : memref<20x128xi32, #tpu.memory_space<vmem>> -> memref<1x128xi32, #tpu.memory_space<vmem>>
        %dma_start3A_35 = tpu.memref_squeeze %dma_start3A_34 : memref<1x128xi32, #tpu.memory_space<vmem>> -> memref<128xi32, #tpu.memory_space<vmem>>
        %dma_start3A_36 = arith.constant 0 : i32
        %dma_start3A_37 = arith.constant 0 : i32
        %dma_start3A_38 = tpu.memref_slice %arg2[%dma_start3A_36, %dma_start3A_37] : memref<10000x128xf32, #tpu.memory_space<hbm>> -> memref<10000x128xf32, #tpu.memory_space<hbm>>
        tpu.enqueue_indirect_dma source(%dma_start3A_38 : memref<10000x128xf32, #tpu.memory_space<hbm>>) target(%arg10 : memref<128x128xf32, #tpu.memory_space<vmem>>) offsets(%dma_start3A_35 : memref<128xi32, #tpu.memory_space<vmem>>) semaphore(%arg13 : memref<!tpu.dma_semaphore, #tpu.memory_space<semaphore_mem>>)
        %dma_wait3A = arith.constant 0 : i32
        %dma_wait3A_39 = tpu.memref_slice %arg7[%mul3A_30, %dma_wait3A] : memref<20x128xi32, #tpu.memory_space<vmem>> -> memref<1x128xi32, #tpu.memory_space<vmem>>
        %dma_wait3A_40 = tpu.memref_squeeze %dma_wait3A_39 : memref<1x128xi32, #tpu.memory_space<vmem>> -> memref<128xi32, #tpu.memory_space<vmem>>
        %dma_wait3A_41 = arith.constant 0 : i32
        %dma_wait3A_42 = arith.constant 0 : i32
        %dma_wait3A_43 = tpu.memref_slice %arg2[%dma_wait3A_41, %dma_wait3A_42] : memref<10000x128xf32, #tpu.memory_space<hbm>> -> memref<10000x128xf32, #tpu.memory_space<hbm>>
        tpu.wait_indirect_dma semaphore(%arg12 : memref<!tpu.dma_semaphore, #tpu.memory_space<semaphore_mem>>) src(%dma_wait3A_43 : memref<10000x128xf32, #tpu.memory_space<hbm>>) dst(%arg9 : memref<128x128xf32, #tpu.memory_space<vmem>>)
        "tpu.region"() ({
          %run_scoped3A = tpu.sem_alloc : memref<!tpu.dma_semaphore, #tpu.memory_space<semaphore_mem>>
          %dma_start3A_56 = arith.constant 0 : i32
          %dma_start3A_57 = tpu.memref_slice %arg8[%mul3A_30, %dma_start3A_56] : memref<20x128xi32, #tpu.memory_space<vmem>> -> memref<1x128xi32, #tpu.memory_space<vmem>>
          %dma_start3A_58 = tpu.memref_squeeze %dma_start3A_57 : memref<1x128xi32, #tpu.memory_space<vmem>> -> memref<128xi32, #tpu.memory_space<vmem>>
          %dma_start3A_59 = arith.constant 0 : i32
          %dma_start3A_60 = arith.constant 0 : i32
          %dma_start3A_61 = tpu.memref_slice %arg11[%dma_start3A_59, %dma_start3A_60] : memref<10112x128xf32, #tpu.memory_space<vmem_shared>> -> memref<10112x128xf32, #tpu.memory_space<vmem_shared>>
          tpu.enqueue_indirect_dma source(%arg9 : memref<128x128xf32, #tpu.memory_space<vmem>>) target(%dma_start3A_61 : memref<10112x128xf32, #tpu.memory_space<vmem_shared>>) offsets(%dma_start3A_58 : memref<128xi32, #tpu.memory_space<vmem>>) semaphore(%run_scoped3A : memref<!tpu.dma_semaphore, #tpu.memory_space<semaphore_mem>>) {add = true}
          %dma_wait3A_62 = arith.constant 0 : i32
          %dma_wait3A_63 = tpu.memref_slice %arg8[%mul3A_30, %dma_wait3A_62] : memref<20x128xi32, #tpu.memory_space<vmem>> -> memref<1x128xi32, #tpu.memory_space<vmem>>
          %dma_wait3A_64 = tpu.memref_squeeze %dma_wait3A_63 : memref<1x128xi32, #tpu.memory_space<vmem>> -> memref<128xi32, #tpu.memory_space<vmem>>
          %dma_wait3A_65 = arith.constant 0 : i32
          %dma_wait3A_66 = arith.constant 0 : i32
          %dma_wait3A_67 = tpu.memref_slice %arg11[%dma_wait3A_65, %dma_wait3A_66] : memref<10112x128xf32, #tpu.memory_space<vmem_shared>> -> memref<10112x128xf32, #tpu.memory_space<vmem_shared>>
          tpu.wait_indirect_dma semaphore(%run_scoped3A : memref<!tpu.dma_semaphore, #tpu.memory_space<semaphore_mem>>) src(%arg9 : memref<128x128xf32, #tpu.memory_space<vmem>>) dst(%dma_wait3A_67 : memref<10112x128xf32, #tpu.memory_space<vmem_shared>>)
          tpu.yield
        }) : () -> ()
        %add3A_44 = arith.constant 2 : i32
        %add3A_45 = arith.addi %mul3A_30, %add3A_44 : i32
        %lt3A = arith.constant 20 : i32
        %lt3A_46 = arith.cmpi slt, %add3A_45, %lt3A : i32
        %convert_element_type3A = arith.extui %lt3A_46 : i1 to i32
        %cond3A = arith.constant 0 : i32
        %cond3A_47 = arith.cmpi ne, %convert_element_type3A, %cond3A : i32
        scf.if %cond3A_47 {
          %add3A_56 = arith.constant 2 : i32
          %add3A_57 = arith.addi %mul3A_30, %add3A_56 : i32
          %dma_start3A_58 = arith.constant 0 : i32
          %dma_start3A_59 = tpu.memref_slice %arg7[%add3A_57, %dma_start3A_58] : memref<20x128xi32, #tpu.memory_space<vmem>> -> memref<1x128xi32, #tpu.memory_space<vmem>>
          %dma_start3A_60 = tpu.memref_squeeze %dma_start3A_59 : memref<1x128xi32, #tpu.memory_space<vmem>> -> memref<128xi32, #tpu.memory_space<vmem>>
          %dma_start3A_61 = arith.constant 0 : i32
          %dma_start3A_62 = arith.constant 0 : i32
          %dma_start3A_63 = tpu.memref_slice %arg2[%dma_start3A_61, %dma_start3A_62] : memref<10000x128xf32, #tpu.memory_space<hbm>> -> memref<10000x128xf32, #tpu.memory_space<hbm>>
          tpu.enqueue_indirect_dma source(%dma_start3A_63 : memref<10000x128xf32, #tpu.memory_space<hbm>>) target(%arg9 : memref<128x128xf32, #tpu.memory_space<vmem>>) offsets(%dma_start3A_60 : memref<128xi32, #tpu.memory_space<vmem>>) semaphore(%arg12 : memref<!tpu.dma_semaphore, #tpu.memory_space<semaphore_mem>>)
        } else {
        }
        %dma_wait3A_48 = arith.constant 0 : i32
        %dma_wait3A_49 = tpu.memref_slice %arg7[%add3A_32, %dma_wait3A_48] : memref<20x128xi32, #tpu.memory_space<vmem>> -> memref<1x128xi32, #tpu.memory_space<vmem>>
        %dma_wait3A_50 = tpu.memref_squeeze %dma_wait3A_49 : memref<1x128xi32, #tpu.memory_space<vmem>> -> memref<128xi32, #tpu.memory_space<vmem>>
        %dma_wait3A_51 = arith.constant 0 : i32
        %dma_wait3A_52 = arith.constant 0 : i32
        %dma_wait3A_53 = tpu.memref_slice %arg2[%dma_wait3A_51, %dma_wait3A_52] : memref<10000x128xf32, #tpu.memory_space<hbm>> -> memref<10000x128xf32, #tpu.memory_space<hbm>>
        tpu.wait_indirect_dma semaphore(%arg13 : memref<!tpu.dma_semaphore, #tpu.memory_space<semaphore_mem>>) src(%dma_wait3A_53 : memref<10000x128xf32, #tpu.memory_space<hbm>>) dst(%arg10 : memref<128x128xf32, #tpu.memory_space<vmem>>)
        %add3A_54 = arith.constant 1 : i32
        %add3A_55 = arith.addi %mul3A_30, %add3A_54 : i32
        "tpu.region"() ({
          %run_scoped3A = tpu.sem_alloc : memref<!tpu.dma_semaphore, #tpu.memory_space<semaphore_mem>>
          %dma_start3A_56 = arith.constant 0 : i32
          %dma_start3A_57 = tpu.memref_slice %arg8[%add3A_55, %dma_start3A_56] : memref<20x128xi32, #tpu.memory_space<vmem>> -> memref<1x128xi32, #tpu.memory_space<vmem>>
          %dma_start3A_58 = tpu.memref_squeeze %dma_start3A_57 : memref<1x128xi32, #tpu.memory_space<vmem>> -> memref<128xi32, #tpu.memory_space<vmem>>
          %dma_start3A_59 = arith.constant 0 : i32
          %dma_start3A_60 = arith.constant 0 : i32
          %dma_start3A_61 = tpu.memref_slice %arg11[%dma_start3A_59, %dma_start3A_60] : memref<10112x128xf32, #tpu.memory_space<vmem_shared>> -> memref<10112x128xf32, #tpu.memory_space<vmem_shared>>
          tpu.enqueue_indirect_dma source(%arg10 : memref<128x128xf32, #tpu.memory_space<vmem>>) target(%dma_start3A_61 : memref<10112x128xf32, #tpu.memory_space<vmem_shared>>) offsets(%dma_start3A_58 : memref<128xi32, #tpu.memory_space<vmem>>) semaphore(%run_scoped3A : memref<!tpu.dma_semaphore, #tpu.memory_space<semaphore_mem>>) {add = true}
          %dma_wait3A_62 = arith.constant 0 : i32
          %dma_wait3A_63 = tpu.memref_slice %arg8[%add3A_55, %dma_wait3A_62] : memref<20x128xi32, #tpu.memory_space<vmem>> -> memref<1x128xi32, #tpu.memory_space<vmem>>
          %dma_wait3A_64 = tpu.memref_squeeze %dma_wait3A_63 : memref<1x128xi32, #tpu.memory_space<vmem>> -> memref<128xi32, #tpu.memory_space<vmem>>
          %dma_wait3A_65 = arith.constant 0 : i32
          %dma_wait3A_66 = arith.constant 0 : i32
          %dma_wait3A_67 = tpu.memref_slice %arg11[%dma_wait3A_65, %dma_wait3A_66] : memref<10112x128xf32, #tpu.memory_space<vmem_shared>> -> memref<10112x128xf32, #tpu.memory_space<vmem_shared>>
          tpu.wait_indirect_dma semaphore(%run_scoped3A : memref<!tpu.dma_semaphore, #tpu.memory_space<semaphore_mem>>) src(%arg10 : memref<128x128xf32, #tpu.memory_space<vmem>>) dst(%dma_wait3A_67 : memref<10112x128xf32, #tpu.memory_space<vmem_shared>>)
          tpu.yield
        }) : () -> ()
      }
      %scan3A_27 = arith.constant 10 : i32
    }
    %scan3A_9 = arith.constant 4 : i32
    %barrier3A_10 = arith.constant 0 : index
    tpu.barrier barrier_id(%barrier3A_10)
    %mul3A_11 = arith.constant 632 : i32
    %mul3A_12 = arith.muli %arg1, %mul3A_11 : i32
    %mul3A_13 = arith.constant 632 : i32
    %mul3A_14 = arith.muli %arg1, %mul3A_13 : i32
    "tpu.region"() ({
      %run_scoped3A = tpu.sem_alloc : memref<!tpu.dma_semaphore, #tpu.memory_space<semaphore_mem>>
      %dma_start3A = arith.constant 0 : i32
      %dma_start3A_15 = tpu.memref_slice %arg6[%arg0, %mul3A_14, %dma_start3A] : memref<2x10112x128xf32, #tpu.memory_space<hbm>> -> memref<1x632x128xf32, #tpu.memory_space<hbm>>
      %dma_start3A_16 = tpu.memref_squeeze %dma_start3A_15 : memref<1x632x128xf32, #tpu.memory_space<hbm>> -> memref<632x128xf32, #tpu.memory_space<hbm>>
      %dma_start3A_17 = arith.constant 0 : i32
      %dma_start3A_18 = tpu.memref_slice %arg11[%mul3A_12, %dma_start3A_17] : memref<10112x128xf32, #tpu.memory_space<vmem_shared>> -> memref<632x128xf32, #tpu.memory_space<vmem_shared>>
      tpu.enqueue_dma source(%dma_start3A_18 : memref<632x128xf32, #tpu.memory_space<vmem_shared>>) target(%dma_start3A_16 : memref<632x128xf32, #tpu.memory_space<hbm>>) target_semaphore(%run_scoped3A : memref<!tpu.dma_semaphore, #tpu.memory_space<semaphore_mem>>)
      %dma_wait3A = arith.constant 0 : i32
      %dma_wait3A_19 = tpu.memref_slice %arg6[%arg0, %mul3A_14, %dma_wait3A] : memref<2x10112x128xf32, #tpu.memory_space<hbm>> -> memref<1x632x128xf32, #tpu.memory_space<hbm>>
      %dma_wait3A_20 = tpu.memref_squeeze %dma_wait3A_19 : memref<1x632x128xf32, #tpu.memory_space<hbm>> -> memref<632x128xf32, #tpu.memory_space<hbm>>
      %dma_wait3A_21 = arith.constant 0 : i32
      %dma_wait3A_22 = tpu.memref_slice %arg11[%mul3A_12, %dma_wait3A_21] : memref<10112x128xf32, #tpu.memory_space<vmem_shared>> -> memref<632x128xf32, #tpu.memory_space<vmem_shared>>
      tpu.wait_dma2 semaphore(%run_scoped3A : memref<!tpu.dma_semaphore, #tpu.memory_space<semaphore_mem>>) src(%dma_wait3A_22 : memref<632x128xf32, #tpu.memory_space<vmem_shared>>) dst(%dma_wait3A_20 : memref<632x128xf32, #tpu.memory_space<hbm>>)
      tpu.yield
    }) : () -> ()
    return
  }
}

#map = affine_map<(d0, d1) -> (0, 0)>
#map1 = affine_map<(d0, d1) -> (0, 0, 0, 0)>
#map2 = affine_map<(d0, d1) -> (0, 0, 0)>
module attributes {stable_mosaic.version = 14 : i64} {
  func.func @spmm(%arg0: i32, %arg1: i32, %arg2: memref<10000x128xf32, #tpu.memory_space<hbm>>, %arg3: memref<32x4x20x128xi32, #tpu.memory_space<hbm>>, %arg4: memref<32x4x20x128xi32, #tpu.memory_space<hbm>>, %arg5: memref<10112x128xf32, #tpu.memory_space<hbm>>, %arg6: memref<2x10112x128xf32, #tpu.memory_space<hbm>>, %arg7: memref<20x128xi32, #tpu.memory_space<vmem>>, %arg8: memref<20x128xi32, #tpu.memory_space<vmem>>, %arg9: memref<128x128xf32, #tpu.memory_space<vmem>>, %arg10: memref<128x128xf32, #tpu.memory_space<vmem>>, %arg11: memref<10112x128xf32, #tpu.memory_space<vmem_shared>>, %arg12: memref<!tpu.dma_semaphore, #tpu.memory_space<semaphore_mem>>, %arg13: memref<!tpu.dma_semaphore, #tpu.memory_space<semaphore_mem>>) attributes {dimension_semantics = [#tpu.dimension_semantics<core_parallel>, #tpu.dimension_semantics<subcore_parallel>], iteration_bounds = array<i64: 2, 16>, scalar_prefetch = 0 : i64, scratch_operands = 7 : i64, tpu.core_type = #tpu.core_type<sc_vector_subcore>, window_params = [{transform_indices = #map}, {transform_indices = #map1}, {transform_indices = #map1}, {transform_indices = #map}, {transform_indices = #map2}]} {
    %mul3A = arith.constant 2 : i32
    %mul3A_0 = arith.muli %arg1, %mul3A : i32
    %add3A = arith.addi %mul3A_0, %arg0 : i32
    %mul3A_1 = arith.constant 632 : i32
    %mul3A_2 = arith.muli %arg1, %mul3A_1 : i32
    %mul3A_3 = arith.constant 632 : i32
    %mul3A_4 = arith.muli %arg1, %mul3A_3 : i32
    "tpu.region"() ({
      %run_scoped3A = tpu.sem_alloc : memref<!tpu.dma_semaphore, #tpu.memory_space<semaphore_mem>>
      %dma_start3A = arith.constant 0 : i32
      %dma_start3A_15 = tpu.memref_slice %arg11[%mul3A_4, %dma_start3A] : memref<10112x128xf32, #tpu.memory_space<vmem_shared>> -> memref<632x128xf32, #tpu.memory_space<vmem_shared>>
      %dma_start3A_16 = arith.constant 0 : i32
      %dma_start3A_17 = tpu.memref_slice %arg5[%mul3A_2, %dma_start3A_16] : memref<10112x128xf32, #tpu.memory_space<hbm>> -> memref<632x128xf32, #tpu.memory_space<hbm>>
      tpu.enqueue_dma source(%dma_start3A_17 : memref<632x128xf32, #tpu.memory_space<hbm>>) target(%dma_start3A_15 : memref<632x128xf32, #tpu.memory_space<vmem_shared>>) target_semaphore(%run_scoped3A : memref<!tpu.dma_semaphore, #tpu.memory_space<semaphore_mem>>)
      %dma_wait3A = arith.constant 0 : i32
      %dma_wait3A_18 = tpu.memref_slice %arg11[%mul3A_4, %dma_wait3A] : memref<10112x128xf32, #tpu.memory_space<vmem_shared>> -> memref<632x128xf32, #tpu.memory_space<vmem_shared>>
      %dma_wait3A_19 = arith.constant 0 : i32
      %dma_wait3A_20 = tpu.memref_slice %arg5[%mul3A_2, %dma_wait3A_19] : memref<10112x128xf32, #tpu.memory_space<hbm>> -> memref<632x128xf32, #tpu.memory_space<hbm>>
      tpu.wait_dma2 semaphore(%run_scoped3A : memref<!tpu.dma_semaphore, #tpu.memory_space<semaphore_mem>>) src(%dma_wait3A_20 : memref<632x128xf32, #tpu.memory_space<hbm>>) dst(%dma_wait3A_18 : memref<632x128xf32, #tpu.memory_space<vmem_shared>>)
      tpu.yield
    }) : () -> ()
    %barrier3A = arith.constant 0 : index
    tpu.barrier barrier_id(%barrier3A)
    %scan3A = arith.constant 0 : i32
    %scan3A_5 = arith.constant 0 : i32
    %scan3A_6 = arith.constant 4 : i32
    %scan3A_7 = arith.addi %scan3A_5, %scan3A_6 : i32
    %scan3A_8 = arith.constant 1 : i32
    scf.for %scan3A_15 = %scan3A_5 to %scan3A_7 step %scan3A_8  : i32 {
      "tpu.region"() ({
        %run_scoped3A = tpu.sem_alloc : memref<!tpu.dma_semaphore, #tpu.memory_space<semaphore_mem>>
        %dma_start3A_28 = arith.constant 0 : i32
        %dma_start3A_29 = arith.constant 0 : i32
        %dma_start3A_30 = tpu.memref_slice %arg3[%add3A, %scan3A_15, %dma_start3A_28, %dma_start3A_29] : memref<32x4x20x128xi32, #tpu.memory_space<hbm>> -> memref<1x1x20x128xi32, #tpu.memory_space<hbm>>
        %dma_start3A_31 = tpu.memref_squeeze %dma_start3A_30 : memref<1x1x20x128xi32, #tpu.memory_space<hbm>> -> memref<20x128xi32, #tpu.memory_space<hbm>>
        %dma_start3A_32 = arith.constant 0 : i32
        %dma_start3A_33 = arith.constant 0 : i32
        %dma_start3A_34 = tpu.memref_slice %arg3[%add3A, %scan3A_15, %dma_start3A_32, %dma_start3A_33] : memref<32x4x20x128xi32, #tpu.memory_space<hbm>> -> memref<1x1x20x128xi32, #tpu.memory_space<hbm>>
        %dma_start3A_35 = tpu.memref_squeeze %dma_start3A_34 : memref<1x1x20x128xi32, #tpu.memory_space<hbm>> -> memref<20x128xi32, #tpu.memory_space<hbm>>
        tpu.enqueue_dma source(%dma_start3A_35 : memref<20x128xi32, #tpu.memory_space<hbm>>) target(%arg7 : memref<20x128xi32, #tpu.memory_space<vmem>>) target_semaphore(%run_scoped3A : memref<!tpu.dma_semaphore, #tpu.memory_space<semaphore_mem>>)
        %dma_wait3A = arith.constant 0 : i32
        %dma_wait3A_36 = arith.constant 0 : i32
        %dma_wait3A_37 = tpu.memref_slice %arg3[%add3A, %scan3A_15, %dma_wait3A, %dma_wait3A_36] : memref<32x4x20x128xi32, #tpu.memory_space<hbm>> -> memref<1x1x20x128xi32, #tpu.memory_space<hbm>>
        %dma_wait3A_38 = tpu.memref_squeeze %dma_wait3A_37 : memref<1x1x20x128xi32, #tpu.memory_space<hbm>> -> memref<20x128xi32, #tpu.memory_space<hbm>>
        %dma_wait3A_39 = arith.constant 0 : i32
        %dma_wait3A_40 = arith.constant 0 : i32
        %dma_wait3A_41 = tpu.memref_slice %arg3[%add3A, %scan3A_15, %dma_wait3A_39, %dma_wait3A_40] : memref<32x4x20x128xi32, #tpu.memory_space<hbm>> -> memref<1x1x20x128xi32, #tpu.memory_space<hbm>>
        %dma_wait3A_42 = tpu.memref_squeeze %dma_wait3A_41 : memref<1x1x20x128xi32, #tpu.memory_space<hbm>> -> memref<20x128xi32, #tpu.memory_space<hbm>>
        tpu.wait_dma2 semaphore(%run_scoped3A : memref<!tpu.dma_semaphore, #tpu.memory_space<semaphore_mem>>) src(%dma_wait3A_42 : memref<20x128xi32, #tpu.memory_space<hbm>>) dst(%arg7 : memref<20x128xi32, #tpu.memory_space<vmem>>)
        tpu.yield
      }) : () -> ()
      "tpu.region"() ({
        %run_scoped3A = tpu.sem_alloc : memref<!tpu.dma_semaphore, #tpu.memory_space<semaphore_mem>>
        %dma_start3A_28 = arith.constant 0 : i32
        %dma_start3A_29 = arith.constant 0 : i32
        %dma_start3A_30 = tpu.memref_slice %arg4[%add3A, %scan3A_15, %dma_start3A_28, %dma_start3A_29] : memref<32x4x20x128xi32, #tpu.memory_space<hbm>> -> memref<1x1x20x128xi32, #tpu.memory_space<hbm>>
        %dma_start3A_31 = tpu.memref_squeeze %dma_start3A_30 : memref<1x1x20x128xi32, #tpu.memory_space<hbm>> -> memref<20x128xi32, #tpu.memory_space<hbm>>
        %dma_start3A_32 = arith.constant 0 : i32
        %dma_start3A_33 = arith.constant 0 : i32
        %dma_start3A_34 = tpu.memref_slice %arg4[%add3A, %scan3A_15, %dma_start3A_32, %dma_start3A_33] : memref<32x4x20x128xi32, #tpu.memory_space<hbm>> -> memref<1x1x20x128xi32, #tpu.memory_space<hbm>>
        %dma_start3A_35 = tpu.memref_squeeze %dma_start3A_34 : memref<1x1x20x128xi32, #tpu.memory_space<hbm>> -> memref<20x128xi32, #tpu.memory_space<hbm>>
        tpu.enqueue_dma source(%dma_start3A_35 : memref<20x128xi32, #tpu.memory_space<hbm>>) target(%arg8 : memref<20x128xi32, #tpu.memory_space<vmem>>) target_semaphore(%run_scoped3A : memref<!tpu.dma_semaphore, #tpu.memory_space<semaphore_mem>>)
        %dma_wait3A = arith.constant 0 : i32
        %dma_wait3A_36 = arith.constant 0 : i32
        %dma_wait3A_37 = tpu.memref_slice %arg4[%add3A, %scan3A_15, %dma_wait3A, %dma_wait3A_36] : memref<32x4x20x128xi32, #tpu.memory_space<hbm>> -> memref<1x1x20x128xi32, #tpu.memory_space<hbm>>
        %dma_wait3A_38 = tpu.memref_squeeze %dma_wait3A_37 : memref<1x1x20x128xi32, #tpu.memory_space<hbm>> -> memref<20x128xi32, #tpu.memory_space<hbm>>
        %dma_wait3A_39 = arith.constant 0 : i32
        %dma_wait3A_40 = arith.constant 0 : i32
        %dma_wait3A_41 = tpu.memref_slice %arg4[%add3A, %scan3A_15, %dma_wait3A_39, %dma_wait3A_40] : memref<32x4x20x128xi32, #tpu.memory_space<hbm>> -> memref<1x1x20x128xi32, #tpu.memory_space<hbm>>
        %dma_wait3A_42 = tpu.memref_squeeze %dma_wait3A_41 : memref<1x1x20x128xi32, #tpu.memory_space<hbm>> -> memref<20x128xi32, #tpu.memory_space<hbm>>
        tpu.wait_dma2 semaphore(%run_scoped3A : memref<!tpu.dma_semaphore, #tpu.memory_space<semaphore_mem>>) src(%dma_wait3A_42 : memref<20x128xi32, #tpu.memory_space<hbm>>) dst(%arg8 : memref<20x128xi32, #tpu.memory_space<vmem>>)
        tpu.yield
      }) : () -> ()
      %dma_start3A = arith.constant 0 : i32
      %dma_start3A_16 = arith.constant 0 : i32
      %dma_start3A_17 = tpu.memref_slice %arg7[%dma_start3A, %dma_start3A_16] : memref<20x128xi32, #tpu.memory_space<vmem>> -> memref<1x128xi32, #tpu.memory_space<vmem>>
      %dma_start3A_18 = tpu.memref_squeeze %dma_start3A_17 : memref<1x128xi32, #tpu.memory_space<vmem>> -> memref<128xi32, #tpu.memory_space<vmem>>
      %dma_start3A_19 = arith.constant 0 : i32
      %dma_start3A_20 = arith.constant 0 : i32
      %dma_start3A_21 = tpu.memref_slice %arg2[%dma_start3A_19, %dma_start3A_20] : memref<10000x128xf32, #tpu.memory_space<hbm>> -> memref<10000x128xf32, #tpu.memory_space<hbm>>
      tpu.enqueue_indirect_dma source(%dma_start3A_21 : memref<10000x128xf32, #tpu.memory_space<hbm>>) target(%arg9 : memref<128x128xf32, #tpu.memory_space<vmem>>) offsets(%dma_start3A_18 : memref<128xi32, #tpu.memory_space<vmem>>) semaphore(%arg12 : memref<!tpu.dma_semaphore, #tpu.memory_space<semaphore_mem>>)
      %scan3A_22 = arith.constant 0 : i32
      %scan3A_23 = arith.constant 0 : i32
      %scan3A_24 = arith.constant 10 : i32
      %scan3A_25 = arith.addi %scan3A_23, %scan3A_24 : i32
      %scan3A_26 = arith.constant 1 : i32
      scf.for %scan3A_28 = %scan3A_23 to %scan3A_25 step %scan3A_26  : i32 {
        %mul3A_29 = arith.constant 2 : i32
        %mul3A_30 = arith.muli %mul3A_29, %scan3A_28 : i32
        %add3A_31 = arith.constant 1 : i32
        %add3A_32 = arith.addi %mul3A_30, %add3A_31 : i32
        %dma_start3A_33 = arith.constant 0 : i32
        %dma_start3A_34 = tpu.memref_slice %arg7[%add3A_32, %dma_start3A_33] : memref<20x128xi32, #tpu.memory_space<vmem>> -> memref<1x128xi32, #tpu.memory_space<vmem>>
        %dma_start3A_35 = tpu.memref_squeeze %dma_start3A_34 : memref<1x128xi32, #tpu.memory_space<vmem>> -> memref<128xi32, #tpu.memory_space<vmem>>
        %dma_start3A_36 = arith.constant 0 : i32
        %dma_start3A_37 = arith.constant 0 : i32
        %dma_start3A_38 = tpu.memref_slice %arg2[%dma_start3A_36, %dma_start3A_37] : memref<10000x128xf32, #tpu.memory_space<hbm>> -> memref<10000x128xf32, #tpu.memory_space<hbm>>
        tpu.enqueue_indirect_dma source(%dma_start3A_38 : memref<10000x128xf32, #tpu.memory_space<hbm>>) target(%arg10 : memref<128x128xf32, #tpu.memory_space<vmem>>) offsets(%dma_start3A_35 : memref<128xi32, #tpu.memory_space<vmem>>) semaphore(%arg13 : memref<!tpu.dma_semaphore, #tpu.memory_space<semaphore_mem>>)
        %dma_wait3A = arith.constant 0 : i32
        %dma_wait3A_39 = tpu.memref_slice %arg7[%mul3A_30, %dma_wait3A] : memref<20x128xi32, #tpu.memory_space<vmem>> -> memref<1x128xi32, #tpu.memory_space<vmem>>
        %dma_wait3A_40 = tpu.memref_squeeze %dma_wait3A_39 : memref<1x128xi32, #tpu.memory_space<vmem>> -> memref<128xi32, #tpu.memory_space<vmem>>
        %dma_wait3A_41 = arith.constant 0 : i32
        %dma_wait3A_42 = arith.constant 0 : i32
        %dma_wait3A_43 = tpu.memref_slice %arg2[%dma_wait3A_41, %dma_wait3A_42] : memref<10000x128xf32, #tpu.memory_space<hbm>> -> memref<10000x128xf32, #tpu.memory_space<hbm>>
        tpu.wait_indirect_dma semaphore(%arg12 : memref<!tpu.dma_semaphore, #tpu.memory_space<semaphore_mem>>) src(%dma_wait3A_43 : memref<10000x128xf32, #tpu.memory_space<hbm>>) dst(%arg9 : memref<128x128xf32, #tpu.memory_space<vmem>>)
        "tpu.region"() ({
          %run_scoped3A = tpu.sem_alloc : memref<!tpu.dma_semaphore, #tpu.memory_space<semaphore_mem>>
          %dma_start3A_56 = arith.constant 0 : i32
          %dma_start3A_57 = tpu.memref_slice %arg8[%mul3A_30, %dma_start3A_56] : memref<20x128xi32, #tpu.memory_space<vmem>> -> memref<1x128xi32, #tpu.memory_space<vmem>>
          %dma_start3A_58 = tpu.memref_squeeze %dma_start3A_57 : memref<1x128xi32, #tpu.memory_space<vmem>> -> memref<128xi32, #tpu.memory_space<vmem>>
          %dma_start3A_59 = arith.constant 0 : i32
          %dma_start3A_60 = arith.constant 0 : i32
          %dma_start3A_61 = tpu.memref_slice %arg11[%dma_start3A_59, %dma_start3A_60] : memref<10112x128xf32, #tpu.memory_space<vmem_shared>> -> memref<10112x128xf32, #tpu.memory_space<vmem_shared>>
          tpu.enqueue_indirect_dma source(%arg9 : memref<128x128xf32, #tpu.memory_space<vmem>>) target(%dma_start3A_61 : memref<10112x128xf32, #tpu.memory_space<vmem_shared>>) offsets(%dma_start3A_58 : memref<128xi32, #tpu.memory_space<vmem>>) semaphore(%run_scoped3A : memref<!tpu.dma_semaphore, #tpu.memory_space<semaphore_mem>>) {add = true}
          %dma_wait3A_62 = arith.constant 0 : i32
          %dma_wait3A_63 = tpu.memref_slice %arg8[%mul3A_30, %dma_wait3A_62] : memref<20x128xi32, #tpu.memory_space<vmem>> -> memref<1x128xi32, #tpu.memory_space<vmem>>
          %dma_wait3A_64 = tpu.memref_squeeze %dma_wait3A_63 : memref<1x128xi32, #tpu.memory_space<vmem>> -> memref<128xi32, #tpu.memory_space<vmem>>
          %dma_wait3A_65 = arith.constant 0 : i32
          %dma_wait3A_66 = arith.constant 0 : i32
          %dma_wait3A_67 = tpu.memref_slice %arg11[%dma_wait3A_65, %dma_wait3A_66] : memref<10112x128xf32, #tpu.memory_space<vmem_shared>> -> memref<10112x128xf32, #tpu.memory_space<vmem_shared>>
          tpu.wait_indirect_dma semaphore(%run_scoped3A : memref<!tpu.dma_semaphore, #tpu.memory_space<semaphore_mem>>) src(%arg9 : memref<128x128xf32, #tpu.memory_space<vmem>>) dst(%dma_wait3A_67 : memref<10112x128xf32, #tpu.memory_space<vmem_shared>>)
          tpu.yield
        }) : () -> ()
        %add3A_44 = arith.constant 2 : i32
        %add3A_45 = arith.addi %mul3A_30, %add3A_44 : i32
        %lt3A = arith.constant 20 : i32
        %lt3A_46 = arith.cmpi slt, %add3A_45, %lt3A : i32
        %convert_element_type3A = arith.extui %lt3A_46 : i1 to i32
        %cond3A = arith.constant 0 : i32
        %cond3A_47 = arith.cmpi ne, %convert_element_type3A, %cond3A : i32
        scf.if %cond3A_47 {
          %add3A_56 = arith.constant 2 : i32
          %add3A_57 = arith.addi %mul3A_30, %add3A_56 : i32
          %dma_start3A_58 = arith.constant 0 : i32
          %dma_start3A_59 = tpu.memref_slice %arg7[%add3A_57, %dma_start3A_58] : memref<20x128xi32, #tpu.memory_space<vmem>> -> memref<1x128xi32, #tpu.memory_space<vmem>>
          %dma_start3A_60 = tpu.memref_squeeze %dma_start3A_59 : memref<1x128xi32, #tpu.memory_space<vmem>> -> memref<128xi32, #tpu.memory_space<vmem>>
          %dma_start3A_61 = arith.constant 0 : i32
          %dma_start3A_62 = arith.constant 0 : i32
          %dma_start3A_63 = tpu.memref_slice %arg2[%dma_start3A_61, %dma_start3A_62] : memref<10000x128xf32, #tpu.memory_space<hbm>> -> memref<10000x128xf32, #tpu.memory_space<hbm>>
          tpu.enqueue_indirect_dma source(%dma_start3A_63 : memref<10000x128xf32, #tpu.memory_space<hbm>>) target(%arg9 : memref<128x128xf32, #tpu.memory_space<vmem>>) offsets(%dma_start3A_60 : memref<128xi32, #tpu.memory_space<vmem>>) semaphore(%arg12 : memref<!tpu.dma_semaphore, #tpu.memory_space<semaphore_mem>>)
        } else {
        }
        %dma_wait3A_48 = arith.constant 0 : i32
        %dma_wait3A_49 = tpu.memref_slice %arg7[%add3A_32, %dma_wait3A_48] : memref<20x128xi32, #tpu.memory_space<vmem>> -> memref<1x128xi32, #tpu.memory_space<vmem>>
        %dma_wait3A_50 = tpu.memref_squeeze %dma_wait3A_49 : memref<1x128xi32, #tpu.memory_space<vmem>> -> memref<128xi32, #tpu.memory_space<vmem>>
        %dma_wait3A_51 = arith.constant 0 : i32
        %dma_wait3A_52 = arith.constant 0 : i32
        %dma_wait3A_53 = tpu.memref_slice %arg2[%dma_wait3A_51, %dma_wait3A_52] : memref<10000x128xf32, #tpu.memory_space<hbm>> -> memref<10000x128xf32, #tpu.memory_space<hbm>>
        tpu.wait_indirect_dma semaphore(%arg13 : memref<!tpu.dma_semaphore, #tpu.memory_space<semaphore_mem>>) src(%dma_wait3A_53 : memref<10000x128xf32, #tpu.memory_space<hbm>>) dst(%arg10 : memref<128x128xf32, #tpu.memory_space<vmem>>)
        %add3A_54 = arith.constant 1 : i32
        %add3A_55 = arith.addi %mul3A_30, %add3A_54 : i32
        "tpu.region"() ({
          %run_scoped3A = tpu.sem_alloc : memref<!tpu.dma_semaphore, #tpu.memory_space<semaphore_mem>>
          %dma_start3A_56 = arith.constant 0 : i32
          %dma_start3A_57 = tpu.memref_slice %arg8[%add3A_55, %dma_start3A_56] : memref<20x128xi32, #tpu.memory_space<vmem>> -> memref<1x128xi32, #tpu.memory_space<vmem>>
          %dma_start3A_58 = tpu.memref_squeeze %dma_start3A_57 : memref<1x128xi32, #tpu.memory_space<vmem>> -> memref<128xi32, #tpu.memory_space<vmem>>
          %dma_start3A_59 = arith.constant 0 : i32
          %dma_start3A_60 = arith.constant 0 : i32
          %dma_start3A_61 = tpu.memref_slice %arg11[%dma_start3A_59, %dma_start3A_60] : memref<10112x128xf32, #tpu.memory_space<vmem_shared>> -> memref<10112x128xf32, #tpu.memory_space<vmem_shared>>
          tpu.enqueue_indirect_dma source(%arg10 : memref<128x128xf32, #tpu.memory_space<vmem>>) target(%dma_start3A_61 : memref<10112x128xf32, #tpu.memory_space<vmem_shared>>) offsets(%dma_start3A_58 : memref<128xi32, #tpu.memory_space<vmem>>) semaphore(%run_scoped3A : memref<!tpu.dma_semaphore, #tpu.memory_space<semaphore_mem>>) {add = true}
          %dma_wait3A_62 = arith.constant 0 : i32
          %dma_wait3A_63 = tpu.memref_slice %arg8[%add3A_55, %dma_wait3A_62] : memref<20x128xi32, #tpu.memory_space<vmem>> -> memref<1x128xi32, #tpu.memory_space<vmem>>
          %dma_wait3A_64 = tpu.memref_squeeze %dma_wait3A_63 : memref<1x128xi32, #tpu.memory_space<vmem>> -> memref<128xi32, #tpu.memory_space<vmem>>
          %dma_wait3A_65 = arith.constant 0 : i32
          %dma_wait3A_66 = arith.constant 0 : i32
          %dma_wait3A_67 = tpu.memref_slice %arg11[%dma_wait3A_65, %dma_wait3A_66] : memref<10112x128xf32, #tpu.memory_space<vmem_shared>> -> memref<10112x128xf32, #tpu.memory_space<vmem_shared>>
          tpu.wait_indirect_dma semaphore(%run_scoped3A : memref<!tpu.dma_semaphore, #tpu.memory_space<semaphore_mem>>) src(%arg10 : memref<128x128xf32, #tpu.memory_space<vmem>>) dst(%dma_wait3A_67 : memref<10112x128xf32, #tpu.memory_space<vmem_shared>>)
          tpu.yield
        }) : () -> ()
      }
      %scan3A_27 = arith.constant 10 : i32
    }
    %scan3A_9 = arith.constant 4 : i32
    %barrier3A_10 = arith.constant 0 : index
    tpu.barrier barrier_id(%barrier3A_10)
    %mul3A_11 = arith.constant 632 : i32
    %mul3A_12 = arith.muli %arg1, %mul3A_11 : i32
    %mul3A_13 = arith.constant 632 : i32
    %mul3A_14 = arith.muli %arg1, %mul3A_13 : i32
    "tpu.region"() ({
      %run_scoped3A = tpu.sem_alloc : memref<!tpu.dma_semaphore, #tpu.memory_space<semaphore_mem>>
      %dma_start3A = arith.constant 0 : i32
      %dma_start3A_15 = tpu.memref_slice %arg6[%arg0, %mul3A_14, %dma_start3A] : memref<2x10112x128xf32, #tpu.memory_space<hbm>> -> memref<1x632x128xf32, #tpu.memory_space<hbm>>
      %dma_start3A_16 = tpu.memref_squeeze %dma_start3A_15 : memref<1x632x128xf32, #tpu.memory_space<hbm>> -> memref<632x128xf32, #tpu.memory_space<hbm>>
      %dma_start3A_17 = arith.constant 0 : i32
      %dma_start3A_18 = tpu.memref_slice %arg11[%mul3A_12, %dma_start3A_17] : memref<10112x128xf32, #tpu.memory_space<vmem_shared>> -> memref<632x128xf32, #tpu.memory_space<vmem_shared>>
      tpu.enqueue_dma source(%dma_start3A_18 : memref<632x128xf32, #tpu.memory_space<vmem_shared>>) target(%dma_start3A_16 : memref<632x128xf32, #tpu.memory_space<hbm>>) target_semaphore(%run_scoped3A : memref<!tpu.dma_semaphore, #tpu.memory_space<semaphore_mem>>)
      %dma_wait3A = arith.constant 0 : i32
      %dma_wait3A_19 = tpu.memref_slice %arg6[%arg0, %mul3A_14, %dma_wait3A] : memref<2x10112x128xf32, #tpu.memory_space<hbm>> -> memref<1x632x128xf32, #tpu.memory_space<hbm>>
      %dma_wait3A_20 = tpu.memref_squeeze %dma_wait3A_19 : memref<1x632x128xf32, #tpu.memory_space<hbm>> -> memref<632x128xf32, #tpu.memory_space<hbm>>
      %dma_wait3A_21 = arith.constant 0 : i32
      %dma_wait3A_22 = tpu.memref_slice %arg11[%mul3A_12, %dma_wait3A_21] : memref<10112x128xf32, #tpu.memory_space<vmem_shared>> -> memref<632x128xf32, #tpu.memory_space<vmem_shared>>
      tpu.wait_dma2 semaphore(%run_scoped3A : memref<!tpu.dma_semaphore, #tpu.memory_space<semaphore_mem>>) src(%dma_wait3A_22 : memref<632x128xf32, #tpu.memory_space<vmem_shared>>) dst(%dma_wait3A_20 : memref<632x128xf32, #tpu.memory_space<hbm>>)
      tpu.yield
    }) : () -> ()
    return
  }
}

#map = affine_map<(d0, d1) -> (0, 0, 0)>
#map1 = affine_map<(d0, d1) -> (0, 0)>
module attributes {stable_mosaic.version = 14 : i64} {
  func.func @_deg(%arg0: i32, %arg1: i32, %arg2: memref<32x80x128xi32, #tpu.memory_space<hbm>>, %arg3: memref<128x128xf32, #tpu.memory_space<hbm>>, %arg4: memref<10112x128xf32, #tpu.memory_space<hbm>>, %arg5: memref<2x10112x128xf32, #tpu.memory_space<hbm>>, %arg6: memref<80x128xi32, #tpu.memory_space<vmem>>, %arg7: memref<128x128xf32, #tpu.memory_space<vmem>>, %arg8: memref<10112x128xf32, #tpu.memory_space<vmem_shared>>) attributes {dimension_semantics = [#tpu.dimension_semantics<core_parallel>, #tpu.dimension_semantics<subcore_parallel>], iteration_bounds = array<i64: 2, 16>, scalar_prefetch = 0 : i64, scratch_operands = 3 : i64, tpu.core_type = #tpu.core_type<sc_vector_subcore>, window_params = [{transform_indices = #map}, {transform_indices = #map1}, {transform_indices = #map1}, {transform_indices = #map}]} {
    %mul3A = arith.constant 2 : i32
    %mul3A_0 = arith.muli %arg1, %mul3A : i32
    %add3A = arith.addi %mul3A_0, %arg0 : i32
    "tpu.region"() ({
      %run_scoped3A = tpu.sem_alloc : memref<!tpu.dma_semaphore, #tpu.memory_space<semaphore_mem>>
      %dma_start3A = arith.constant 0 : i32
      %dma_start3A_15 = arith.constant 0 : i32
      %dma_start3A_16 = tpu.memref_slice %arg2[%add3A, %dma_start3A, %dma_start3A_15] : memref<32x80x128xi32, #tpu.memory_space<hbm>> -> memref<1x80x128xi32, #tpu.memory_space<hbm>>
      %dma_start3A_17 = tpu.memref_squeeze %dma_start3A_16 : memref<1x80x128xi32, #tpu.memory_space<hbm>> -> memref<80x128xi32, #tpu.memory_space<hbm>>
      %dma_start3A_18 = arith.constant 0 : i32
      %dma_start3A_19 = arith.constant 0 : i32
      %dma_start3A_20 = tpu.memref_slice %arg2[%add3A, %dma_start3A_18, %dma_start3A_19] : memref<32x80x128xi32, #tpu.memory_space<hbm>> -> memref<1x80x128xi32, #tpu.memory_space<hbm>>
      %dma_start3A_21 = tpu.memref_squeeze %dma_start3A_20 : memref<1x80x128xi32, #tpu.memory_space<hbm>> -> memref<80x128xi32, #tpu.memory_space<hbm>>
      tpu.enqueue_dma source(%dma_start3A_21 : memref<80x128xi32, #tpu.memory_space<hbm>>) target(%arg6 : memref<80x128xi32, #tpu.memory_space<vmem>>) target_semaphore(%run_scoped3A : memref<!tpu.dma_semaphore, #tpu.memory_space<semaphore_mem>>)
      %dma_wait3A = arith.constant 0 : i32
      %dma_wait3A_22 = arith.constant 0 : i32
      %dma_wait3A_23 = tpu.memref_slice %arg2[%add3A, %dma_wait3A, %dma_wait3A_22] : memref<32x80x128xi32, #tpu.memory_space<hbm>> -> memref<1x80x128xi32, #tpu.memory_space<hbm>>
      %dma_wait3A_24 = tpu.memref_squeeze %dma_wait3A_23 : memref<1x80x128xi32, #tpu.memory_space<hbm>> -> memref<80x128xi32, #tpu.memory_space<hbm>>
      %dma_wait3A_25 = arith.constant 0 : i32
      %dma_wait3A_26 = arith.constant 0 : i32
      %dma_wait3A_27 = tpu.memref_slice %arg2[%add3A, %dma_wait3A_25, %dma_wait3A_26] : memref<32x80x128xi32, #tpu.memory_space<hbm>> -> memref<1x80x128xi32, #tpu.memory_space<hbm>>
      %dma_wait3A_28 = tpu.memref_squeeze %dma_wait3A_27 : memref<1x80x128xi32, #tpu.memory_space<hbm>> -> memref<80x128xi32, #tpu.memory_space<hbm>>
      tpu.wait_dma2 semaphore(%run_scoped3A : memref<!tpu.dma_semaphore, #tpu.memory_space<semaphore_mem>>) src(%dma_wait3A_28 : memref<80x128xi32, #tpu.memory_space<hbm>>) dst(%arg6 : memref<80x128xi32, #tpu.memory_space<vmem>>)
      tpu.yield
    }) : () -> ()
    "tpu.region"() ({
      %run_scoped3A = tpu.sem_alloc : memref<!tpu.dma_semaphore, #tpu.memory_space<semaphore_mem>>
      tpu.enqueue_dma source(%arg3 : memref<128x128xf32, #tpu.memory_space<hbm>>) target(%arg7 : memref<128x128xf32, #tpu.memory_space<vmem>>) target_semaphore(%run_scoped3A : memref<!tpu.dma_semaphore, #tpu.memory_space<semaphore_mem>>)
      tpu.wait_dma2 semaphore(%run_scoped3A : memref<!tpu.dma_semaphore, #tpu.memory_space<semaphore_mem>>) src(%arg3 : memref<128x128xf32, #tpu.memory_space<hbm>>) dst(%arg7 : memref<128x128xf32, #tpu.memory_space<vmem>>)
      tpu.yield
    }) : () -> ()
    %mul3A_1 = arith.constant 632 : i32
    %mul3A_2 = arith.muli %arg1, %mul3A_1 : i32
    %mul3A_3 = arith.constant 632 : i32
    %mul3A_4 = arith.muli %arg1, %mul3A_3 : i32
    "tpu.region"() ({
      %run_scoped3A = tpu.sem_alloc : memref<!tpu.dma_semaphore, #tpu.memory_space<semaphore_mem>>
      %dma_start3A = arith.constant 0 : i32
      %dma_start3A_15 = tpu.memref_slice %arg8[%mul3A_4, %dma_start3A] : memref<10112x128xf32, #tpu.memory_space<vmem_shared>> -> memref<632x128xf32, #tpu.memory_space<vmem_shared>>
      %dma_start3A_16 = arith.constant 0 : i32
      %dma_start3A_17 = tpu.memref_slice %arg4[%mul3A_2, %dma_start3A_16] : memref<10112x128xf32, #tpu.memory_space<hbm>> -> memref<632x128xf32, #tpu.memory_space<hbm>>
      tpu.enqueue_dma source(%dma_start3A_17 : memref<632x128xf32, #tpu.memory_space<hbm>>) target(%dma_start3A_15 : memref<632x128xf32, #tpu.memory_space<vmem_shared>>) target_semaphore(%run_scoped3A : memref<!tpu.dma_semaphore, #tpu.memory_space<semaphore_mem>>)
      %dma_wait3A = arith.constant 0 : i32
      %dma_wait3A_18 = tpu.memref_slice %arg8[%mul3A_4, %dma_wait3A] : memref<10112x128xf32, #tpu.memory_space<vmem_shared>> -> memref<632x128xf32, #tpu.memory_space<vmem_shared>>
      %dma_wait3A_19 = arith.constant 0 : i32
      %dma_wait3A_20 = tpu.memref_slice %arg4[%mul3A_2, %dma_wait3A_19] : memref<10112x128xf32, #tpu.memory_space<hbm>> -> memref<632x128xf32, #tpu.memory_space<hbm>>
      tpu.wait_dma2 semaphore(%run_scoped3A : memref<!tpu.dma_semaphore, #tpu.memory_space<semaphore_mem>>) src(%dma_wait3A_20 : memref<632x128xf32, #tpu.memory_space<hbm>>) dst(%dma_wait3A_18 : memref<632x128xf32, #tpu.memory_space<vmem_shared>>)
      tpu.yield
    }) : () -> ()
    %barrier3A = arith.constant 0 : index
    tpu.barrier barrier_id(%barrier3A)
    %scan3A = arith.constant 0 : i32
    %scan3A_5 = arith.constant 0 : i32
    %scan3A_6 = arith.constant 80 : i32
    %scan3A_7 = arith.addi %scan3A_5, %scan3A_6 : i32
    %scan3A_8 = arith.constant 1 : i32
    scf.for %scan3A_15 = %scan3A_5 to %scan3A_7 step %scan3A_8  : i32 {
      "tpu.region"() ({
        %run_scoped3A = tpu.sem_alloc : memref<!tpu.dma_semaphore, #tpu.memory_space<semaphore_mem>>
        %dma_start3A = arith.constant 0 : i32
        %dma_start3A_16 = tpu.memref_slice %arg6[%scan3A_15, %dma_start3A] : memref<80x128xi32, #tpu.memory_space<vmem>> -> memref<1x128xi32, #tpu.memory_space<vmem>>
        %dma_start3A_17 = tpu.memref_squeeze %dma_start3A_16 : memref<1x128xi32, #tpu.memory_space<vmem>> -> memref<128xi32, #tpu.memory_space<vmem>>
        %dma_start3A_18 = arith.constant 0 : i32
        %dma_start3A_19 = arith.constant 0 : i32
        %dma_start3A_20 = tpu.memref_slice %arg8[%dma_start3A_18, %dma_start3A_19] : memref<10112x128xf32, #tpu.memory_space<vmem_shared>> -> memref<10112x128xf32, #tpu.memory_space<vmem_shared>>
        tpu.enqueue_indirect_dma source(%arg7 : memref<128x128xf32, #tpu.memory_space<vmem>>) target(%dma_start3A_20 : memref<10112x128xf32, #tpu.memory_space<vmem_shared>>) offsets(%dma_start3A_17 : memref<128xi32, #tpu.memory_space<vmem>>) semaphore(%run_scoped3A : memref<!tpu.dma_semaphore, #tpu.memory_space<semaphore_mem>>) {add = true}
        %dma_wait3A = arith.constant 0 : i32
        %dma_wait3A_21 = tpu.memref_slice %arg6[%scan3A_15, %dma_wait3A] : memref<80x128xi32, #tpu.memory_space<vmem>> -> memref<1x128xi32, #tpu.memory_space<vmem>>
        %dma_wait3A_22 = tpu.memref_squeeze %dma_wait3A_21 : memref<1x128xi32, #tpu.memory_space<vmem>> -> memref<128xi32, #tpu.memory_space<vmem>>
        %dma_wait3A_23 = arith.constant 0 : i32
        %dma_wait3A_24 = arith.constant 0 : i32
        %dma_wait3A_25 = tpu.memref_slice %arg8[%dma_wait3A_23, %dma_wait3A_24] : memref<10112x128xf32, #tpu.memory_space<vmem_shared>> -> memref<10112x128xf32, #tpu.memory_space<vmem_shared>>
        tpu.wait_indirect_dma semaphore(%run_scoped3A : memref<!tpu.dma_semaphore, #tpu.memory_space<semaphore_mem>>) src(%arg7 : memref<128x128xf32, #tpu.memory_space<vmem>>) dst(%dma_wait3A_25 : memref<10112x128xf32, #tpu.memory_space<vmem_shared>>)
        tpu.yield
      }) : () -> ()
    }
    %scan3A_9 = arith.constant 80 : i32
    %barrier3A_10 = arith.constant 0 : index
    tpu.barrier barrier_id(%barrier3A_10)
    %mul3A_11 = arith.constant 632 : i32
    %mul3A_12 = arith.muli %arg1, %mul3A_11 : i32
    %mul3A_13 = arith.constant 632 : i32
    %mul3A_14 = arith.muli %arg1, %mul3A_13 : i32
    "tpu.region"() ({
      %run_scoped3A = tpu.sem_alloc : memref<!tpu.dma_semaphore, #tpu.memory_space<semaphore_mem>>
      %dma_start3A = arith.constant 0 : i32
      %dma_start3A_15 = tpu.memref_slice %arg5[%arg0, %mul3A_14, %dma_start3A] : memref<2x10112x128xf32, #tpu.memory_space<hbm>> -> memref<1x632x128xf32, #tpu.memory_space<hbm>>
      %dma_start3A_16 = tpu.memref_squeeze %dma_start3A_15 : memref<1x632x128xf32, #tpu.memory_space<hbm>> -> memref<632x128xf32, #tpu.memory_space<hbm>>
      %dma_start3A_17 = arith.constant 0 : i32
      %dma_start3A_18 = tpu.memref_slice %arg8[%mul3A_12, %dma_start3A_17] : memref<10112x128xf32, #tpu.memory_space<vmem_shared>> -> memref<632x128xf32, #tpu.memory_space<vmem_shared>>
      tpu.enqueue_dma source(%dma_start3A_18 : memref<632x128xf32, #tpu.memory_space<vmem_shared>>) target(%dma_start3A_16 : memref<632x128xf32, #tpu.memory_space<hbm>>) target_semaphore(%run_scoped3A : memref<!tpu.dma_semaphore, #tpu.memory_space<semaphore_mem>>)
      %dma_wait3A = arith.constant 0 : i32
      %dma_wait3A_19 = tpu.memref_slice %arg5[%arg0, %mul3A_14, %dma_wait3A] : memref<2x10112x128xf32, #tpu.memory_space<hbm>> -> memref<1x632x128xf32, #tpu.memory_space<hbm>>
      %dma_wait3A_20 = tpu.memref_squeeze %dma_wait3A_19 : memref<1x632x128xf32, #tpu.memory_space<hbm>> -> memref<632x128xf32, #tpu.memory_space<hbm>>
      %dma_wait3A_21 = arith.constant 0 : i32
      %dma_wait3A_22 = tpu.memref_slice %arg8[%mul3A_12, %dma_wait3A_21] : memref<10112x128xf32, #tpu.memory_space<vmem_shared>> -> memref<632x128xf32, #tpu.memory_space<vmem_shared>>
      tpu.wait_dma2 semaphore(%run_scoped3A : memref<!tpu.dma_semaphore, #tpu.memory_space<semaphore_mem>>) src(%dma_wait3A_22 : memref<632x128xf32, #tpu.memory_space<vmem_shared>>) dst(%dma_wait3A_20 : memref<632x128xf32, #tpu.memory_space<hbm>>)
      tpu.yield
    }) : () -> ()
    return
  }
}

#map = affine_map<(d0, d1) -> (0, 0)>
#map1 = affine_map<(d0, d1) -> (0, 0, 0, 0)>
#map2 = affine_map<(d0, d1) -> (0, 0, 0)>
module attributes {stable_mosaic.version = 14 : i64} {
  func.func @spmm(%arg0: i32, %arg1: i32, %arg2: memref<10000x128xf32, #tpu.memory_space<hbm>>, %arg3: memref<32x4x20x128xi32, #tpu.memory_space<hbm>>, %arg4: memref<32x4x20x128xi32, #tpu.memory_space<hbm>>, %arg5: memref<10112x128xf32, #tpu.memory_space<hbm>>, %arg6: memref<2x10112x128xf32, #tpu.memory_space<hbm>>, %arg7: memref<20x128xi32, #tpu.memory_space<vmem>>, %arg8: memref<20x128xi32, #tpu.memory_space<vmem>>, %arg9: memref<128x128xf32, #tpu.memory_space<vmem>>, %arg10: memref<128x128xf32, #tpu.memory_space<vmem>>, %arg11: memref<10112x128xf32, #tpu.memory_space<vmem_shared>>, %arg12: memref<!tpu.dma_semaphore, #tpu.memory_space<semaphore_mem>>, %arg13: memref<!tpu.dma_semaphore, #tpu.memory_space<semaphore_mem>>) attributes {dimension_semantics = [#tpu.dimension_semantics<core_parallel>, #tpu.dimension_semantics<subcore_parallel>], iteration_bounds = array<i64: 2, 16>, scalar_prefetch = 0 : i64, scratch_operands = 7 : i64, tpu.core_type = #tpu.core_type<sc_vector_subcore>, window_params = [{transform_indices = #map}, {transform_indices = #map1}, {transform_indices = #map1}, {transform_indices = #map}, {transform_indices = #map2}]} {
    %mul3A = arith.constant 2 : i32
    %mul3A_0 = arith.muli %arg1, %mul3A : i32
    %add3A = arith.addi %mul3A_0, %arg0 : i32
    %mul3A_1 = arith.constant 632 : i32
    %mul3A_2 = arith.muli %arg1, %mul3A_1 : i32
    %mul3A_3 = arith.constant 632 : i32
    %mul3A_4 = arith.muli %arg1, %mul3A_3 : i32
    "tpu.region"() ({
      %run_scoped3A = tpu.sem_alloc : memref<!tpu.dma_semaphore, #tpu.memory_space<semaphore_mem>>
      %dma_start3A = arith.constant 0 : i32
      %dma_start3A_15 = tpu.memref_slice %arg11[%mul3A_4, %dma_start3A] : memref<10112x128xf32, #tpu.memory_space<vmem_shared>> -> memref<632x128xf32, #tpu.memory_space<vmem_shared>>
      %dma_start3A_16 = arith.constant 0 : i32
      %dma_start3A_17 = tpu.memref_slice %arg5[%mul3A_2, %dma_start3A_16] : memref<10112x128xf32, #tpu.memory_space<hbm>> -> memref<632x128xf32, #tpu.memory_space<hbm>>
      tpu.enqueue_dma source(%dma_start3A_17 : memref<632x128xf32, #tpu.memory_space<hbm>>) target(%dma_start3A_15 : memref<632x128xf32, #tpu.memory_space<vmem_shared>>) target_semaphore(%run_scoped3A : memref<!tpu.dma_semaphore, #tpu.memory_space<semaphore_mem>>)
      %dma_wait3A = arith.constant 0 : i32
      %dma_wait3A_18 = tpu.memref_slice %arg11[%mul3A_4, %dma_wait3A] : memref<10112x128xf32, #tpu.memory_space<vmem_shared>> -> memref<632x128xf32, #tpu.memory_space<vmem_shared>>
      %dma_wait3A_19 = arith.constant 0 : i32
      %dma_wait3A_20 = tpu.memref_slice %arg5[%mul3A_2, %dma_wait3A_19] : memref<10112x128xf32, #tpu.memory_space<hbm>> -> memref<632x128xf32, #tpu.memory_space<hbm>>
      tpu.wait_dma2 semaphore(%run_scoped3A : memref<!tpu.dma_semaphore, #tpu.memory_space<semaphore_mem>>) src(%dma_wait3A_20 : memref<632x128xf32, #tpu.memory_space<hbm>>) dst(%dma_wait3A_18 : memref<632x128xf32, #tpu.memory_space<vmem_shared>>)
      tpu.yield
    }) : () -> ()
    %barrier3A = arith.constant 0 : index
    tpu.barrier barrier_id(%barrier3A)
    %scan3A = arith.constant 0 : i32
    %scan3A_5 = arith.constant 0 : i32
    %scan3A_6 = arith.constant 4 : i32
    %scan3A_7 = arith.addi %scan3A_5, %scan3A_6 : i32
    %scan3A_8 = arith.constant 1 : i32
    scf.for %scan3A_15 = %scan3A_5 to %scan3A_7 step %scan3A_8  : i32 {
      "tpu.region"() ({
        %run_scoped3A = tpu.sem_alloc : memref<!tpu.dma_semaphore, #tpu.memory_space<semaphore_mem>>
        %dma_start3A_28 = arith.constant 0 : i32
        %dma_start3A_29 = arith.constant 0 : i32
        %dma_start3A_30 = tpu.memref_slice %arg3[%add3A, %scan3A_15, %dma_start3A_28, %dma_start3A_29] : memref<32x4x20x128xi32, #tpu.memory_space<hbm>> -> memref<1x1x20x128xi32, #tpu.memory_space<hbm>>
        %dma_start3A_31 = tpu.memref_squeeze %dma_start3A_30 : memref<1x1x20x128xi32, #tpu.memory_space<hbm>> -> memref<20x128xi32, #tpu.memory_space<hbm>>
        %dma_start3A_32 = arith.constant 0 : i32
        %dma_start3A_33 = arith.constant 0 : i32
        %dma_start3A_34 = tpu.memref_slice %arg3[%add3A, %scan3A_15, %dma_start3A_32, %dma_start3A_33] : memref<32x4x20x128xi32, #tpu.memory_space<hbm>> -> memref<1x1x20x128xi32, #tpu.memory_space<hbm>>
        %dma_start3A_35 = tpu.memref_squeeze %dma_start3A_34 : memref<1x1x20x128xi32, #tpu.memory_space<hbm>> -> memref<20x128xi32, #tpu.memory_space<hbm>>
        tpu.enqueue_dma source(%dma_start3A_35 : memref<20x128xi32, #tpu.memory_space<hbm>>) target(%arg7 : memref<20x128xi32, #tpu.memory_space<vmem>>) target_semaphore(%run_scoped3A : memref<!tpu.dma_semaphore, #tpu.memory_space<semaphore_mem>>)
        %dma_wait3A = arith.constant 0 : i32
        %dma_wait3A_36 = arith.constant 0 : i32
        %dma_wait3A_37 = tpu.memref_slice %arg3[%add3A, %scan3A_15, %dma_wait3A, %dma_wait3A_36] : memref<32x4x20x128xi32, #tpu.memory_space<hbm>> -> memref<1x1x20x128xi32, #tpu.memory_space<hbm>>
        %dma_wait3A_38 = tpu.memref_squeeze %dma_wait3A_37 : memref<1x1x20x128xi32, #tpu.memory_space<hbm>> -> memref<20x128xi32, #tpu.memory_space<hbm>>
        %dma_wait3A_39 = arith.constant 0 : i32
        %dma_wait3A_40 = arith.constant 0 : i32
        %dma_wait3A_41 = tpu.memref_slice %arg3[%add3A, %scan3A_15, %dma_wait3A_39, %dma_wait3A_40] : memref<32x4x20x128xi32, #tpu.memory_space<hbm>> -> memref<1x1x20x128xi32, #tpu.memory_space<hbm>>
        %dma_wait3A_42 = tpu.memref_squeeze %dma_wait3A_41 : memref<1x1x20x128xi32, #tpu.memory_space<hbm>> -> memref<20x128xi32, #tpu.memory_space<hbm>>
        tpu.wait_dma2 semaphore(%run_scoped3A : memref<!tpu.dma_semaphore, #tpu.memory_space<semaphore_mem>>) src(%dma_wait3A_42 : memref<20x128xi32, #tpu.memory_space<hbm>>) dst(%arg7 : memref<20x128xi32, #tpu.memory_space<vmem>>)
        tpu.yield
      }) : () -> ()
      "tpu.region"() ({
        %run_scoped3A = tpu.sem_alloc : memref<!tpu.dma_semaphore, #tpu.memory_space<semaphore_mem>>
        %dma_start3A_28 = arith.constant 0 : i32
        %dma_start3A_29 = arith.constant 0 : i32
        %dma_start3A_30 = tpu.memref_slice %arg4[%add3A, %scan3A_15, %dma_start3A_28, %dma_start3A_29] : memref<32x4x20x128xi32, #tpu.memory_space<hbm>> -> memref<1x1x20x128xi32, #tpu.memory_space<hbm>>
        %dma_start3A_31 = tpu.memref_squeeze %dma_start3A_30 : memref<1x1x20x128xi32, #tpu.memory_space<hbm>> -> memref<20x128xi32, #tpu.memory_space<hbm>>
        %dma_start3A_32 = arith.constant 0 : i32
        %dma_start3A_33 = arith.constant 0 : i32
        %dma_start3A_34 = tpu.memref_slice %arg4[%add3A, %scan3A_15, %dma_start3A_32, %dma_start3A_33] : memref<32x4x20x128xi32, #tpu.memory_space<hbm>> -> memref<1x1x20x128xi32, #tpu.memory_space<hbm>>
        %dma_start3A_35 = tpu.memref_squeeze %dma_start3A_34 : memref<1x1x20x128xi32, #tpu.memory_space<hbm>> -> memref<20x128xi32, #tpu.memory_space<hbm>>
        tpu.enqueue_dma source(%dma_start3A_35 : memref<20x128xi32, #tpu.memory_space<hbm>>) target(%arg8 : memref<20x128xi32, #tpu.memory_space<vmem>>) target_semaphore(%run_scoped3A : memref<!tpu.dma_semaphore, #tpu.memory_space<semaphore_mem>>)
        %dma_wait3A = arith.constant 0 : i32
        %dma_wait3A_36 = arith.constant 0 : i32
        %dma_wait3A_37 = tpu.memref_slice %arg4[%add3A, %scan3A_15, %dma_wait3A, %dma_wait3A_36] : memref<32x4x20x128xi32, #tpu.memory_space<hbm>> -> memref<1x1x20x128xi32, #tpu.memory_space<hbm>>
        %dma_wait3A_38 = tpu.memref_squeeze %dma_wait3A_37 : memref<1x1x20x128xi32, #tpu.memory_space<hbm>> -> memref<20x128xi32, #tpu.memory_space<hbm>>
        %dma_wait3A_39 = arith.constant 0 : i32
        %dma_wait3A_40 = arith.constant 0 : i32
        %dma_wait3A_41 = tpu.memref_slice %arg4[%add3A, %scan3A_15, %dma_wait3A_39, %dma_wait3A_40] : memref<32x4x20x128xi32, #tpu.memory_space<hbm>> -> memref<1x1x20x128xi32, #tpu.memory_space<hbm>>
        %dma_wait3A_42 = tpu.memref_squeeze %dma_wait3A_41 : memref<1x1x20x128xi32, #tpu.memory_space<hbm>> -> memref<20x128xi32, #tpu.memory_space<hbm>>
        tpu.wait_dma2 semaphore(%run_scoped3A : memref<!tpu.dma_semaphore, #tpu.memory_space<semaphore_mem>>) src(%dma_wait3A_42 : memref<20x128xi32, #tpu.memory_space<hbm>>) dst(%arg8 : memref<20x128xi32, #tpu.memory_space<vmem>>)
        tpu.yield
      }) : () -> ()
      %dma_start3A = arith.constant 0 : i32
      %dma_start3A_16 = arith.constant 0 : i32
      %dma_start3A_17 = tpu.memref_slice %arg7[%dma_start3A, %dma_start3A_16] : memref<20x128xi32, #tpu.memory_space<vmem>> -> memref<1x128xi32, #tpu.memory_space<vmem>>
      %dma_start3A_18 = tpu.memref_squeeze %dma_start3A_17 : memref<1x128xi32, #tpu.memory_space<vmem>> -> memref<128xi32, #tpu.memory_space<vmem>>
      %dma_start3A_19 = arith.constant 0 : i32
      %dma_start3A_20 = arith.constant 0 : i32
      %dma_start3A_21 = tpu.memref_slice %arg2[%dma_start3A_19, %dma_start3A_20] : memref<10000x128xf32, #tpu.memory_space<hbm>> -> memref<10000x128xf32, #tpu.memory_space<hbm>>
      tpu.enqueue_indirect_dma source(%dma_start3A_21 : memref<10000x128xf32, #tpu.memory_space<hbm>>) target(%arg9 : memref<128x128xf32, #tpu.memory_space<vmem>>) offsets(%dma_start3A_18 : memref<128xi32, #tpu.memory_space<vmem>>) semaphore(%arg12 : memref<!tpu.dma_semaphore, #tpu.memory_space<semaphore_mem>>)
      %scan3A_22 = arith.constant 0 : i32
      %scan3A_23 = arith.constant 0 : i32
      %scan3A_24 = arith.constant 10 : i32
      %scan3A_25 = arith.addi %scan3A_23, %scan3A_24 : i32
      %scan3A_26 = arith.constant 1 : i32
      scf.for %scan3A_28 = %scan3A_23 to %scan3A_25 step %scan3A_26  : i32 {
        %mul3A_29 = arith.constant 2 : i32
        %mul3A_30 = arith.muli %mul3A_29, %scan3A_28 : i32
        %add3A_31 = arith.constant 1 : i32
        %add3A_32 = arith.addi %mul3A_30, %add3A_31 : i32
        %dma_start3A_33 = arith.constant 0 : i32
        %dma_start3A_34 = tpu.memref_slice %arg7[%add3A_32, %dma_start3A_33] : memref<20x128xi32, #tpu.memory_space<vmem>> -> memref<1x128xi32, #tpu.memory_space<vmem>>
        %dma_start3A_35 = tpu.memref_squeeze %dma_start3A_34 : memref<1x128xi32, #tpu.memory_space<vmem>> -> memref<128xi32, #tpu.memory_space<vmem>>
        %dma_start3A_36 = arith.constant 0 : i32
        %dma_start3A_37 = arith.constant 0 : i32
        %dma_start3A_38 = tpu.memref_slice %arg2[%dma_start3A_36, %dma_start3A_37] : memref<10000x128xf32, #tpu.memory_space<hbm>> -> memref<10000x128xf32, #tpu.memory_space<hbm>>
        tpu.enqueue_indirect_dma source(%dma_start3A_38 : memref<10000x128xf32, #tpu.memory_space<hbm>>) target(%arg10 : memref<128x128xf32, #tpu.memory_space<vmem>>) offsets(%dma_start3A_35 : memref<128xi32, #tpu.memory_space<vmem>>) semaphore(%arg13 : memref<!tpu.dma_semaphore, #tpu.memory_space<semaphore_mem>>)
        %dma_wait3A = arith.constant 0 : i32
        %dma_wait3A_39 = tpu.memref_slice %arg7[%mul3A_30, %dma_wait3A] : memref<20x128xi32, #tpu.memory_space<vmem>> -> memref<1x128xi32, #tpu.memory_space<vmem>>
        %dma_wait3A_40 = tpu.memref_squeeze %dma_wait3A_39 : memref<1x128xi32, #tpu.memory_space<vmem>> -> memref<128xi32, #tpu.memory_space<vmem>>
        %dma_wait3A_41 = arith.constant 0 : i32
        %dma_wait3A_42 = arith.constant 0 : i32
        %dma_wait3A_43 = tpu.memref_slice %arg2[%dma_wait3A_41, %dma_wait3A_42] : memref<10000x128xf32, #tpu.memory_space<hbm>> -> memref<10000x128xf32, #tpu.memory_space<hbm>>
        tpu.wait_indirect_dma semaphore(%arg12 : memref<!tpu.dma_semaphore, #tpu.memory_space<semaphore_mem>>) src(%dma_wait3A_43 : memref<10000x128xf32, #tpu.memory_space<hbm>>) dst(%arg9 : memref<128x128xf32, #tpu.memory_space<vmem>>)
        "tpu.region"() ({
          %run_scoped3A = tpu.sem_alloc : memref<!tpu.dma_semaphore, #tpu.memory_space<semaphore_mem>>
          %dma_start3A_56 = arith.constant 0 : i32
          %dma_start3A_57 = tpu.memref_slice %arg8[%mul3A_30, %dma_start3A_56] : memref<20x128xi32, #tpu.memory_space<vmem>> -> memref<1x128xi32, #tpu.memory_space<vmem>>
          %dma_start3A_58 = tpu.memref_squeeze %dma_start3A_57 : memref<1x128xi32, #tpu.memory_space<vmem>> -> memref<128xi32, #tpu.memory_space<vmem>>
          %dma_start3A_59 = arith.constant 0 : i32
          %dma_start3A_60 = arith.constant 0 : i32
          %dma_start3A_61 = tpu.memref_slice %arg11[%dma_start3A_59, %dma_start3A_60] : memref<10112x128xf32, #tpu.memory_space<vmem_shared>> -> memref<10112x128xf32, #tpu.memory_space<vmem_shared>>
          tpu.enqueue_indirect_dma source(%arg9 : memref<128x128xf32, #tpu.memory_space<vmem>>) target(%dma_start3A_61 : memref<10112x128xf32, #tpu.memory_space<vmem_shared>>) offsets(%dma_start3A_58 : memref<128xi32, #tpu.memory_space<vmem>>) semaphore(%run_scoped3A : memref<!tpu.dma_semaphore, #tpu.memory_space<semaphore_mem>>) {add = true}
          %dma_wait3A_62 = arith.constant 0 : i32
          %dma_wait3A_63 = tpu.memref_slice %arg8[%mul3A_30, %dma_wait3A_62] : memref<20x128xi32, #tpu.memory_space<vmem>> -> memref<1x128xi32, #tpu.memory_space<vmem>>
          %dma_wait3A_64 = tpu.memref_squeeze %dma_wait3A_63 : memref<1x128xi32, #tpu.memory_space<vmem>> -> memref<128xi32, #tpu.memory_space<vmem>>
          %dma_wait3A_65 = arith.constant 0 : i32
          %dma_wait3A_66 = arith.constant 0 : i32
          %dma_wait3A_67 = tpu.memref_slice %arg11[%dma_wait3A_65, %dma_wait3A_66] : memref<10112x128xf32, #tpu.memory_space<vmem_shared>> -> memref<10112x128xf32, #tpu.memory_space<vmem_shared>>
          tpu.wait_indirect_dma semaphore(%run_scoped3A : memref<!tpu.dma_semaphore, #tpu.memory_space<semaphore_mem>>) src(%arg9 : memref<128x128xf32, #tpu.memory_space<vmem>>) dst(%dma_wait3A_67 : memref<10112x128xf32, #tpu.memory_space<vmem_shared>>)
          tpu.yield
        }) : () -> ()
        %add3A_44 = arith.constant 2 : i32
        %add3A_45 = arith.addi %mul3A_30, %add3A_44 : i32
        %lt3A = arith.constant 20 : i32
        %lt3A_46 = arith.cmpi slt, %add3A_45, %lt3A : i32
        %convert_element_type3A = arith.extui %lt3A_46 : i1 to i32
        %cond3A = arith.constant 0 : i32
        %cond3A_47 = arith.cmpi ne, %convert_element_type3A, %cond3A : i32
        scf.if %cond3A_47 {
          %add3A_56 = arith.constant 2 : i32
          %add3A_57 = arith.addi %mul3A_30, %add3A_56 : i32
          %dma_start3A_58 = arith.constant 0 : i32
          %dma_start3A_59 = tpu.memref_slice %arg7[%add3A_57, %dma_start3A_58] : memref<20x128xi32, #tpu.memory_space<vmem>> -> memref<1x128xi32, #tpu.memory_space<vmem>>
          %dma_start3A_60 = tpu.memref_squeeze %dma_start3A_59 : memref<1x128xi32, #tpu.memory_space<vmem>> -> memref<128xi32, #tpu.memory_space<vmem>>
          %dma_start3A_61 = arith.constant 0 : i32
          %dma_start3A_62 = arith.constant 0 : i32
          %dma_start3A_63 = tpu.memref_slice %arg2[%dma_start3A_61, %dma_start3A_62] : memref<10000x128xf32, #tpu.memory_space<hbm>> -> memref<10000x128xf32, #tpu.memory_space<hbm>>
          tpu.enqueue_indirect_dma source(%dma_start3A_63 : memref<10000x128xf32, #tpu.memory_space<hbm>>) target(%arg9 : memref<128x128xf32, #tpu.memory_space<vmem>>) offsets(%dma_start3A_60 : memref<128xi32, #tpu.memory_space<vmem>>) semaphore(%arg12 : memref<!tpu.dma_semaphore, #tpu.memory_space<semaphore_mem>>)
        } else {
        }
        %dma_wait3A_48 = arith.constant 0 : i32
        %dma_wait3A_49 = tpu.memref_slice %arg7[%add3A_32, %dma_wait3A_48] : memref<20x128xi32, #tpu.memory_space<vmem>> -> memref<1x128xi32, #tpu.memory_space<vmem>>
        %dma_wait3A_50 = tpu.memref_squeeze %dma_wait3A_49 : memref<1x128xi32, #tpu.memory_space<vmem>> -> memref<128xi32, #tpu.memory_space<vmem>>
        %dma_wait3A_51 = arith.constant 0 : i32
        %dma_wait3A_52 = arith.constant 0 : i32
        %dma_wait3A_53 = tpu.memref_slice %arg2[%dma_wait3A_51, %dma_wait3A_52] : memref<10000x128xf32, #tpu.memory_space<hbm>> -> memref<10000x128xf32, #tpu.memory_space<hbm>>
        tpu.wait_indirect_dma semaphore(%arg13 : memref<!tpu.dma_semaphore, #tpu.memory_space<semaphore_mem>>) src(%dma_wait3A_53 : memref<10000x128xf32, #tpu.memory_space<hbm>>) dst(%arg10 : memref<128x128xf32, #tpu.memory_space<vmem>>)
        %add3A_54 = arith.constant 1 : i32
        %add3A_55 = arith.addi %mul3A_30, %add3A_54 : i32
        "tpu.region"() ({
          %run_scoped3A = tpu.sem_alloc : memref<!tpu.dma_semaphore, #tpu.memory_space<semaphore_mem>>
          %dma_start3A_56 = arith.constant 0 : i32
          %dma_start3A_57 = tpu.memref_slice %arg8[%add3A_55, %dma_start3A_56] : memref<20x128xi32, #tpu.memory_space<vmem>> -> memref<1x128xi32, #tpu.memory_space<vmem>>
          %dma_start3A_58 = tpu.memref_squeeze %dma_start3A_57 : memref<1x128xi32, #tpu.memory_space<vmem>> -> memref<128xi32, #tpu.memory_space<vmem>>
          %dma_start3A_59 = arith.constant 0 : i32
          %dma_start3A_60 = arith.constant 0 : i32
          %dma_start3A_61 = tpu.memref_slice %arg11[%dma_start3A_59, %dma_start3A_60] : memref<10112x128xf32, #tpu.memory_space<vmem_shared>> -> memref<10112x128xf32, #tpu.memory_space<vmem_shared>>
          tpu.enqueue_indirect_dma source(%arg10 : memref<128x128xf32, #tpu.memory_space<vmem>>) target(%dma_start3A_61 : memref<10112x128xf32, #tpu.memory_space<vmem_shared>>) offsets(%dma_start3A_58 : memref<128xi32, #tpu.memory_space<vmem>>) semaphore(%run_scoped3A : memref<!tpu.dma_semaphore, #tpu.memory_space<semaphore_mem>>) {add = true}
          %dma_wait3A_62 = arith.constant 0 : i32
          %dma_wait3A_63 = tpu.memref_slice %arg8[%add3A_55, %dma_wait3A_62] : memref<20x128xi32, #tpu.memory_space<vmem>> -> memref<1x128xi32, #tpu.memory_space<vmem>>
          %dma_wait3A_64 = tpu.memref_squeeze %dma_wait3A_63 : memref<1x128xi32, #tpu.memory_space<vmem>> -> memref<128xi32, #tpu.memory_space<vmem>>
          %dma_wait3A_65 = arith.constant 0 : i32
          %dma_wait3A_66 = arith.constant 0 : i32
          %dma_wait3A_67 = tpu.memref_slice %arg11[%dma_wait3A_65, %dma_wait3A_66] : memref<10112x128xf32, #tpu.memory_space<vmem_shared>> -> memref<10112x128xf32, #tpu.memory_space<vmem_shared>>
          tpu.wait_indirect_dma semaphore(%run_scoped3A : memref<!tpu.dma_semaphore, #tpu.memory_space<semaphore_mem>>) src(%arg10 : memref<128x128xf32, #tpu.memory_space<vmem>>) dst(%dma_wait3A_67 : memref<10112x128xf32, #tpu.memory_space<vmem_shared>>)
          tpu.yield
        }) : () -> ()
      }
      %scan3A_27 = arith.constant 10 : i32
    }
    %scan3A_9 = arith.constant 4 : i32
    %barrier3A_10 = arith.constant 0 : index
    tpu.barrier barrier_id(%barrier3A_10)
    %mul3A_11 = arith.constant 632 : i32
    %mul3A_12 = arith.muli %arg1, %mul3A_11 : i32
    %mul3A_13 = arith.constant 632 : i32
    %mul3A_14 = arith.muli %arg1, %mul3A_13 : i32
    "tpu.region"() ({
      %run_scoped3A = tpu.sem_alloc : memref<!tpu.dma_semaphore, #tpu.memory_space<semaphore_mem>>
      %dma_start3A = arith.constant 0 : i32
      %dma_start3A_15 = tpu.memref_slice %arg6[%arg0, %mul3A_14, %dma_start3A] : memref<2x10112x128xf32, #tpu.memory_space<hbm>> -> memref<1x632x128xf32, #tpu.memory_space<hbm>>
      %dma_start3A_16 = tpu.memref_squeeze %dma_start3A_15 : memref<1x632x128xf32, #tpu.memory_space<hbm>> -> memref<632x128xf32, #tpu.memory_space<hbm>>
      %dma_start3A_17 = arith.constant 0 : i32
      %dma_start3A_18 = tpu.memref_slice %arg11[%mul3A_12, %dma_start3A_17] : memref<10112x128xf32, #tpu.memory_space<vmem_shared>> -> memref<632x128xf32, #tpu.memory_space<vmem_shared>>
      tpu.enqueue_dma source(%dma_start3A_18 : memref<632x128xf32, #tpu.memory_space<vmem_shared>>) target(%dma_start3A_16 : memref<632x128xf32, #tpu.memory_space<hbm>>) target_semaphore(%run_scoped3A : memref<!tpu.dma_semaphore, #tpu.memory_space<semaphore_mem>>)
      %dma_wait3A = arith.constant 0 : i32
      %dma_wait3A_19 = tpu.memref_slice %arg6[%arg0, %mul3A_14, %dma_wait3A] : memref<2x10112x128xf32, #tpu.memory_space<hbm>> -> memref<1x632x128xf32, #tpu.memory_space<hbm>>
      %dma_wait3A_20 = tpu.memref_squeeze %dma_wait3A_19 : memref<1x632x128xf32, #tpu.memory_space<hbm>> -> memref<632x128xf32, #tpu.memory_space<hbm>>
      %dma_wait3A_21 = arith.constant 0 : i32
      %dma_wait3A_22 = tpu.memref_slice %arg11[%mul3A_12, %dma_wait3A_21] : memref<10112x128xf32, #tpu.memory_space<vmem_shared>> -> memref<632x128xf32, #tpu.memory_space<vmem_shared>>
      tpu.wait_dma2 semaphore(%run_scoped3A : memref<!tpu.dma_semaphore, #tpu.memory_space<semaphore_mem>>) src(%dma_wait3A_22 : memref<632x128xf32, #tpu.memory_space<vmem_shared>>) dst(%dma_wait3A_20 : memref<632x128xf32, #tpu.memory_space<hbm>>)
      tpu.yield
    }) : () -> ()
    return
  }
}

module attributes {stable_mosaic.version = 14 : i64} {
  func.func @_mid_body(%arg0: i32, %arg1: memref<2x2000x128xf32, #tpu.memory_space<vmem>>, %arg2: memref<2x2000x128xf32, #tpu.memory_space<vmem>>, %arg3: memref<1x128xf32, #tpu.memory_space<vmem>>, %arg4: memref<1x128xf32, #tpu.memory_space<vmem>>, %arg5: memref<1x128xf32, #tpu.memory_space<vmem>>, %arg6: memref<128x128xf32, #tpu.memory_space<vmem>>, %arg7: memref<2000x128xf32, #tpu.memory_space<vmem>>) attributes {dimension_semantics = [#tpu.dimension_semantics<arbitrary>], iteration_bounds = array<i64: 5>, scalar_prefetch = 0 : i64, scratch_operands = 0 : i64, tpu.core_type = #tpu.core_type<tc>, window_params = [{transform_indices = @transform_0, window_bounds = array<i64: 2, 2000, 128>}, {transform_indices = @transform_1, window_bounds = array<i64: 2, 2000, 128>}, {pipeline_mode = #tpu.pipeline_mode<synchronous>, transform_indices = @transform_2, window_bounds = array<i64: 1, 128>}, {pipeline_mode = #tpu.pipeline_mode<synchronous>, transform_indices = @transform_3, window_bounds = array<i64: 1, 128>}, {pipeline_mode = #tpu.pipeline_mode<synchronous>, transform_indices = @transform_4, window_bounds = array<i64: 1, 128>}, {pipeline_mode = #tpu.pipeline_mode<synchronous>, transform_indices = @transform_5, window_bounds = array<i64: 128, 128>}, {transform_indices = @transform_6, window_bounds = array<i64: 2000, 128>}]} {
    %get3A = arith.constant 0 : index
    %get3A_0 = arith.constant 0 : index
    %get3A_1 = arith.constant 0 : index
    %get3A_2 = vector.load %arg2[%get3A, %get3A_0, %get3A_1] : memref<2x2000x128xf32, #tpu.memory_space<vmem>>, vector<1x2000x128xf32>
    %get3A_3 = vector.shape_cast %get3A_2 : vector<1x2000x128xf32> to vector<2000x128xf32>
    %get3A_4 = arith.constant 1 : index
    %get3A_5 = arith.constant 0 : index
    %get3A_6 = arith.constant 0 : index
    %get3A_7 = vector.load %arg2[%get3A_4, %get3A_5, %get3A_6] : memref<2x2000x128xf32, #tpu.memory_space<vmem>>, vector<1x2000x128xf32>
    %get3A_8 = vector.shape_cast %get3A_7 : vector<1x2000x128xf32> to vector<2000x128xf32>
    %add3A = arith.addf %get3A_3, %get3A_8 : vector<2000x128xf32>
    %slice3A = vector.extract_strided_slice %add3A {offsets = [0, 0], sizes = [2000, 1], strides = [1, 1]} : vector<2000x128xf32> to vector<2000x1xf32>
    %max3A = arith.constant 1.000000e+00 : f32
    %max3A_9 = vector.broadcast %max3A : f32 to vector<2000x1xf32>
    %max3A_10 = arith.maximumf %slice3A, %max3A_9 : vector<2000x1xf32>
    %rsqrt3A = math.rsqrt %max3A_10 : vector<2000x1xf32>
    %get3A_11 = arith.constant 0 : index
    %get3A_12 = arith.constant 0 : index
    %get3A_13 = arith.constant 0 : index
    %get3A_14 = vector.load %arg1[%get3A_11, %get3A_12, %get3A_13] : memref<2x2000x128xf32, #tpu.memory_space<vmem>>, vector<1x2000x128xf32>
    %get3A_15 = vector.shape_cast %get3A_14 : vector<1x2000x128xf32> to vector<2000x128xf32>
    %get3A_16 = arith.constant 1 : index
    %get3A_17 = arith.constant 0 : index
    %get3A_18 = arith.constant 0 : index
    %get3A_19 = vector.load %arg1[%get3A_16, %get3A_17, %get3A_18] : memref<2x2000x128xf32, #tpu.memory_space<vmem>>, vector<1x2000x128xf32>
    %get3A_20 = vector.shape_cast %get3A_19 : vector<1x2000x128xf32> to vector<2000x128xf32>
    %add3A_21 = arith.addf %get3A_15, %get3A_20 : vector<2000x128xf32>
    %mul3A = vector.broadcast %rsqrt3A : vector<2000x1xf32> to vector<2000x128xf32>
    %mul3A_22 = arith.mulf %add3A_21, %mul3A : vector<2000x128xf32>
    %get3A_23 = arith.constant 0 : index
    %get3A_24 = arith.constant 0 : index
    %get3A_25 = vector.load %arg3[%get3A_23, %get3A_24] : memref<1x128xf32, #tpu.memory_space<vmem>>, vector<1x128xf32>
    %add3A_26 = vector.broadcast %get3A_25 : vector<1x128xf32> to vector<2000x128xf32>
    %add3A_27 = arith.addf %mul3A_22, %add3A_26 : vector<2000x128xf32>
    %max3A_28 = arith.constant 0.000000e+00 : f32
    %max3A_29 = vector.broadcast %max3A_28 : f32 to vector<2000x128xf32>
    %max3A_30 = arith.maximumf %add3A_27, %max3A_29 : vector<2000x128xf32>
    %reduce_sum3A = arith.constant dense<0.000000e+00> : vector<2000xf32>
    %reduce_sum3A_31 = vector.multi_reduction <add>, %max3A_30, %reduce_sum3A [1] : vector<2000x128xf32> to vector<2000xf32>
    %broadcast_in_dim3A = vector.shape_cast %reduce_sum3A_31 : vector<2000xf32> to vector<2000x1xf32>
    %div3A = arith.constant 1.280000e+02 : f32
    %div3A_32 = vector.broadcast %div3A : f32 to vector<2000x1xf32>
    %div3A_33 = arith.divf %broadcast_in_dim3A, %div3A_32 : vector<2000x1xf32>
    %sub3A = vector.broadcast %div3A_33 : vector<2000x1xf32> to vector<2000x128xf32>
    %sub3A_34 = arith.subf %max3A_30, %sub3A : vector<2000x128xf32>
    %sub3A_35 = vector.broadcast %div3A_33 : vector<2000x1xf32> to vector<2000x128xf32>
    %sub3A_36 = arith.subf %max3A_30, %sub3A_35 : vector<2000x128xf32>
    %mul3A_37 = arith.mulf %sub3A_34, %sub3A_36 : vector<2000x128xf32>
    %reduce_sum3A_38 = arith.constant dense<0.000000e+00> : vector<2000xf32>
    %reduce_sum3A_39 = vector.multi_reduction <add>, %mul3A_37, %reduce_sum3A_38 [1] : vector<2000x128xf32> to vector<2000xf32>
    %broadcast_in_dim3A_40 = vector.shape_cast %reduce_sum3A_39 : vector<2000xf32> to vector<2000x1xf32>
    %div3A_41 = arith.constant 1.280000e+02 : f32
    %div3A_42 = vector.broadcast %div3A_41 : f32 to vector<2000x1xf32>
    %div3A_43 = arith.divf %broadcast_in_dim3A_40, %div3A_42 : vector<2000x1xf32>
    %sub3A_44 = vector.broadcast %div3A_33 : vector<2000x1xf32> to vector<2000x128xf32>
    %sub3A_45 = arith.subf %max3A_30, %sub3A_44 : vector<2000x128xf32>
    %add3A_46 = arith.constant 9.99999974E-6 : f32
    %add3A_47 = vector.broadcast %add3A_46 : f32 to vector<2000x1xf32>
    %add3A_48 = arith.addf %div3A_43, %add3A_47 : vector<2000x1xf32>
    %rsqrt3A_49 = math.rsqrt %add3A_48 : vector<2000x1xf32>
    %mul3A_50 = vector.broadcast %rsqrt3A_49 : vector<2000x1xf32> to vector<2000x128xf32>
    %mul3A_51 = arith.mulf %sub3A_45, %mul3A_50 : vector<2000x128xf32>
    %get3A_52 = arith.constant 0 : index
    %get3A_53 = arith.constant 0 : index
    %get3A_54 = vector.load %arg4[%get3A_52, %get3A_53] : memref<1x128xf32, #tpu.memory_space<vmem>>, vector<1x128xf32>
    %mul3A_55 = vector.broadcast %get3A_54 : vector<1x128xf32> to vector<2000x128xf32>
    %mul3A_56 = arith.mulf %mul3A_51, %mul3A_55 : vector<2000x128xf32>
    %get3A_57 = arith.constant 0 : index
    %get3A_58 = arith.constant 0 : index
    %get3A_59 = vector.load %arg5[%get3A_57, %get3A_58] : memref<1x128xf32, #tpu.memory_space<vmem>>, vector<1x128xf32>
    %add3A_60 = vector.broadcast %get3A_59 : vector<1x128xf32> to vector<2000x128xf32>
    %add3A_61 = arith.addf %mul3A_56, %add3A_60 : vector<2000x128xf32>
    %mul3A_62 = vector.broadcast %rsqrt3A : vector<2000x1xf32> to vector<2000x128xf32>
    %mul3A_63 = arith.mulf %add3A_61, %mul3A_62 : vector<2000x128xf32>
    %get3A_64 = arith.constant 0 : index
    %get3A_65 = arith.constant 0 : index
    %get3A_66 = vector.load %arg6[%get3A_64, %get3A_65] : memref<128x128xf32, #tpu.memory_space<vmem>>, vector<128x128xf32>
    %dot_general3A = arith.constant dense<0.000000e+00> : vector<2000x128xf32>
    %dot_general3A_67 = tpu.matmul %mul3A_63, %get3A_66, %dot_general3A {dimension_numbers = #tpu.dot_dimension_numbers<[1], [0], [0], [1], [0, 0, 1, 1], [], []>, transpose_lhs_hint = false} : vector<2000x128xf32>, vector<128x128xf32>, vector<2000x128xf32> -> vector<2000x128xf32>
    %swap3A = arith.constant 0 : index
    %swap3A_68 = arith.constant 0 : index
    %swap3A_69 = vector.load %arg7[%swap3A, %swap3A_68] : memref<2000x128xf32, #tpu.memory_space<vmem>>, vector<2000x128xf32>
    tpu.vector_store %arg7[%swap3A, %swap3A_68], %dot_general3A_67 {strides = array<i32>} : memref<2000x128xf32, #tpu.memory_space<vmem>>, vector<2000x128xf32>,
    return
  }
  func.func @transform_0(%arg0: i32) -> (i32, i32, i32) {
    %c0_i32 = arith.constant 0 : i32
    %c0_i32_0 = arith.constant 0 : i32
    %c0_i32_1 = arith.constant 0 : i32
    return %c0_i32, %arg0, %c0_i32_0 : i32, i32, i32
  }
  func.func @transform_1(%arg0: i32) -> (i32, i32, i32) {
    %c0_i32 = arith.constant 0 : i32
    %c0_i32_0 = arith.constant 0 : i32
    %c0_i32_1 = arith.constant 0 : i32
    return %c0_i32, %arg0, %c0_i32_0 : i32, i32, i32
  }
  func.func @transform_2(%arg0: i32) -> (i32, i32) {
    %c0_i32 = arith.constant 0 : i32
    %c0_i32_0 = arith.constant 0 : i32
    %c0_i32_1 = arith.constant 0 : i32
    return %c0_i32, %c0_i32_0 : i32, i32
  }
  func.func @transform_3(%arg0: i32) -> (i32, i32) {
    %c0_i32 = arith.constant 0 : i32
    %c0_i32_0 = arith.constant 0 : i32
    %c0_i32_1 = arith.constant 0 : i32
    return %c0_i32, %c0_i32_0 : i32, i32
  }
  func.func @transform_4(%arg0: i32) -> (i32, i32) {
    %c0_i32 = arith.constant 0 : i32
    %c0_i32_0 = arith.constant 0 : i32
    %c0_i32_1 = arith.constant 0 : i32
    return %c0_i32, %c0_i32_0 : i32, i32
  }
  func.func @transform_5(%arg0: i32) -> (i32, i32) {
    %c0_i32 = arith.constant 0 : i32
    %c0_i32_0 = arith.constant 0 : i32
    %c0_i32_1 = arith.constant 0 : i32
    return %c0_i32, %c0_i32_0 : i32, i32
  }
  func.func @transform_6(%arg0: i32) -> (i32, i32) {
    %c0_i32 = arith.constant 0 : i32
    %c0_i32_0 = arith.constant 0 : i32
    return %arg0, %c0_i32 : i32, i32
  }
}

module attributes {stable_mosaic.version = 14 : i64} {
  func.func @_dense0_body(%arg0: i32, %arg1: memref<2000x128xf32, #tpu.memory_space<vmem>>, %arg2: memref<128x128xf32, #tpu.memory_space<vmem>>, %arg3: memref<2x2000x128xf32, #tpu.memory_space<vmem>>, %arg4: memref<2000x128xf32, #tpu.memory_space<vmem>>) attributes {dimension_semantics = [#tpu.dimension_semantics<arbitrary>], iteration_bounds = array<i64: 5>, scalar_prefetch = 0 : i64, scratch_operands = 0 : i64, tpu.core_type = #tpu.core_type<tc>, window_params = [{transform_indices = @transform_0, window_bounds = array<i64: 2000, 128>}, {pipeline_mode = #tpu.pipeline_mode<synchronous>, transform_indices = @transform_1, window_bounds = array<i64: 128, 128>}, {transform_indices = @transform_2, window_bounds = array<i64: 2, 2000, 128>}, {transform_indices = @transform_3, window_bounds = array<i64: 2000, 128>}]} {
    %get3A = arith.constant 0 : index
    %get3A_0 = arith.constant 0 : index
    %get3A_1 = arith.constant 0 : index
    %get3A_2 = vector.load %arg3[%get3A, %get3A_0, %get3A_1] : memref<2x2000x128xf32, #tpu.memory_space<vmem>>, vector<1x2000x128xf32>
    %get3A_3 = vector.shape_cast %get3A_2 : vector<1x2000x128xf32> to vector<2000x128xf32>
    %get3A_4 = arith.constant 1 : index
    %get3A_5 = arith.constant 0 : index
    %get3A_6 = arith.constant 0 : index
    %get3A_7 = vector.load %arg3[%get3A_4, %get3A_5, %get3A_6] : memref<2x2000x128xf32, #tpu.memory_space<vmem>>, vector<1x2000x128xf32>
    %get3A_8 = vector.shape_cast %get3A_7 : vector<1x2000x128xf32> to vector<2000x128xf32>
    %add3A = arith.addf %get3A_3, %get3A_8 : vector<2000x128xf32>
    %slice3A = vector.extract_strided_slice %add3A {offsets = [0, 0], sizes = [2000, 1], strides = [1, 1]} : vector<2000x128xf32> to vector<2000x1xf32>
    %max3A = arith.constant 1.000000e+00 : f32
    %max3A_9 = vector.broadcast %max3A : f32 to vector<2000x1xf32>
    %max3A_10 = arith.maximumf %slice3A, %max3A_9 : vector<2000x1xf32>
    %rsqrt3A = math.rsqrt %max3A_10 : vector<2000x1xf32>
    %get3A_11 = arith.constant 0 : index
    %get3A_12 = arith.constant 0 : index
    %get3A_13 = vector.load %arg1[%get3A_11, %get3A_12] : memref<2000x128xf32, #tpu.memory_space<vmem>>, vector<2000x128xf32>
    %get3A_14 = arith.constant 0 : index
    %get3A_15 = arith.constant 0 : index
    %get3A_16 = vector.load %arg2[%get3A_14, %get3A_15] : memref<128x128xf32, #tpu.memory_space<vmem>>, vector<128x128xf32>
    %dot_general3A = arith.constant dense<0.000000e+00> : vector<2000x128xf32>
    %dot_general3A_17 = tpu.matmul %get3A_13, %get3A_16, %dot_general3A {dimension_numbers = #tpu.dot_dimension_numbers<[1], [0], [0], [1], [0, 0, 1, 1], [], []>, transpose_lhs_hint = false} : vector<2000x128xf32>, vector<128x128xf32>, vector<2000x128xf32> -> vector<2000x128xf32>
    %mul3A = vector.broadcast %rsqrt3A : vector<2000x1xf32> to vector<2000x128xf32>
    %mul3A_18 = arith.mulf %dot_general3A_17, %mul3A : vector<2000x128xf32>
    %swap3A = arith.constant 0 : index
    %swap3A_19 = arith.constant 0 : index
    %swap3A_20 = vector.load %arg4[%swap3A, %swap3A_19] : memref<2000x128xf32, #tpu.memory_space<vmem>>, vector<2000x128xf32>
    tpu.vector_store %arg4[%swap3A, %swap3A_19], %mul3A_18 {strides = array<i32>} : memref<2000x128xf32, #tpu.memory_space<vmem>>, vector<2000x128xf32>,
    return
  }
  func.func @transform_0(%arg0: i32) -> (i32, i32) {
    %c0_i32 = arith.constant 0 : i32
    %c0_i32_0 = arith.constant 0 : i32
    return %arg0, %c0_i32 : i32, i32
  }
  func.func @transform_1(%arg0: i32) -> (i32, i32) {
    %c0_i32 = arith.constant 0 : i32
    %c0_i32_0 = arith.constant 0 : i32
    %c0_i32_1 = arith.constant 0 : i32
    return %c0_i32, %c0_i32_0 : i32, i32
  }
  func.func @transform_2(%arg0: i32) -> (i32, i32, i32) {
    %c0_i32 = arith.constant 0 : i32
    %c0_i32_0 = arith.constant 0 : i32
    %c0_i32_1 = arith.constant 0 : i32
    return %c0_i32, %arg0, %c0_i32_0 : i32, i32, i32
  }
  func.func @transform_3(%arg0: i32) -> (i32, i32) {
    %c0_i32 = arith.constant 0 : i32
    %c0_i32_0 = arith.constant 0 : i32
    return %arg0, %c0_i32 : i32, i32
  }
}

module attributes {stable_mosaic.version = 14 : i64} {
  func.func @_final_body(%arg0: i32, %arg1: memref<2x2000x128xf32, #tpu.memory_space<vmem>>, %arg2: memref<2x2000x128xf32, #tpu.memory_space<vmem>>, %arg3: memref<1x64xf32, #tpu.memory_space<vmem>>, %arg4: memref<2000x64xf32, #tpu.memory_space<vmem>>) attributes {dimension_semantics = [#tpu.dimension_semantics<arbitrary>], iteration_bounds = array<i64: 5>, scalar_prefetch = 0 : i64, scratch_operands = 0 : i64, tpu.core_type = #tpu.core_type<tc>, window_params = [{transform_indices = @transform_0, window_bounds = array<i64: 2, 2000, 128>}, {transform_indices = @transform_1, window_bounds = array<i64: 2, 2000, 128>}, {pipeline_mode = #tpu.pipeline_mode<synchronous>, transform_indices = @transform_2, window_bounds = array<i64: 1, 64>}, {transform_indices = @transform_3, window_bounds = array<i64: 2000, 64>}]} {
    %get3A = arith.constant 0 : index
    %get3A_0 = arith.constant 0 : index
    %get3A_1 = arith.constant 0 : index
    %get3A_2 = vector.load %arg2[%get3A, %get3A_0, %get3A_1] : memref<2x2000x128xf32, #tpu.memory_space<vmem>>, vector<1x2000x128xf32>
    %get3A_3 = vector.shape_cast %get3A_2 : vector<1x2000x128xf32> to vector<2000x128xf32>
    %get3A_4 = arith.constant 1 : index
    %get3A_5 = arith.constant 0 : index
    %get3A_6 = arith.constant 0 : index
    %get3A_7 = vector.load %arg2[%get3A_4, %get3A_5, %get3A_6] : memref<2x2000x128xf32, #tpu.memory_space<vmem>>, vector<1x2000x128xf32>
    %get3A_8 = vector.shape_cast %get3A_7 : vector<1x2000x128xf32> to vector<2000x128xf32>
    %add3A = arith.addf %get3A_3, %get3A_8 : vector<2000x128xf32>
    %slice3A = vector.extract_strided_slice %add3A {offsets = [0, 0], sizes = [2000, 1], strides = [1, 1]} : vector<2000x128xf32> to vector<2000x1xf32>
    %max3A = arith.constant 1.000000e+00 : f32
    %max3A_9 = vector.broadcast %max3A : f32 to vector<2000x1xf32>
    %max3A_10 = arith.maximumf %slice3A, %max3A_9 : vector<2000x1xf32>
    %rsqrt3A = math.rsqrt %max3A_10 : vector<2000x1xf32>
    %get3A_11 = arith.constant 0 : index
    %get3A_12 = arith.constant 0 : index
    %get3A_13 = arith.constant 0 : index
    %get3A_14 = vector.load %arg1[%get3A_11, %get3A_12, %get3A_13] : memref<2x2000x128xf32, #tpu.memory_space<vmem>>, vector<1x2000x128xf32>
    %get3A_15 = vector.shape_cast %get3A_14 : vector<1x2000x128xf32> to vector<2000x128xf32>
    %get3A_16 = arith.constant 1 : index
    %get3A_17 = arith.constant 0 : index
    %get3A_18 = arith.constant 0 : index
    %get3A_19 = vector.load %arg1[%get3A_16, %get3A_17, %get3A_18] : memref<2x2000x128xf32, #tpu.memory_space<vmem>>, vector<1x2000x128xf32>
    %get3A_20 = vector.shape_cast %get3A_19 : vector<1x2000x128xf32> to vector<2000x128xf32>
    %add3A_21 = arith.addf %get3A_15, %get3A_20 : vector<2000x128xf32>
    %slice3A_22 = vector.extract_strided_slice %add3A_21 {offsets = [0, 0], sizes = [2000, 64], strides = [1, 1]} : vector<2000x128xf32> to vector<2000x64xf32>
    %mul3A = vector.broadcast %rsqrt3A : vector<2000x1xf32> to vector<2000x64xf32>
    %mul3A_23 = arith.mulf %slice3A_22, %mul3A : vector<2000x64xf32>
    %get3A_24 = arith.constant 0 : index
    %get3A_25 = arith.constant 0 : index
    %get3A_26 = vector.load %arg3[%get3A_24, %get3A_25] : memref<1x64xf32, #tpu.memory_space<vmem>>, vector<1x64xf32>
    %add3A_27 = vector.broadcast %get3A_26 : vector<1x64xf32> to vector<2000x64xf32>
    %add3A_28 = arith.addf %mul3A_23, %add3A_27 : vector<2000x64xf32>
    %swap3A = arith.constant 0 : index
    %swap3A_29 = arith.constant 0 : index
    %swap3A_30 = vector.load %arg4[%swap3A, %swap3A_29] : memref<2000x64xf32, #tpu.memory_space<vmem>>, vector<2000x64xf32>
    tpu.vector_store %arg4[%swap3A, %swap3A_29], %add3A_28 {strides = array<i32>} : memref<2000x64xf32, #tpu.memory_space<vmem>>, vector<2000x64xf32>,
    return
  }
  func.func @transform_0(%arg0: i32) -> (i32, i32, i32) {
    %c0_i32 = arith.constant 0 : i32
    %c0_i32_0 = arith.constant 0 : i32
    %c0_i32_1 = arith.constant 0 : i32
    return %c0_i32, %arg0, %c0_i32_0 : i32, i32, i32
  }
  func.func @transform_1(%arg0: i32) -> (i32, i32, i32) {
    %c0_i32 = arith.constant 0 : i32
    %c0_i32_0 = arith.constant 0 : i32
    %c0_i32_1 = arith.constant 0 : i32
    return %c0_i32, %arg0, %c0_i32_0 : i32, i32, i32
  }
  func.func @transform_2(%arg0: i32) -> (i32, i32) {
    %c0_i32 = arith.constant 0 : i32
    %c0_i32_0 = arith.constant 0 : i32
    %c0_i32_1 = arith.constant 0 : i32
    return %c0_i32, %c0_i32_0 : i32, i32
  }
  func.func @transform_3(%arg0: i32) -> (i32, i32) {
    %c0_i32 = arith.constant 0 : i32
    %c0_i32_0 = arith.constant 0 : i32
    return %arg0, %c0_i32 : i32, i32
  }
}

</mosaic_0001>

<sc_bundles>
// kernel: kernel.10.cloned.1.call-start
scs
__scs_entry_jumppad:
0x0: {  	(pc) =	sbr.rel $0x88, $3  }
0x1: {  	(tag) =	ssettag $0x0;
	lr =	simm.s32 $0x1  }
0x2: {  	[smem:$0x3F95] =	sst lr;
	_ =	strace $0xD0000000  }
0x3: {  	_ = 	snop  }
0x4: {  	_ = 	snop  }
0x5: {  	_ = 	snop  }
0x6: {  	_ = 	snop  }
0x7: {  	_ = 	snop  }
__scs_overlays_trampoline_lowered:
0x8: {  	[smem:$0x3FA4] =	sst s0  }
0x9: {  	[smem:$0x3FA5] =	sst s1  }
0xa: {  	[smem:$0x3FA6] =	sst s2  }
0xb: {  	[smem:$0x3FA7] =	sst s3  }
0xc: {  	[smem:$0x3FA8] =	sst s4  }
0xd: {  	[smem:$0x3FA9] =	sst s5  }
0xe: {  	[smem:$0x3FAA] =	sst s6  }
0xf: {  	[smem:$0x3FAB] =	sst s7  }
0x10: {  	[smem:$0x3FAC] =	sst s8  }
0x11: {  	[smem:$0x3FAD] =	sst s9;
	s0 =	simm.s32 @!p0 $0x0  }
0x12: {  	s1 =	sld [smem:$0x3F93];
	s0 =	simm.s32 @p0 $0x1  }
0x13: {  	[smem:$0x3FAE] =	sst s0;
	s0 =	simm.s32 @!p1 $0x0  }
0x14: {  	s2 =	sld [smem:$0x3F92];
	s0 =	simm.s32 @p1 $0x1  }
0x15: {  	[smem:$0x3FAF] =	sst s0;
	s0 =	simm.s32 @!p2 $0x0  }
0x16: {  	s3 =	sld [smem:$0x3FDB];
	s0 =	simm.s32 @p2 $0x1  }
0x17: {  	s4 =	simm.s32 $0x1BF5;
	[smem:$0x3FB1] =	sst s0  }
0x18: {  	s0 =	sld [smem:$0x3F94];
	_ =	swait.ge [sflag:s4], $0x0  }
0x19: {  	s7 =	sld [smem:$0x3F95]  }
0x1a: {  	s8 =	sadd.s32 $0xFFFFE003, lr  }
0x1b: {  	s9 =	sadd.s32 $0xFFFFFEF7, lr;
	s5 =	simm.s32 $0xFFFFFFFF;
	p2 =	slt.u32 s8, $0xFFFFF086  }
0x1c: {  	p1 =	slt.u32 s9, $0xF7A;
	s5 =	simm.s32 @!p2 $0x0  }
0x1d: {  	s5 =	simm.s32 @p1 $0x1;
	p0 =	seq.s32 s7, s2  }
0x1e: {  	s7 =	smul.u32 @!p0 $0xF7A, s2;
	p2 =	seq.s32 @!p0 s5, $0x0  }
0x1f: {  	s9 =	smul.u32 $0xF7A, s1;
	s8 =	simm.s32 @!p0 $0x1BF5;
	p2 =	por !p2, p0  }
0x20: {  	[sflag:s8] =	ssyncset.s32 @!p0 $0xFFFFF086;
	s6 =	sadd.s32 @!p0 s3, s7;
	s7 =	simm.s32 @!p0 $0x108  }
0x21: {  	s3 =	sadd.s32 s3, s9;
	s6 =	sadd.s32 @!p0 $0x88, s6;
	s7 =	simm.s32 @p2 $0x1082  }
0x22: {  	[simem:s7], [sflag:s8] =	dma.local @!p0 [hbm:s6], $0xF7A  }
0x23: {  	s9 =	sor.u32 $0xD0000000, s2;
	s6 =	simm.s32 $0x108;
	_ =	swait.ge @!p0 [sflag:s8], $0x0  }
0x24: {  	s3 =	sadd.s32 $0x88, s3;
	s6 =	simm.s32 @!p1 $0x1082;
	[sflag:s4] =	ssyncset.s32 $0xFFFFF086  }
0x25: {  	[simem:s6], [sflag:s4] =	dma.local [hbm:s3], $0xF7A  }
0x26: {  	[smem:$0x3F95] =	sst s1;
	(tag) =	ssettag s2;
	_ =	strace s9  }
0x27: {  	s1 =	sld [smem:$0x3FA5]  }
0x28: {  	s2 =	sld [smem:$0x3FA6]  }
0x29: {  	s4 =	sld [smem:$0x3FA8]  }
0x2a: {  	p0 =	seq.s32 s5, $0x0;
	s5 =	sld [smem:$0x3FA9]  }
0x2b: {  	s6 =	sld [smem:$0x3FAA]  }
0x2c: {  	s7 =	sld [smem:$0x3FAB]  }
0x2d: {  	s3 =	simm.s32 $0x108;
	s8 =	sld [smem:$0x3FAC]  }
0x2e: {  	s3 =	simm.s32 @!p0 $0x1082;
	s9 =	sld [smem:$0x3FAD]  }
0x2f: {  	lr =	sadd.s32 s0, s3;
	s0 =	sld [smem:$0x3FA4]  }
0x30: {  	s3 =	sld [smem:$0x3FA7]  }
0x31: {  	[smem:$0x3FB0] =	sst s10  }
0x32: {  	s10 =	sld [smem:$0x3FAE];
	_ =	sdelay $0x3  }
0x33: {  	p0 =	seq.s32 s10, $0x1;
	s10 =	sld [smem:$0x3FB0];
	_ =	sdelay $0x3  }
0x34: {  	[smem:$0x3FB0] =	sst s10  }
0x35: {  	s10 =	sld [smem:$0x3FAF];
	_ =	sdelay $0x3  }
0x36: {  	p1 =	seq.s32 s10, $0x1;
	s10 =	sld [smem:$0x3FB0];
	_ =	sdelay $0x3  }
0x37: {  	[smem:$0x3FB0] =	sst s10  }
0x38: {  	s10 =	sld [smem:$0x3FB1]  }
0x39: {  	_ = 	snop;
	(pc) =	sbr.ind lr, $3  }
0x3a: {  	_ = 	snop  }
0x3b: {  	_ = 	snop  }
0x3c: {  	p2 =	seq.s32 s10, $0x1;
	s10 =	sld [smem:$0x3FB0]  }
0x3d: {  	_ =	shalt  }
0x3e: {  	_ =	shalt  }
0x3f: {  	_ =	shalt  }
0x40: {  	_ =	shalt  }
0x41: {  	_ =	shalt  }
0x42: {  	_ =	shalt  }
0x43: {  	_ =	shalt  }
0x44: {  	_ =	shalt  }
0x45: {  	_ =	shalt  }
0x46: {  	_ =	shalt  }
0x47: {  	_ =	shalt  }
0x48: {  	_ =	shalt  }
0x49: {  	_ =	shalt  }
0x4a: {  	_ =	shalt  }
0x4b: {  	_ =	shalt  }
0x4c: {  	_ =	shalt  }
0x4d: {  	_ =	shalt  }
0x4e: {  	_ =	shalt  }
0x4f: {  	_ =	shalt  }
0x50: {  	_ =	shalt  }
0x51: {  	_ =	shalt  }
0x52: {  	_ =	shalt  }
0x53: {  	_ =	shalt  }
0x54: {  	_ =	shalt  }
0x55: {  	_ =	shalt  }
0x56: {  	_ =	shalt  }
0x57: {  	_ =	shalt  }
0x58: {  	_ =	shalt  }
0x59: {  	_ =	shalt  }
0x5a: {  	_ =	shalt  }
0x5b: {  	_ =	shalt  }
0x5c: {  	_ =	shalt  }
0x5d: {  	_ =	shalt  }
0x5e: {  	_ =	shalt  }
0x5f: {  	_ =	shalt  }
0x60: {  	_ =	shalt  }
0x61: {  	_ =	shalt  }
0x62: {  	_ =	shalt  }
0x63: {  	_ =	shalt  }
0x64: {  	_ =	shalt  }
0x65: {  	_ =	shalt  }
0x66: {  	_ =	shalt  }
0x67: {  	_ =	shalt  }
0x68: {  	_ =	shalt  }
0x69: {  	_ =	shalt  }
0x6a: {  	_ =	shalt  }
0x6b: {  	_ =	shalt  }
0x6c: {  	_ =	shalt  }
0x6d: {  	_ =	shalt  }
0x6e: {  	_ =	shalt  }
0x6f: {  	_ =	shalt  }
0x70: {  	_ =	shalt  }
0x71: {  	_ =	shalt  }
0x72: {  	_ =	shalt  }
0x73: {  	_ =	shalt  }
0x74: {  	_ =	shalt  }
0x75: {  	_ =	shalt  }
0x76: {  	_ =	shalt  }
0x77: {  	_ =	shalt  }
0x78: {  	_ =	shalt  }
0x79: {  	_ =	shalt  }
0x7a: {  	_ =	shalt  }
0x7b: {  	_ =	shalt  }
0x7c: {  	_ =	shalt  }
0x7d: {  	_ =	shalt  }
0x7e: {  	_ =	shalt  }
0x7f: {  	_ =	shalt  }
0x80: {  	_ =	shalt  }
0x81: {  	_ =	shalt  }
0x82: {  	_ =	shalt  }
0x83: {  	_ =	shalt  }
0x84: {  	_ =	shalt  }
0x85: {  	_ =	shalt  }
0x86: {  	_ =	shalt  }
0x87: {  	_ =	shalt  }
.Lfunc_end0:
.L_simem_size_0:
called_computation_lowered:
.L_overlay_start_0:
0x88: {  	s2 =	sld [smem:$0x3FD9]  }
0x89: {  	s3 =	sld [smem:$0x3FFE];
	_ =	sdelay $0x1  }
0x8a: {  	s1 =	srdreg.scid  }
0x8b: {  	s0 =	sand.u32 $0x1, s1  }
0x8c: {  	s16 =	sshll.u32 s0, $0xA;
	s2 =	sadd.s32 s3, s2  }
0x8d: {  	s2 =	sadd.s32 s2, s16  }
0x8e: {  	[smem:$0x3FBC] =	sst s2  }
0x8f: {  	_ = 	snop  }
0x90: {  	(tm) =	ssettm $0x1  }
0x91: {  	s17 =	sld [smem:$0x3FFB];
	_ =	sdelay $0x3  }
0x92: {  	_ =	strace s17  }
0x93: {  	s2 =	sld [smem:$0x3FFC];
	_ =	sdelay $0x3  }
0x94: {  	_ =	strace s2  }
0x95: {  	s2 =	sld [smem:$0x3FFD];
	_ =	sdelay $0x3  }
0x96: {  	_ =	strace s2  }
0x97: {  	_ =	strace $0x8FFFFFFF  }
0x98: {  	s18 =	sld [smem:$0x3FDB];
	_ =	sdelay $0x1  }
0x99: {  	s19 =	simm.s32 $_scs_section_size  }
0x9a: {  	s4 =	simm.s32 $_size__tile_overlayer_lowered;
	s5 =	simm.s32 $_tile_overlayer_lowered  }
0x9b: {  	s22 =	simm.s32 $0x1BFF;
	s21 =	sshll.u32 s5, $0x1;
	s2 =	sadd.s32 s19, s18  }
0x9c: {  	s6 =	simm.s32 $0x0;
	s20 =	sshll.u32 s4, $0x1;
	s4 =	sadd.s32 s21, s2  }
0x9d: {  	[timem:s6], [sflag:s22] =	dma.local [hbm:s4], s20  }
0x9e: {  	_ =	swait.ge [sflag:s22], s20  }
0x9f: {  	s3 =	ssub.s32 $0x0, s20;
	[sflag:s22] =	ssyncset.done $0x0  }
0xa0: {  	[sflag:s22] =	ssyncadd.s32 s3;
	_ =	sdelay $0x1  }
0xa1: {  	s23 =	simm.s32 $0x1B8B  }
0xa2: {  	_ =	swait.ge [sflag:s23], $0x1  }
0xa3: {  	[sflag:s23] =	ssyncset.done $0x0  }
0xa4: {  	s25 =	simm.s32 $0x1B8E;
	s24 =	sld [smem:$0x3FFE];
	[sflag:s23] =	ssyncadd.s32 $0xFFFFFFFF  }
0xa5: {  	s26 =	simm.s32 $execute0_lowered;
	[smem:$0x3FD2] =	sst s25  }
0xa6: {  	s4 =	sshll.u32 s26, $0x1;
	_ =	strace $0x80000046;
	[dreg:$0x1] =	wrdreg $0xFFFFFFFF  }
0xa7: {  	s28 =	simm.s32 $_size_execute0_lowered;
	s2 =	sadd.s32 s2, s4;
	[dreg:$0x0] =	wrdreg $0x0  }
0xa8: {  	s4 =	sshll.u32 s28, $0x1;
	[dreg:$0x2] =	wrdreg s2  }
0xa9: {  	[dreg:$0x3] =	wrdreg s4  }
0xaa: {  	[dreg:$0x4] =	wrdreg $0xC0  }
0xab: {  	_ =	task [dreg:s6], $0x5FFFF  }
0xac: {  	[dreg:$0x1] =	wrdreg $0xFFFFFFFF  }
0xad: {  	[dreg:$0x0] =	wrdreg $0x60  }
0xae: {  	[dreg:$0x2] =	wrdreg s24  }
0xaf: {  	[dreg:$0x3] =	wrdreg $0x68000  }
0xb0: {  	[dreg:$0x4] =	wrdreg $0x9  }
0xb1: {  	_ =	task.clear_ibuf [dreg:s6], $0x5FFFF;
	_ =	strace $0x90000046  }
0xb2: {  	s29 =	simm.s32 $0x9;
	_ =	strace $0x80000048  }
0xb3: {  	_ =	swait.ge [sflag:s29], $0x1  }
0xb4: {  	[sflag:s29] =	ssyncadd.s32 $0xFFFFFFFF  }
0xb5: {  	_ =	strace $0x90000048  }
0xb6: {  	_ =	sfence  }
0xb7: {  	s30 =	sld [smem:$0x0];
	_ =	sdelay $0x2  }
0xb8: {  	s31 =	sshll.u32 s1, $0xD;
	s1 =	sshrl.u32 s1, $0x2  }
0xb9: {  	s3 =	sand.u32 $0x4000, s31;
	s1 =	sadd.s32 s1, s30  }
0xba: {  	s0 =	sor.u32 s3, s0;
	s1 =	sshll.u32 s1, $0x11  }
0xbb: {  	s0 =	sor.u32 s1, s0  }
0xbc: {  	s0 =	sadd.s32 $0x8F2B, s0  }
0xbd: {  	[sflag:s0] =	ssyncadd.remote.s32 $0x1  }
0xbe: {  	_ =	sfence.sel $0xFFFF  }
0xbf: {  	[dreg:$0x0] =	wrdreg $0xFFFFFFFF;
	(pc) =	sbr.abs _section_cstart, $3  }
0xc0: {  	[dreg:$0x1] =	wrdreg $0xFFFFFFFF  }
0xc1: {  	_ =	task.clear_ibuf [dreg:s6], $0x2FFFF;
	_ =	strace $0x9FFFFFFF  }
0xc2: {  	(tm) =	ssettm $0x7FFFFFFF  }
0xc3: {  	_ =	shalt  }
tec
execute0_lowered:
.L_overlay_start_1:
0x0: {  	(tag) =	ssettag $0x1  }
0x1: {  	s1 =	srdreg.scid;
	s5 =	rddreg [dreg:$0x0]  }
0x2: {  	s0 =	stileid.u32;
	s2 =	rddreg [dreg:$0x1];
	s3 =	simm.s32 $0x0  }
0x3: {  	s13 =	simm.s32 $0x80;
	s14 =	simm.s32 $0x0;
	s6 =	sand.u32 $0x1, s1  }
0x4: {  	s28 =	sshll.u32 s0, $0x1;
	s1 =	rddreg [dreg:$0x2];
	s7 =	smul.u32 $0x13C00, s0  }
0x5: {  	[smem:$0x7FF] =	sst s3;
	s29 =	smul.u32 $0x4F000, s0;
	s31 =	sshll.u32 s0, $0x6  }
0x6: {  	s4 =	sor.u32 s6, s28;
	_ =	strace $0x80000047;
	s8 =	smul.u32 $0x13C000, s6  }
0x7: {  	s6 =	ssub.s32 $0x2, s6;
	s4 =	smul.u32 $0x500, s4;
	s10 =	sshrl.u32 s7, $0x3  }
0x8: {  	s11 =	sshrl.u32 s6, $0x1;
	s30 =	sshrl.u32 s29, $0x2;
	s7 =	sadd.s32 s7, s8  }
0x9: {  	s10 =	sadd.s32 s10, s5;
	s11 =	ssub.s32 s6, s11;
	s12 =	sadd.s32 s30, s2  }
0xa: {  	s9 =	sadd.s32 s4, s5;
	s4 =	sadd.s32 $0x34C00, s5;
	s7 =	sshrl.u32 s7, $0x3  }
0xb: {  	s6 =	sadd.s32 $0xD400, s10;
	s8 =	smax.u32 s11, $0x1;
	s10 =	simm.s32 $0x2800  }
0xc: {  	s11 =	sor.u32 $0x1C01, s31;
	s12 =	sshrl.u32 s12, $0x3;
	s7 =	sadd.s32 s7, s5  }
0xd: {  	s5 =	sadd.s32 $0x3400, s9;
	s9 =	simm.s32 $0x1;
	s7 =	sadd.s32 $0x35400, s7  }
.LBB2_1:
0xe: {  	[tilespmem:s3], [sflag:$0x1] =	stream.linear.gather [hbm4b:s5+s3], $0x2800, $0x38;
	[tilespmem:$0x1A400] =	vst v63  }
0xf: {  	_ =	swait.ge [sflag:s9], $0x2800  }
0x10: {  	[sflag:s9] =	ssyncset.done $0x0  }
0x11: {  	[sflag:s9] =	ssyncadd.s32 $0xFFFFD800  }
0x12: {  	[tilespmem:s10], [sflag:$0x1] =	stream.linear.gather [hbm4b:s4+s3], $0x4000, $0x38;
	[tilespmem:$0x1A400] =	vst v63  }
0x13: {  	_ =	swait.ge [sflag:s9], $0x4000  }
0x14: {  	[sflag:s9] =	ssyncset.done $0x0  }
0x15: {  	[sflag:s9] =	ssyncadd.s32 $0xFFFFC000  }
0x16: {  	[spmem:s12], [sflag:s11] =	dma.local [hbm:s6], $0x2780  }
0x17: {  	_ =	swait.ge [sflag:s9], $0x2780  }
0x18: {  	[sflag:s9] =	ssyncset.done $0x0  }
0x19: {  	[sflag:s9] =	ssyncadd.s32 $0xFFFFD880  }
0x1a: {  	s15 =	simm.s32 $0x0;
	[bflag:$0x0] =	sbarrier.arrive $0xFFFF  }
0x1b: {  	[spmem:s2] =	stream.indirect.scatter.add.f32 [tilespmem:s10], [sflag:$0x1], $0x80, s15, s13, $0xb8;
	[tilespmem:$0x1A400] =	vst v63  }
0x1c: {  	_ =	swait.ge [sflag:s9], $0x4000  }
0x1d: {  	s15 =	simm.s32 $0x200;
	[sflag:s9] =	ssyncset.done $0x0  }
.LBB2_2:
0x1e: {  	s16 =	sshra.s32 s15, $0x2;
	[sflag:s9] =	ssyncadd.s32 $0xFFFFC000;
	p0 =	sne.s32 s15, $0x9E00  }
0x1f: {  	[spmem:s2] =	stream.indirect.scatter.add.f32 [tilespmem:s10], [sflag:$0x1], $0x80, s16, s13, $0xb8;
	[tilespmem:$0x1A400] =	vst v63  }
.Ltmp0:
0x20: {  	_ = 	snop;
	(pc) =	sbr.rel @p0 .LBB2_2-.Ltmp0, $4  }
0x21: {  	_ = 	snop  }
0x22: {  	s15 =	sadd.s32 $0x200, s15  }
0x23: {  	_ =	swait.ge [sflag:s9], $0x4000  }
0x24: {  	[sflag:s9] =	ssyncset.done $0x0  }
0x25: {  	s14 =	sadd.s32 $0x1, s14  }
0x26: {  	[sflag:s9] =	ssyncadd.s32 $0xFFFFC000;
	p0 =	sne.s32 s14, s8  }
.Ltmp1:
0x27: {  	[bflag:$0x0] =	sbarrier.arrive $0xFFFF;
	(pc) =	sbr.rel @p0 .LBB2_1-.Ltmp1, $4  }
0x28: {  	[hbm:s7], [sflag:s11] =	dma.local [spmem:s12], $0x2780  }
0x29: {  	_ =	swait.ge [sflag:s9], $0x2780  }
0x2a: {  	[sflag:s9] =	ssyncset.done $0x0  }
0x2b: {  	[sflag:s9] =	ssyncadd.s32 $0xFFFFD880  }
0x2c: {  	_ =	sfence.sel $0x180000  }
0x2d: {  	[bflag:$0x0] =	sbarrier.arrive $0xFFFF  }
0x2e: {  	p0 =	sne.s32 s0, $0x0;
	_ =	strace $0x90000047  }
0x2f: {  	s0 =	sadd.s32 @!p0 $0x100000, s1;
	[bflag:$0x2] =	sbarrier.arrive $0xFFFF  }
0x30: {  	[sflag:s0] =	ssyncadd.tile.s32 @!p0 $0x1;
	_ =	shalt  }
.Lfunc_end2:
_tile_overlayer_lowered:
.L_overlay_start_2:
0x31: {  	(tag) =	ssettag $0x2  }
0x32: {  	s0 =	rddreg [dreg:$0x0];
	s2 =	stileid.u32  }
0x33: {  	s1 =	rddreg [dreg:$0x1];
	p0 =	sne.s32 s2, $0x0  }
0x34: {  	s3 =	rddreg [dreg:$0x2];
	[bflag:$0x3] =	sbarrier.arrive $0xFFFF;
	s2 =	simm.s32 @!p0 $0x1C01  }
0x35: {  	[timem:s3], [sflag:s2] =	dma.local @!p0 [hbm:s0], s1  }
0x36: {  	s0 =	simm.s32 @!p0 $0x1  }
0x37: {  	_ =	swait.ge @!p0 [sflag:s0], s1  }
0x38: {  	s1 =	ssub.s32 @!p0 $0x0, s1;
	[sflag:s0] =	ssyncset.done @!p0 $0x0  }
0x39: {  	[sflag:s0] =	ssyncadd.s32 @!p0 s1  }
0x3a: {  	[bflag:$0x3] =	sbarrier.arrive $0xFFFF  }
0x3b: {  	_ =	shalt  }

// kernel: kernel.13.cloned.1.call-start
scs
__scs_entry_jumppad:
0x0: {  	(pc) =	sbr.rel $0x88, $3  }
0x1: {  	(tag) =	ssettag $0x0;
	lr =	simm.s32 $0x1  }
0x2: {  	[smem:$0x3F95] =	sst lr;
	_ =	strace $0xD0000000  }
0x3: {  	_ = 	snop  }
0x4: {  	_ = 	snop  }
0x5: {  	_ = 	snop  }
0x6: {  	_ = 	snop  }
0x7: {  	_ = 	snop  }
__scs_overlays_trampoline_lowered:
0x8: {  	[smem:$0x3FA4] =	sst s0  }
0x9: {  	[smem:$0x3FA5] =	sst s1  }
0xa: {  	[smem:$0x3FA6] =	sst s2  }
0xb: {  	[smem:$0x3FA7] =	sst s3  }
0xc: {  	[smem:$0x3FA8] =	sst s4  }
0xd: {  	[smem:$0x3FA9] =	sst s5  }
0xe: {  	[smem:$0x3FAA] =	sst s6  }
0xf: {  	[smem:$0x3FAB] =	sst s7  }
0x10: {  	[smem:$0x3FAC] =	sst s8  }
0x11: {  	[smem:$0x3FAD] =	sst s9;
	s0 =	simm.s32 @!p0 $0x0  }
0x12: {  	s1 =	sld [smem:$0x3F93];
	s0 =	simm.s32 @p0 $0x1  }
0x13: {  	[smem:$0x3FAE] =	sst s0;
	s0 =	simm.s32 @!p1 $0x0  }
0x14: {  	s2 =	sld [smem:$0x3F92];
	s0 =	simm.s32 @p1 $0x1  }
0x15: {  	[smem:$0x3FAF] =	sst s0;
	s0 =	simm.s32 @!p2 $0x0  }
0x16: {  	s3 =	sld [smem:$0x3FDB];
	s0 =	simm.s32 @p2 $0x1  }
0x17: {  	s4 =	simm.s32 $0x1BF5;
	[smem:$0x3FB1] =	sst s0  }
0x18: {  	s0 =	sld [smem:$0x3F94];
	_ =	swait.ge [sflag:s4], $0x0  }
0x19: {  	s7 =	sld [smem:$0x3F95]  }
0x1a: {  	s8 =	sadd.s32 $0xFFFFE003, lr  }
0x1b: {  	s9 =	sadd.s32 $0xFFFFFEF7, lr;
	s5 =	simm.s32 $0xFFFFFFFF;
	p2 =	slt.u32 s8, $0xFFFFF086  }
0x1c: {  	p1 =	slt.u32 s9, $0xF7A;
	s5 =	simm.s32 @!p2 $0x0  }
0x1d: {  	s5 =	simm.s32 @p1 $0x1;
	p0 =	seq.s32 s7, s2  }
0x1e: {  	s7 =	smul.u32 @!p0 $0xF7A, s2;
	p2 =	seq.s32 @!p0 s5, $0x0  }
0x1f: {  	s9 =	smul.u32 $0xF7A, s1;
	s8 =	simm.s32 @!p0 $0x1BF5;
	p2 =	por !p2, p0  }
0x20: {  	[sflag:s8] =	ssyncset.s32 @!p0 $0xFFFFF086;
	s6 =	sadd.s32 @!p0 s3, s7;
	s7 =	simm.s32 @!p0 $0x108  }
0x21: {  	s3 =	sadd.s32 s3, s9;
	s6 =	sadd.s32 @!p0 $0x88, s6;
	s7 =	simm.s32 @p2 $0x1082  }
0x22: {  	[simem:s7], [sflag:s8] =	dma.local @!p0 [hbm:s6], $0xF7A  }
0x23: {  	s9 =	sor.u32 $0xD0000000, s2;
	s6 =	simm.s32 $0x108;
	_ =	swait.ge @!p0 [sflag:s8], $0x0  }
0x24: {  	s3 =	sadd.s32 $0x88, s3;
	s6 =	simm.s32 @!p1 $0x1082;
	[sflag:s4] =	ssyncset.s32 $0xFFFFF086  }
0x25: {  	[simem:s6], [sflag:s4] =	dma.local [hbm:s3], $0xF7A  }
0x26: {  	[smem:$0x3F95] =	sst s1;
	(tag) =	ssettag s2;
	_ =	strace s9  }
0x27: {  	s1 =	sld [smem:$0x3FA5]  }
0x28: {  	s2 =	sld [smem:$0x3FA6]  }
0x29: {  	s4 =	sld [smem:$0x3FA8]  }
0x2a: {  	p0 =	seq.s32 s5, $0x0;
	s5 =	sld [smem:$0x3FA9]  }
0x2b: {  	s6 =	sld [smem:$0x3FAA]  }
0x2c: {  	s7 =	sld [smem:$0x3FAB]  }
0x2d: {  	s3 =	simm.s32 $0x108;
	s8 =	sld [smem:$0x3FAC]  }
0x2e: {  	s3 =	simm.s32 @!p0 $0x1082;
	s9 =	sld [smem:$0x3FAD]  }
0x2f: {  	lr =	sadd.s32 s0, s3;
	s0 =	sld [smem:$0x3FA4]  }
0x30: {  	s3 =	sld [smem:$0x3FA7]  }
0x31: {  	[smem:$0x3FB0] =	sst s10  }
0x32: {  	s10 =	sld [smem:$0x3FAE];
	_ =	sdelay $0x3  }
0x33: {  	p0 =	seq.s32 s10, $0x1;
	s10 =	sld [smem:$0x3FB0];
	_ =	sdelay $0x3  }
0x34: {  	[smem:$0x3FB0] =	sst s10  }
0x35: {  	s10 =	sld [smem:$0x3FAF];
	_ =	sdelay $0x3  }
0x36: {  	p1 =	seq.s32 s10, $0x1;
	s10 =	sld [smem:$0x3FB0];
	_ =	sdelay $0x3  }
0x37: {  	[smem:$0x3FB0] =	sst s10  }
0x38: {  	s10 =	sld [smem:$0x3FB1]  }
0x39: {  	_ = 	snop;
	(pc) =	sbr.ind lr, $3  }
0x3a: {  	_ = 	snop  }
0x3b: {  	_ = 	snop  }
0x3c: {  	p2 =	seq.s32 s10, $0x1;
	s10 =	sld [smem:$0x3FB0]  }
0x3d: {  	_ =	shalt  }
0x3e: {  	_ =	shalt  }
0x3f: {  	_ =	shalt  }
0x40: {  	_ =	shalt  }
0x41: {  	_ =	shalt  }
0x42: {  	_ =	shalt  }
0x43: {  	_ =	shalt  }
0x44: {  	_ =	shalt  }
0x45: {  	_ =	shalt  }
0x46: {  	_ =	shalt  }
0x47: {  	_ =	shalt  }
0x48: {  	_ =	shalt  }
0x49: {  	_ =	shalt  }
0x4a: {  	_ =	shalt  }
0x4b: {  	_ =	shalt  }
0x4c: {  	_ =	shalt  }
0x4d: {  	_ =	shalt  }
0x4e: {  	_ =	shalt  }
0x4f: {  	_ =	shalt  }
0x50: {  	_ =	shalt  }
0x51: {  	_ =	shalt  }
0x52: {  	_ =	shalt  }
0x53: {  	_ =	shalt  }
0x54: {  	_ =	shalt  }
0x55: {  	_ =	shalt  }
0x56: {  	_ =	shalt  }
0x57: {  	_ =	shalt  }
0x58: {  	_ =	shalt  }
0x59: {  	_ =	shalt  }
0x5a: {  	_ =	shalt  }
0x5b: {  	_ =	shalt  }
0x5c: {  	_ =	shalt  }
0x5d: {  	_ =	shalt  }
0x5e: {  	_ =	shalt  }
0x5f: {  	_ =	shalt  }
0x60: {  	_ =	shalt  }
0x61: {  	_ =	shalt  }
0x62: {  	_ =	shalt  }
0x63: {  	_ =	shalt  }
0x64: {  	_ =	shalt  }
0x65: {  	_ =	shalt  }
0x66: {  	_ =	shalt  }
0x67: {  	_ =	shalt  }
0x68: {  	_ =	shalt  }
0x69: {  	_ =	shalt  }
0x6a: {  	_ =	shalt  }
0x6b: {  	_ =	shalt  }
0x6c: {  	_ =	shalt  }
0x6d: {  	_ =	shalt  }
0x6e: {  	_ =	shalt  }
0x6f: {  	_ =	shalt  }
0x70: {  	_ =	shalt  }
0x71: {  	_ =	shalt  }
0x72: {  	_ =	shalt  }
0x73: {  	_ =	shalt  }
0x74: {  	_ =	shalt  }
0x75: {  	_ =	shalt  }
0x76: {  	_ =	shalt  }
0x77: {  	_ =	shalt  }
0x78: {  	_ =	shalt  }
0x79: {  	_ =	shalt  }
0x7a: {  	_ =	shalt  }
0x7b: {  	_ =	shalt  }
0x7c: {  	_ =	shalt  }
0x7d: {  	_ =	shalt  }
0x7e: {  	_ =	shalt  }
0x7f: {  	_ =	shalt  }
0x80: {  	_ =	shalt  }
0x81: {  	_ =	shalt  }
0x82: {  	_ =	shalt  }
0x83: {  	_ =	shalt  }
0x84: {  	_ =	shalt  }
0x85: {  	_ =	shalt  }
0x86: {  	_ =	shalt  }
0x87: {  	_ =	shalt  }
.Lfunc_end0:
.L_simem_size_0:
called_computation.1_lowered:
.L_overlay_start_0:
0x88: {  	s2 =	sld [smem:$0x3FD9]  }
0x89: {  	s3 =	sld [smem:$0x3FFE];
	_ =	sdelay $0x1  }
0x8a: {  	s1 =	srdreg.scid  }
0x8b: {  	s0 =	sand.u32 $0x1, s1  }
0x8c: {  	s17 =	sshll.u32 s0, $0xA;
	s2 =	sadd.s32 s3, s2  }
0x8d: {  	s2 =	sadd.s32 s2, s17  }
0x8e: {  	[smem:$0x3FBC] =	sst s2  }
0x8f: {  	_ = 	snop  }
0x90: {  	s2 =	sld [smem:$0x3FD0];
	(tm) =	ssettm $0x1  }
0x91: {  	s18 =	sld [smem:$0x3FFB];
	_ =	sdelay $0x3  }
0x92: {  	_ =	strace s18  }
0x93: {  	s3 =	sld [smem:$0x3FFC];
	_ =	sdelay $0x3  }
0x94: {  	_ =	strace s3  }
0x95: {  	s3 =	sld [smem:$0x3FFD];
	_ =	sdelay $0x3  }
0x96: {  	_ =	strace s3  }
0x97: {  	_ =	strace $0x8FFFFFFF  }
0x98: {  	s19 =	sld [smem:$0x3FDB];
	_ =	sdelay $0x1  }
0x99: {  	s4 =	simm.s32 $_scs_section_size  }
0x9a: {  	s5 =	simm.s32 $_size__tile_overlayer_lowered;
	s6 =	simm.s32 $_tile_overlayer_lowered  }
0x9b: {  	s22 =	simm.s32 $0x1BFF;
	s21 =	sshll.u32 s6, $0x1;
	s3 =	sadd.s32 s4, s19  }
0x9c: {  	s7 =	simm.s32 $0x0;
	s20 =	sshll.u32 s5, $0x1;
	s5 =	sadd.s32 s21, s3  }
0x9d: {  	[timem:s7], [sflag:s22] =	dma.local [hbm:s5], s20  }
0x9e: {  	_ =	swait.ge [sflag:s22], s20  }
0x9f: {  	s4 =	ssub.s32 $0x0, s20;
	[sflag:s22] =	ssyncset.done $0x0  }
0xa0: {  	[sflag:s22] =	ssyncadd.s32 s4;
	_ =	sdelay $0x1  }
0xa1: {  	s23 =	simm.s32 $0x1B8B  }
0xa2: {  	_ =	swait.ge [sflag:s23], $0x1  }
0xa3: {  	[sflag:s23] =	ssyncset.done $0x0  }
0xa4: {  	s25 =	simm.s32 $0x1B8E;
	s24 =	sld [smem:$0x3FFE];
	[sflag:s23] =	ssyncadd.s32 $0xFFFFFFFF  }
0xa5: {  	s26 =	simm.s32 $execute0_lowered;
	[smem:$0x3FD2] =	sst s25  }
0xa6: {  	s5 =	sshll.u32 s26, $0x1;
	_ =	strace $0x80000049;
	[dreg:$0x1] =	wrdreg $0xFFFFFFFF  }
0xa7: {  	s28 =	simm.s32 $_size_execute0_lowered;
	s3 =	sadd.s32 s3, s5;
	[dreg:$0x0] =	wrdreg $0x0  }
0xa8: {  	s5 =	sshll.u32 s28, $0x1;
	[dreg:$0x2] =	wrdreg s3  }
0xa9: {  	[dreg:$0x3] =	wrdreg s5  }
0xaa: {  	[dreg:$0x4] =	wrdreg $0xC0  }
0xab: {  	_ =	task [dreg:s7], $0x5FFFF  }
0xac: {  	[dreg:$0x1] =	wrdreg $0xFFFFFFFF  }
0xad: {  	[dreg:$0x0] =	wrdreg $0x60  }
0xae: {  	[dreg:$0x2] =	wrdreg s24  }
0xaf: {  	[dreg:$0x3] =	wrdreg s2  }
0xb0: {  	[dreg:$0x4] =	wrdreg $0x98000  }
0xb1: {  	[dreg:$0x5] =	wrdreg $0x9  }
0xb2: {  	_ =	task.clear_ibuf [dreg:s7], $0x6FFFF;
	_ =	strace $0x90000049  }
0xb3: {  	s29 =	simm.s32 $0x9;
	_ =	strace $0x8000004B  }
0xb4: {  	_ =	swait.ge [sflag:s29], $0x1  }
0xb5: {  	[sflag:s29] =	ssyncadd.s32 $0xFFFFFFFF  }
0xb6: {  	_ =	strace $0x9000004B  }
0xb7: {  	_ =	sfence  }
0xb8: {  	s30 =	sld [smem:$0x0];
	_ =	sdelay $0x2  }
0xb9: {  	s31 =	sshll.u32 s1, $0xD;
	s1 =	sshrl.u32 s1, $0x2  }
0xba: {  	s3 =	sand.u32 $0x4000, s31;
	s1 =	sadd.s32 s1, s30  }
0xbb: {  	s0 =	sor.u32 s3, s0;
	s1 =	sshll.u32 s1, $0x11  }
0xbc: {  	s0 =	sor.u32 s1, s0  }
0xbd: {  	s0 =	sadd.s32 $0x8F2B, s0  }
0xbe: {  	[sflag:s0] =	ssyncadd.remote.s32 $0x1  }
0xbf: {  	_ =	sfence.sel $0xFFFF  }
0xc0: {  	[dreg:$0x0] =	wrdreg $0xFFFFFFFF;
	(pc) =	sbr.abs _section_cstart, $3  }
0xc1: {  	[dreg:$0x1] =	wrdreg $0xFFFFFFFF  }
0xc2: {  	_ =	task.clear_ibuf [dreg:s7], $0x2FFFF;
	_ =	strace $0x9FFFFFFF  }
0xc3: {  	(tm) =	ssettm $0x7FFFFFFF  }
tec
execute0_lowered:
.L_overlay_start_1:
0x0: {  	(tag) =	ssettag $0x1  }
0x1: {  	s1 =	rddreg [dreg:$0x0]  }
0x2: {  	s0 =	srdreg.scid;
	s5 =	rddreg [dreg:$0x1]  }
0x3: {  	s11 =	stileid.u32;
	s2 =	rddreg [dreg:$0x2];
	s3 =	simm.s32 $0x0  }
0x4: {  	s19 =	simm.s32 $0x100;
	s20 =	simm.s32 $0xC80;
	s21 =	simm.s32 $0x180  }
0x5: {  	s22 =	simm.s32 $0xD00;
	s24 =	simm.s32 $0x200;
	[smem:$0x7FF] =	sst s3  }
0x6: {  	s26 =	simm.s32 $0xD80;
	_ =	strace $0x8000004A;
	[dreg:$0x6] =	wrdreg s19  }
0x7: {  	s12 =	simm.s32 $0xE00;
	s13 =	simm.s32 $0x300;
	[dreg:$0x7] =	wrdreg s20  }
0x8: {  	s15 =	simm.s32 $0xE80;
	s17 =	simm.s32 $0x380;
	[dreg:$0x8] =	wrdreg s21  }
0x9: {  	s28 =	simm.s32 $0x880;
	s29 =	simm.s32 $0x1400;
	[dreg:$0x9] =	wrdreg s22  }
0xa: {  	s30 =	simm.s32 $0x900;
	s4 =	smul.u32 $0x6000, s11;
	[dreg:$0xa] =	wrdreg s24  }
0xb: {  	s31 =	simm.s32 $0x1480;
	s7 =	smul.u32 $0x13C00, s11;
	[dreg:$0xb] =	wrdreg s26  }
0xc: {  	s0 =	sand.u32 $0x1, s0;
	s25 =	smul.u32 $0x4F000, s11;
	[dreg:$0xd] =	wrdreg s12  }
0xd: {  	s16 =	sshll.u32 s11, $0x6;
	s6 =	smul.u32 $0x3000, s0;
	[dreg:$0xe] =	wrdreg s13  }
0xe: {  	s11 =	simm.s32 $0xC00;
	s10 =	smul.u32 $0x13C000, s0;
	[dreg:$0xf] =	wrdreg s15  }
0xf: {  	s0 =	ssub.s32 $0x2, s0;
	[dreg:$0x10] =	wrdreg s17;
	s19 =	simm.s32 $0x400  }
0x10: {  	s20 =	simm.s32 $0xF80;
	s21 =	simm.s32 $0x480;
	[dreg:$0x12] =	wrdreg s19  }
0x11: {  	s22 =	simm.s32 $0x1000;
	s12 =	simm.s32 $0x80;
	[dreg:$0x13] =	wrdreg s20  }
0x12: {  	s24 =	simm.s32 $0x1080;
	s13 =	simm.s32 $0x1800;
	[dreg:$0x14] =	wrdreg s21  }
0x13: {  	s26 =	simm.s32 $0x1100;
	s15 =	simm.s32 $0x1;
	[dreg:$0x15] =	wrdreg s22  }
0x14: {  	s17 =	simm.s32 $0x600;
	s9 =	sshrl.u32 s7, $0x3;
	[dreg:$0x17] =	wrdreg s24  }
0x15: {  	s23 =	sshrl.u32 s0, $0x1;
	[dreg:$0x19] =	wrdreg s26;
	s19 =	simm.s32 $0x680  }
0x16: {  	s20 =	simm.s32 $0x1200;
	s21 =	simm.s32 $0x700;
	s22 =	simm.s32 $0x1280  }
0x17: {  	s24 =	simm.s32 $0x1300;
	s26 =	simm.s32 $0x1380;
	s4 =	sadd.s32 s6, s4  }
0x18: {  	s9 =	sadd.s32 s9, s1;
	s18 =	sadd.s32 s7, s10;
	s0 =	ssub.s32 s0, s23  }
0x19: {  	s10 =	sshrl.u32 s25, $0x2;
	s7 =	sor.u32 $0x1C03, s16;
	s23 =	simm.s32 $0x500  }
0x1a: {  	s25 =	simm.s32 $0x580;
	s16 =	simm.s32 $0x2;
	s6 =	sshrl.u32 s4, $0x3  }
0x1b: {  	s4 =	sadd.s32 $0x90400, s1;
	s14 =	sadd.s32 $0xD400, s9;
	[dreg:$0x16] =	wrdreg s23  }
0x1c: {  	s0 =	smax.u32 s0, $0x1;
	[dreg:$0x18] =	wrdreg s25;
	s23 =	simm.s32 $0x780  }
0x1d: {  	s25 =	simm.s32 $0x800;
	s9 =	simm.s32 $0x0;
	[dreg:$0x1b] =	wrdreg s7  }
0x1e: {  	s8 =	sadd.s32 s6, s1;
	s5 =	sadd.s32 s6, s5;
	[dreg:$0x1a] =	wrdreg s14  }
0x1f: {  	s6 =	sshrl.u32 s18, $0x3;
	s18 =	simm.s32 $0xF00;
	[dreg:$0x1d] =	wrdreg s0  }
0x20: {  	s14 =	simm.s32 $0x5800;
	s0 =	simm.s32 $0x1500;
	[dreg:$0x5] =	wrdreg s5  }
0x21: {  	s8 =	sadd.s32 $0x84400, s8;
	s1 =	sadd.s32 s6, s1;
	[dreg:$0x11] =	wrdreg s18  }
0x22: {  	s6 =	sadd.s32 s10, s2;
	[dreg:$0x4] =	wrdreg s8;
	s8 =	simm.s32 $0x280  }
0x23: {  	s10 =	simm.s32 $0x3;
	s1 =	sadd.s32 $0xB7600, s1;
	[dreg:$0xc] =	wrdreg s8  }
0x24: {  	s18 =	simm.s32 $0x1180;
	[dreg:$0x1c] =	wrdreg s1;
	s8 =	sshrl.u32 s6, $0x3  }
0x25: {  	s5 =	simm.s32 $0x1580;
	s1 =	simm.s32 $0x980;
	[dreg:$0x1e] =	wrdreg s8  }
.LBB2_1:
0x26: {  	[dreg:$0x1f] =	wrdreg s9  }
0x27: {  	s6 =	rddreg [dreg:$0x1a]  }
0x28: {  	[spmem:s8], [sflag:s7] =	dma.local [hbm:s6], $0x2780  }
0x29: {  	_ =	swait.ge [sflag:s10], $0x2780  }
0x2a: {  	[sflag:s10] =	ssyncset.done $0x0  }
0x2b: {  	[sflag:s10] =	ssyncadd.s32 $0xFFFFD880  }
0x2c: {  	[bflag:$0x0] =	sbarrier.arrive $0xFFFF  }
0x2d: {  	s9 =	rddreg [dreg:$0x5]  }
0x2e: {  	s6 =	sadd.s32 $0x0, s9  }
0x2f: {  	[tilespmem:s3], [sflag:$0x3] =	stream.linear.gather [hbm4b:s6+s3], $0xA00, $0x38;
	[tilespmem:$0x1D400] =	vst v63  }
0x30: {  	_ =	swait.ge [sflag:s10], $0xA00  }
0x31: {  	s7 =	rddreg [dreg:$0x4];
	[sflag:s10] =	ssyncset.done $0x0  }
0x32: {  	[sflag:s10] =	ssyncadd.s32 $0xFFFFF600;
	s6 =	sadd.s32 $0x0, s7  }
0x33: {  	[tilespmem:s11], [sflag:$0x3] =	stream.linear.gather [hbm4b:s6+s3], $0xA00, $0x38;
	[tilespmem:$0x1D400] =	vst v63  }
0x34: {  	_ =	swait.ge [sflag:s10], $0xA00  }
0x35: {  	[sflag:s10] =	ssyncset.done $0x0  }
0x36: {  	[sflag:s10] =	ssyncadd.s32 $0xFFFFF600  }
0x37: {  	[tilespmem:s13], [sflag:$0x1] =	stream.indirect.gather [hbm4b:s4+s12], $0x80, s3, s12, $0xb8;
	[tilespmem:$0x1D400] =	vst v63  }
0x38: {  	_ = 	snop  }
0x39: {  	[tilespmem:s14], [sflag:$0x2] =	stream.indirect.gather [hbm4b:s4+s12], $0x80, s12, s12, $0xb8;
	[tilespmem:$0x1D400] =	vst v63  }
0x3a: {  	_ =	swait.ge [sflag:s15], $0x4000  }
0x3b: {  	[sflag:s15] =	ssyncset.done $0x0  }
0x3c: {  	[sflag:s15] =	ssyncadd.s32 $0xFFFFC000  }
0x3d: {  	[spmem:s2] =	stream.indirect.scatter.add.f32 [tilespmem:s13], [sflag:$0x3], $0x80, s11, s12, $0xb8;
	[tilespmem:$0x1D400] =	vst v63  }
0x3e: {  	_ =	swait.ge [sflag:s10], $0x4000  }
0x3f: {  	[sflag:s10] =	ssyncset.done $0x0  }
0x40: {  	s8 =	rddreg [dreg:$0x6];
	[sflag:s10] =	ssyncadd.s32 $0xFFFFC000  }
0x41: {  	[tilespmem:s13], [sflag:$0x1] =	stream.indirect.gather [hbm4b:s4+s12], $0x80, s8, s12, $0xb8;
	[tilespmem:$0x1D400] =	vst v63  }
0x42: {  	_ =	swait.ge [sflag:s16], $0x4000  }
0x43: {  	[sflag:s16] =	ssyncset.done $0x0  }
0x44: {  	s9 =	rddreg [dreg:$0x7];
	[sflag:s16] =	ssyncadd.s32 $0xFFFFC000  }
0x45: {  	[spmem:s2] =	stream.indirect.scatter.add.f32 [tilespmem:s14], [sflag:$0x3], $0x80, s9, s12, $0xb8;
	[tilespmem:$0x1D400] =	vst v63  }
0x46: {  	_ =	swait.ge [sflag:s10], $0x4000  }
0x47: {  	[sflag:s10] =	ssyncset.done $0x0  }
0x48: {  	s7 =	rddreg [dreg:$0x8];
	[sflag:s10] =	ssyncadd.s32 $0xFFFFC000  }
0x49: {  	[tilespmem:s14], [sflag:$0x2] =	stream.indirect.gather [hbm4b:s4+s12], $0x80, s7, s12, $0xb8;
	[tilespmem:$0x1D400] =	vst v63  }
0x4a: {  	_ =	swait.ge [sflag:s15], $0x4000  }
0x4b: {  	[sflag:s15] =	ssyncset.done $0x0  }
0x4c: {  	s8 =	rddreg [dreg:$0x9];
	[sflag:s15] =	ssyncadd.s32 $0xFFFFC000  }
0x4d: {  	[spmem:s2] =	stream.indirect.scatter.add.f32 [tilespmem:s13], [sflag:$0x3], $0x80, s8, s12, $0xb8;
	[tilespmem:$0x1D400] =	vst v63  }
0x4e: {  	_ =	swait.ge [sflag:s10], $0x4000  }
0x4f: {  	[sflag:s10] =	ssyncset.done $0x0  }
0x50: {  	s9 =	rddreg [dreg:$0xa];
	[sflag:s10] =	ssyncadd.s32 $0xFFFFC000  }
0x51: {  	[tilespmem:s13], [sflag:$0x1] =	stream.indirect.gather [hbm4b:s4+s12], $0x80, s9, s12, $0xb8;
	[tilespmem:$0x1D400] =	vst v63  }
0x52: {  	_ =	swait.ge [sflag:s16], $0x4000  }
0x53: {  	[sflag:s16] =	ssyncset.done $0x0  }
0x54: {  	s7 =	rddreg [dreg:$0xb];
	[sflag:s16] =	ssyncadd.s32 $0xFFFFC000  }
0x55: {  	[spmem:s2] =	stream.indirect.scatter.add.f32 [tilespmem:s14], [sflag:$0x3], $0x80, s7, s12, $0xb8;
	[tilespmem:$0x1D400] =	vst v63  }
0x56: {  	_ =	swait.ge [sflag:s10], $0x4000  }
0x57: {  	[sflag:s10] =	ssyncset.done $0x0  }
0x58: {  	s8 =	rddreg [dreg:$0xc];
	[sflag:s10] =	ssyncadd.s32 $0xFFFFC000  }
0x59: {  	[tilespmem:s14], [sflag:$0x2] =	stream.indirect.gather [hbm4b:s4+s12], $0x80, s8, s12, $0xb8;
	[tilespmem:$0x1D400] =	vst v63  }
0x5a: {  	_ =	swait.ge [sflag:s15], $0x4000  }
0x5b: {  	[sflag:s15] =	ssyncset.done $0x0  }
0x5c: {  	s9 =	rddreg [dreg:$0xd];
	[sflag:s15] =	ssyncadd.s32 $0xFFFFC000  }
0x5d: {  	[spmem:s2] =	stream.indirect.scatter.add.f32 [tilespmem:s13], [sflag:$0x3], $0x80, s9, s12, $0xb8;
	[tilespmem:$0x1D400] =	vst v63  }
0x5e: {  	_ =	swait.ge [sflag:s10], $0x4000  }
0x5f: {  	[sflag:s10] =	ssyncset.done $0x0  }
0x60: {  	s7 =	rddreg [dreg:$0xe];
	[sflag:s10] =	ssyncadd.s32 $0xFFFFC000  }
0x61: {  	[tilespmem:s13], [sflag:$0x1] =	stream.indirect.gather [hbm4b:s4+s12], $0x80, s7, s12, $0xb8;
	[tilespmem:$0x1D400] =	vst v63  }
0x62: {  	_ =	swait.ge [sflag:s16], $0x4000  }
0x63: {  	[sflag:s16] =	ssyncset.done $0x0  }
0x64: {  	s8 =	rddreg [dreg:$0xf];
	[sflag:s16] =	ssyncadd.s32 $0xFFFFC000  }
0x65: {  	[spmem:s2] =	stream.indirect.scatter.add.f32 [tilespmem:s14], [sflag:$0x3], $0x80, s8, s12, $0xb8;
	[tilespmem:$0x1D400] =	vst v63  }
0x66: {  	_ =	swait.ge [sflag:s10], $0x4000  }
0x67: {  	[sflag:s10] =	ssyncset.done $0x0  }
0x68: {  	s9 =	rddreg [dreg:$0x10];
	[sflag:s10] =	ssyncadd.s32 $0xFFFFC000  }
0x69: {  	[tilespmem:s14], [sflag:$0x2] =	stream.indirect.gather [hbm4b:s4+s12], $0x80, s9, s12, $0xb8;
	[tilespmem:$0x1D400] =	vst v63  }
0x6a: {  	_ =	swait.ge [sflag:s15], $0x4000  }
0x6b: {  	[sflag:s15] =	ssyncset.done $0x0  }
0x6c: {  	s7 =	rddreg [dreg:$0x11];
	[sflag:s15] =	ssyncadd.s32 $0xFFFFC000  }
0x6d: {  	[spmem:s2] =	stream.indirect.scatter.add.f32 [tilespmem:s13], [sflag:$0x3], $0x80, s7, s12, $0xb8;
	[tilespmem:$0x1D400] =	vst v63  }
0x6e: {  	_ =	swait.ge [sflag:s10], $0x4000  }
0x6f: {  	[sflag:s10] =	ssyncset.done $0x0  }
0x70: {  	s8 =	rddreg [dreg:$0x12];
	[sflag:s10] =	ssyncadd.s32 $0xFFFFC000  }
0x71: {  	[tilespmem:s13], [sflag:$0x1] =	stream.indirect.gather [hbm4b:s4+s12], $0x80, s8, s12, $0xb8;
	[tilespmem:$0x1D400] =	vst v63  }
0x72: {  	_ =	swait.ge [sflag:s16], $0x4000  }
0x73: {  	[sflag:s16] =	ssyncset.done $0x0  }
0x74: {  	s9 =	rddreg [dreg:$0x13];
	[sflag:s16] =	ssyncadd.s32 $0xFFFFC000  }
0x75: {  	[spmem:s2] =	stream.indirect.scatter.add.f32 [tilespmem:s14], [sflag:$0x3], $0x80, s9, s12, $0xb8;
	[tilespmem:$0x1D400] =	vst v63  }
0x76: {  	_ =	swait.ge [sflag:s10], $0x4000  }
0x77: {  	[sflag:s10] =	ssyncset.done $0x0  }
0x78: {  	s7 =	rddreg [dreg:$0x14];
	[sflag:s10] =	ssyncadd.s32 $0xFFFFC000  }
0x79: {  	[tilespmem:s14], [sflag:$0x2] =	stream.indirect.gather [hbm4b:s4+s12], $0x80, s7, s12, $0xb8;
	[tilespmem:$0x1D400] =	vst v63  }
0x7a: {  	_ =	swait.ge [sflag:s15], $0x4000  }
0x7b: {  	[sflag:s15] =	ssyncset.done $0x0  }
0x7c: {  	s8 =	rddreg [dreg:$0x15];
	[sflag:s15] =	ssyncadd.s32 $0xFFFFC000  }
0x7d: {  	[spmem:s2] =	stream.indirect.scatter.add.f32 [tilespmem:s13], [sflag:$0x3], $0x80, s8, s12, $0xb8;
	[tilespmem:$0x1D400] =	vst v63  }
0x7e: {  	_ =	swait.ge [sflag:s10], $0x4000  }
0x7f: {  	[sflag:s10] =	ssyncset.done $0x0  }
0x80: {  	s9 =	rddreg [dreg:$0x16];
	[sflag:s10] =	ssyncadd.s32 $0xFFFFC000  }
0x81: {  	[tilespmem:s13], [sflag:$0x1] =	stream.indirect.gather [hbm4b:s4+s12], $0x80, s9, s12, $0xb8;
	[tilespmem:$0x1D400] =	vst v63  }
0x82: {  	_ =	swait.ge [sflag:s16], $0x4000  }
0x83: {  	[sflag:s16] =	ssyncset.done $0x0  }
0x84: {  	s7 =	rddreg [dreg:$0x17];
	[sflag:s16] =	ssyncadd.s32 $0xFFFFC000  }
0x85: {  	[spmem:s2] =	stream.indirect.scatter.add.f32 [tilespmem:s14], [sflag:$0x3], $0x80, s7, s12, $0xb8;
	[tilespmem:$0x1D400] =	vst v63  }
0x86: {  	_ =	swait.ge [sflag:s10], $0x4000  }
0x87: {  	[sflag:s10] =	ssyncset.done $0x0  }
0x88: {  	s8 =	rddreg [dreg:$0x18];
	[sflag:s10] =	ssyncadd.s32 $0xFFFFC000  }
0x89: {  	[tilespmem:s14], [sflag:$0x2] =	stream.indirect.gather [hbm4b:s4+s12], $0x80, s8, s12, $0xb8;
	[tilespmem:$0x1D400] =	vst v63  }
0x8a: {  	_ =	swait.ge [sflag:s15], $0x4000  }
0x8b: {  	[sflag:s15] =	ssyncset.done $0x0  }
0x8c: {  	s9 =	rddreg [dreg:$0x19];
	[sflag:s15] =	ssyncadd.s32 $0xFFFFC000  }
0x8d: {  	[spmem:s2] =	stream.indirect.scatter.add.f32 [tilespmem:s13], [sflag:$0x3], $0x80, s9, s12, $0xb8;
	[tilespmem:$0x1D400] =	vst v63  }
0x8e: {  	_ =	swait.ge [sflag:s10], $0x4000  }
0x8f: {  	[sflag:s10] =	ssyncset.done $0x0  }
0x90: {  	[sflag:s10] =	ssyncadd.s32 $0xFFFFC000  }
0x91: {  	[tilespmem:s13], [sflag:$0x1] =	stream.indirect.gather [hbm4b:s4+s12], $0x80, s17, s12, $0xb8;
	[tilespmem:$0x1D400] =	vst v63  }
0x92: {  	_ =	swait.ge [sflag:s16], $0x4000  }
0x93: {  	[sflag:s16] =	ssyncset.done $0x0  }
0x94: {  	[sflag:s16] =	ssyncadd.s32 $0xFFFFC000  }
0x95: {  	[spmem:s2] =	stream.indirect.scatter.add.f32 [tilespmem:s14], [sflag:$0x3], $0x80, s18, s12, $0xb8;
	[tilespmem:$0x1D400] =	vst v63  }
0x96: {  	_ =	swait.ge [sflag:s10], $0x4000  }
0x97: {  	[sflag:s10] =	ssyncset.done $0x0  }
0x98: {  	[sflag:s10] =	ssyncadd.s32 $0xFFFFC000  }
0x99: {  	[tilespmem:s14], [sflag:$0x2] =	stream.indirect.gather [hbm4b:s4+s12], $0x80, s19, s12, $0xb8;
	[tilespmem:$0x1D400] =	vst v63  }
0x9a: {  	_ =	swait.ge [sflag:s15], $0x4000  }
0x9b: {  	[sflag:s15] =	ssyncset.done $0x0  }
0x9c: {  	[sflag:s15] =	ssyncadd.s32 $0xFFFFC000  }
0x9d: {  	[spmem:s2] =	stream.indirect.scatter.add.f32 [tilespmem:s13], [sflag:$0x3], $0x80, s20, s12, $0xb8;
	[tilespmem:$0x1D400] =	vst v63  }
0x9e: {  	_ =	swait.ge [sflag:s10], $0x4000  }
0x9f: {  	[sflag:s10] =	ssyncset.done $0x0  }
0xa0: {  	[sflag:s10] =	ssyncadd.s32 $0xFFFFC000  }
0xa1: {  	[tilespmem:s13], [sflag:$0x1] =	stream.indirect.gather [hbm4b:s4+s12], $0x80, s21, s12, $0xb8;
	[tilespmem:$0x1D400] =	vst v63  }
0xa2: {  	_ =	swait.ge [sflag:s16], $0x4000  }
0xa3: {  	[sflag:s16] =	ssyncset.done $0x0  }
0xa4: {  	[sflag:s16] =	ssyncadd.s32 $0xFFFFC000  }
0xa5: {  	[spmem:s2] =	stream.indirect.scatter.add.f32 [tilespmem:s14], [sflag:$0x3], $0x80, s22, s12, $0xb8;
	[tilespmem:$0x1D400] =	vst v63  }
0xa6: {  	_ =	swait.ge [sflag:s10], $0x4000  }
0xa7: {  	[sflag:s10] =	ssyncset.done $0x0  }
0xa8: {  	[sflag:s10] =	ssyncadd.s32 $0xFFFFC000  }
0xa9: {  	[tilespmem:s14], [sflag:$0x2] =	stream.indirect.gather [hbm4b:s4+s12], $0x80, s23, s12, $0xb8;
	[tilespmem:$0x1D400] =	vst v63  }
0xaa: {  	_ =	swait.ge [sflag:s15], $0x4000  }
0xab: {  	[sflag:s15] =	ssyncset.done $0x0  }
0xac: {  	[sflag:s15] =	ssyncadd.s32 $0xFFFFC000  }
0xad: {  	[spmem:s2] =	stream.indirect.scatter.add.f32 [tilespmem:s13], [sflag:$0x3], $0x80, s24, s12, $0xb8;
	[tilespmem:$0x1D400] =	vst v63  }
0xae: {  	_ =	swait.ge [sflag:s10], $0x4000  }
0xaf: {  	[sflag:s10] =	ssyncset.done $0x0  }
0xb0: {  	[sflag:s10] =	ssyncadd.s32 $0xFFFFC000  }
0xb1: {  	[tilespmem:s13], [sflag:$0x1] =	stream.indirect.gather [hbm4b:s4+s12], $0x80, s25, s12, $0xb8;
	[tilespmem:$0x1D400] =	vst v63  }
0xb2: {  	_ =	swait.ge [sflag:s16], $0x4000  }
0xb3: {  	[sflag:s16] =	ssyncset.done $0x0  }
0xb4: {  	[sflag:s16] =	ssyncadd.s32 $0xFFFFC000  }
0xb5: {  	[spmem:s2] =	stream.indirect.scatter.add.f32 [tilespmem:s14], [sflag:$0x3], $0x80, s26, s12, $0xb8;
	[tilespmem:$0x1D400] =	vst v63  }
0xb6: {  	_ =	swait.ge [sflag:s10], $0x4000  }
0xb7: {  	[sflag:s10] =	ssyncset.done $0x0  }
0xb8: {  	[sflag:s10] =	ssyncadd.s32 $0xFFFFC000  }
0xb9: {  	[tilespmem:s14], [sflag:$0x2] =	stream.indirect.gather [hbm4b:s4+s12], $0x80, s28, s12, $0xb8;
	[tilespmem:$0x1D400] =	vst v63  }
0xba: {  	_ =	swait.ge [sflag:s15], $0x4000  }
0xbb: {  	[sflag:s15] =	ssyncset.done $0x0  }
0xbc: {  	[sflag:s15] =	ssyncadd.s32 $0xFFFFC000  }
0xbd: {  	[spmem:s2] =	stream.indirect.scatter.add.f32 [tilespmem:s13], [sflag:$0x3], $0x80, s29, s12, $0xb8;
	[tilespmem:$0x1D400] =	vst v63  }
0xbe: {  	_ =	swait.ge [sflag:s10], $0x4000  }
0xbf: {  	[sflag:s10] =	ssyncset.done $0x0  }
0xc0: {  	[sflag:s10] =	ssyncadd.s32 $0xFFFFC000  }
0xc1: {  	[tilespmem:s13], [sflag:$0x1] =	stream.indirect.gather [hbm4b:s4+s12], $0x80, s30, s12, $0xb8;
	[tilespmem:$0x1D400] =	vst v63  }
0xc2: {  	_ =	swait.ge [sflag:s16], $0x4000  }
0xc3: {  	[sflag:s16] =	ssyncset.done $0x0  }
0xc4: {  	[sflag:s16] =	ssyncadd.s32 $0xFFFFC000  }
0xc5: {  	[spmem:s2] =	stream.indirect.scatter.add.f32 [tilespmem:s14], [sflag:$0x3], $0x80, s31, s12, $0xb8;
	[tilespmem:$0x1D400] =	vst v63  }
0xc6: {  	_ =	swait.ge [sflag:s10], $0x4000  }
0xc7: {  	[sflag:s10] =	ssyncset.done $0x0  }
0xc8: {  	[sflag:s10] =	ssyncadd.s32 $0xFFFFC000  }
0xc9: {  	[tilespmem:s14], [sflag:$0x2] =	stream.indirect.gather [hbm4b:s4+s12], $0x80, s1, s12, $0xb8;
	[tilespmem:$0x1D400] =	vst v63  }
0xca: {  	_ =	swait.ge [sflag:s15], $0x4000  }
0xcb: {  	[sflag:s15] =	ssyncset.done $0x0  }
0xcc: {  	[sflag:s15] =	ssyncadd.s32 $0xFFFFC000  }
0xcd: {  	[spmem:s2] =	stream.indirect.scatter.add.f32 [tilespmem:s13], [sflag:$0x3], $0x80, s0, s12, $0xb8;
	[tilespmem:$0x1D400] =	vst v63  }
0xce: {  	_ =	swait.ge [sflag:s10], $0x4000  }
0xcf: {  	[sflag:s10] =	ssyncset.done $0x0  }
0xd0: {  	[sflag:s10] =	ssyncadd.s32 $0xFFFFC000  }
0xd1: {  	_ =	swait.ge [sflag:s16], $0x4000  }
0xd2: {  	[sflag:s16] =	ssyncset.done $0x0  }
0xd3: {  	[sflag:s16] =	ssyncadd.s32 $0xFFFFC000  }
0xd4: {  	[spmem:s2] =	stream.indirect.scatter.add.f32 [tilespmem:s14], [sflag:$0x3], $0x80, s5, s12, $0xb8;
	[tilespmem:$0x1D400] =	vst v63  }
0xd5: {  	s6 =	simm.s32 $0x300;
	_ =	swait.ge [sflag:s10], $0x4000  }
0xd6: {  	s8 =	simm.s32 $0x180;
	s9 =	rddreg [dreg:$0x5];
	[sflag:s10] =	ssyncset.done $0x0  }
.LBB2_2:
0xd7: {  	[sflag:s10] =	ssyncadd.s32 $0xFFFFC000;
	s9 =	sadd.s32 s8, s9  }
0xd8: {  	[tilespmem:s3], [sflag:$0x3] =	stream.linear.gather [hbm4b:s9+s3], $0xA00, $0x38;
	[tilespmem:$0x1D400] =	vst v63  }
0xd9: {  	_ =	swait.ge [sflag:s10], $0xA00  }
0xda: {  	s9 =	rddreg [dreg:$0x4];
	[sflag:s10] =	ssyncset.done $0x0  }
0xdb: {  	[sflag:s10] =	ssyncadd.s32 $0xFFFFF600;
	s9 =	sadd.s32 s8, s9  }
0xdc: {  	[tilespmem:s11], [sflag:$0x3] =	stream.linear.gather [hbm4b:s9+s3], $0xA00, $0x38;
	[tilespmem:$0x1D400] =	vst v63  }
0xdd: {  	_ =	swait.ge [sflag:s10], $0xA00  }
0xde: {  	[sflag:s10] =	ssyncset.done $0x0  }
0xdf: {  	[sflag:s10] =	ssyncadd.s32 $0xFFFFF600  }
0xe0: {  	[tilespmem:s13], [sflag:$0x1] =	stream.indirect.gather [hbm4b:s4+s12], $0x80, s3, s12, $0xb8;
	[tilespmem:$0x1D400] =	vst v63  }
0xe1: {  	_ = 	snop  }
0xe2: {  	[tilespmem:s14], [sflag:$0x2] =	stream.indirect.gather [hbm4b:s4+s12], $0x80, s12, s12, $0xb8;
	[tilespmem:$0x1D400] =	vst v63  }
0xe3: {  	_ =	swait.ge [sflag:s15], $0x4000  }
0xe4: {  	[sflag:s15] =	ssyncset.done $0x0  }
0xe5: {  	[sflag:s15] =	ssyncadd.s32 $0xFFFFC000  }
0xe6: {  	[spmem:s2] =	stream.indirect.scatter.add.f32 [tilespmem:s13], [sflag:$0x3], $0x80, s11, s12, $0xb8;
	[tilespmem:$0x1D400] =	vst v63  }
0xe7: {  	_ =	swait.ge [sflag:s10], $0x4000  }
0xe8: {  	[sflag:s10] =	ssyncset.done $0x0  }
0xe9: {  	s9 =	rddreg [dreg:$0x6];
	[sflag:s10] =	ssyncadd.s32 $0xFFFFC000  }
0xea: {  	[tilespmem:s13], [sflag:$0x1] =	stream.indirect.gather [hbm4b:s4+s12], $0x80, s9, s12, $0xb8;
	[tilespmem:$0x1D400] =	vst v63  }
0xeb: {  	_ =	swait.ge [sflag:s16], $0x4000  }
0xec: {  	[sflag:s16] =	ssyncset.done $0x0  }
0xed: {  	s9 =	rddreg [dreg:$0x7];
	[sflag:s16] =	ssyncadd.s32 $0xFFFFC000  }
0xee: {  	[spmem:s2] =	stream.indirect.scatter.add.f32 [tilespmem:s14], [sflag:$0x3], $0x80, s9, s12, $0xb8;
	[tilespmem:$0x1D400] =	vst v63  }
0xef: {  	_ =	swait.ge [sflag:s10], $0x4000  }
0xf0: {  	[sflag:s10] =	ssyncset.done $0x0  }
0xf1: {  	s9 =	rddreg [dreg:$0x8];
	[sflag:s10] =	ssyncadd.s32 $0xFFFFC000  }
0xf2: {  	[tilespmem:s14], [sflag:$0x2] =	stream.indirect.gather [hbm4b:s4+s12], $0x80, s9, s12, $0xb8;
	[tilespmem:$0x1D400] =	vst v63  }
0xf3: {  	_ =	swait.ge [sflag:s15], $0x4000  }
0xf4: {  	[sflag:s15] =	ssyncset.done $0x0  }
0xf5: {  	s9 =	rddreg [dreg:$0x9];
	[sflag:s15] =	ssyncadd.s32 $0xFFFFC000  }
0xf6: {  	[spmem:s2] =	stream.indirect.scatter.add.f32 [tilespmem:s13], [sflag:$0x3], $0x80, s9, s12, $0xb8;
	[tilespmem:$0x1D400] =	vst v63  }
0xf7: {  	_ =	swait.ge [sflag:s10], $0x4000  }
0xf8: {  	[sflag:s10] =	ssyncset.done $0x0  }
0xf9: {  	s9 =	rddreg [dreg:$0xa];
	[sflag:s10] =	ssyncadd.s32 $0xFFFFC000  }
0xfa: {  	[tilespmem:s13], [sflag:$0x1] =	stream.indirect.gather [hbm4b:s4+s12], $0x80, s9, s12, $0xb8;
	[tilespmem:$0x1D400] =	vst v63  }
0xfb: {  	_ =	swait.ge [sflag:s16], $0x4000  }
0xfc: {  	[sflag:s16] =	ssyncset.done $0x0  }
0xfd: {  	s9 =	rddreg [dreg:$0xb];
	[sflag:s16] =	ssyncadd.s32 $0xFFFFC000  }
0xfe: {  	[spmem:s2] =	stream.indirect.scatter.add.f32 [tilespmem:s14], [sflag:$0x3], $0x80, s9, s12, $0xb8;
	[tilespmem:$0x1D400] =	vst v63  }
0xff: {  	_ =	swait.ge [sflag:s10], $0x4000  }
0x100: {  	[sflag:s10] =	ssyncset.done $0x0  }
0x101: {  	s9 =	rddreg [dreg:$0xc];
	[sflag:s10] =	ssyncadd.s32 $0xFFFFC000  }
0x102: {  	[tilespmem:s14], [sflag:$0x2] =	stream.indirect.gather [hbm4b:s4+s12], $0x80, s9, s12, $0xb8;
	[tilespmem:$0x1D400] =	vst v63  }
0x103: {  	_ =	swait.ge [sflag:s15], $0x4000  }
0x104: {  	[sflag:s15] =	ssyncset.done $0x0  }
0x105: {  	s9 =	rddreg [dreg:$0xd];
	[sflag:s15] =	ssyncadd.s32 $0xFFFFC000  }
0x106: {  	[spmem:s2] =	stream.indirect.scatter.add.f32 [tilespmem:s13], [sflag:$0x3], $0x80, s9, s12, $0xb8;
	[tilespmem:$0x1D400] =	vst v63  }
0x107: {  	_ =	swait.ge [sflag:s10], $0x4000  }
0x108: {  	[sflag:s10] =	ssyncset.done $0x0  }
0x109: {  	s9 =	rddreg [dreg:$0xe];
	[sflag:s10] =	ssyncadd.s32 $0xFFFFC000  }
0x10a: {  	[tilespmem:s13], [sflag:$0x1] =	stream.indirect.gather [hbm4b:s4+s12], $0x80, s9, s12, $0xb8;
	[tilespmem:$0x1D400] =	vst v63  }
0x10b: {  	_ =	swait.ge [sflag:s16], $0x4000  }
0x10c: {  	[sflag:s16] =	ssyncset.done $0x0  }
0x10d: {  	s9 =	rddreg [dreg:$0xf];
	[sflag:s16] =	ssyncadd.s32 $0xFFFFC000  }
0x10e: {  	[spmem:s2] =	stream.indirect.scatter.add.f32 [tilespmem:s14], [sflag:$0x3], $0x80, s9, s12, $0xb8;
	[tilespmem:$0x1D400] =	vst v63  }
0x10f: {  	_ =	swait.ge [sflag:s10], $0x4000  }
0x110: {  	[sflag:s10] =	ssyncset.done $0x0  }
0x111: {  	s9 =	rddreg [dreg:$0x10];
	[sflag:s10] =	ssyncadd.s32 $0xFFFFC000  }
0x112: {  	[tilespmem:s14], [sflag:$0x2] =	stream.indirect.gather [hbm4b:s4+s12], $0x80, s9, s12, $0xb8;
	[tilespmem:$0x1D400] =	vst v63  }
0x113: {  	_ =	swait.ge [sflag:s15], $0x4000  }
0x114: {  	[sflag:s15] =	ssyncset.done $0x0  }
0x115: {  	s9 =	rddreg [dreg:$0x11];
	[sflag:s15] =	ssyncadd.s32 $0xFFFFC000  }
0x116: {  	[spmem:s2] =	stream.indirect.scatter.add.f32 [tilespmem:s13], [sflag:$0x3], $0x80, s9, s12, $0xb8;
	[tilespmem:$0x1D400] =	vst v63  }
0x117: {  	_ =	swait.ge [sflag:s10], $0x4000  }
0x118: {  	[sflag:s10] =	ssyncset.done $0x0  }
0x119: {  	s9 =	rddreg [dreg:$0x12];
	[sflag:s10] =	ssyncadd.s32 $0xFFFFC000  }
0x11a: {  	[tilespmem:s13], [sflag:$0x1] =	stream.indirect.gather [hbm4b:s4+s12], $0x80, s9, s12, $0xb8;
	[tilespmem:$0x1D400] =	vst v63  }
0x11b: {  	_ =	swait.ge [sflag:s16], $0x4000  }
0x11c: {  	[sflag:s16] =	ssyncset.done $0x0  }
0x11d: {  	s9 =	rddreg [dreg:$0x13];
	[sflag:s16] =	ssyncadd.s32 $0xFFFFC000  }
0x11e: {  	[spmem:s2] =	stream.indirect.scatter.add.f32 [tilespmem:s14], [sflag:$0x3], $0x80, s9, s12, $0xb8;
	[tilespmem:$0x1D400] =	vst v63  }
0x11f: {  	_ =	swait.ge [sflag:s10], $0x4000  }
0x120: {  	[sflag:s10] =	ssyncset.done $0x0  }
0x121: {  	s9 =	rddreg [dreg:$0x14];
	[sflag:s10] =	ssyncadd.s32 $0xFFFFC000  }
0x122: {  	[tilespmem:s14], [sflag:$0x2] =	stream.indirect.gather [hbm4b:s4+s12], $0x80, s9, s12, $0xb8;
	[tilespmem:$0x1D400] =	vst v63  }
0x123: {  	_ =	swait.ge [sflag:s15], $0x4000  }
0x124: {  	[sflag:s15] =	ssyncset.done $0x0  }
0x125: {  	s9 =	rddreg [dreg:$0x15];
	[sflag:s15] =	ssyncadd.s32 $0xFFFFC000  }
0x126: {  	[spmem:s2] =	stream.indirect.scatter.add.f32 [tilespmem:s13], [sflag:$0x3], $0x80, s9, s12, $0xb8;
	[tilespmem:$0x1D400] =	vst v63  }
0x127: {  	_ =	swait.ge [sflag:s10], $0x4000  }
0x128: {  	[sflag:s10] =	ssyncset.done $0x0  }
0x129: {  	s9 =	rddreg [dreg:$0x16];
	[sflag:s10] =	ssyncadd.s32 $0xFFFFC000  }
0x12a: {  	[tilespmem:s13], [sflag:$0x1] =	stream.indirect.gather [hbm4b:s4+s12], $0x80, s9, s12, $0xb8;
	[tilespmem:$0x1D400] =	vst v63  }
0x12b: {  	_ =	swait.ge [sflag:s16], $0x4000  }
0x12c: {  	[sflag:s16] =	ssyncset.done $0x0  }
0x12d: {  	s9 =	rddreg [dreg:$0x17];
	[sflag:s16] =	ssyncadd.s32 $0xFFFFC000  }
0x12e: {  	[spmem:s2] =	stream.indirect.scatter.add.f32 [tilespmem:s14], [sflag:$0x3], $0x80, s9, s12, $0xb8;
	[tilespmem:$0x1D400] =	vst v63  }
0x12f: {  	_ =	swait.ge [sflag:s10], $0x4000  }
0x130: {  	[sflag:s10] =	ssyncset.done $0x0  }
0x131: {  	s9 =	rddreg [dreg:$0x18];
	[sflag:s10] =	ssyncadd.s32 $0xFFFFC000  }
0x132: {  	[tilespmem:s14], [sflag:$0x2] =	stream.indirect.gather [hbm4b:s4+s12], $0x80, s9, s12, $0xb8;
	[tilespmem:$0x1D400] =	vst v63  }
0x133: {  	_ =	swait.ge [sflag:s15], $0x4000  }
0x134: {  	[sflag:s15] =	ssyncset.done $0x0  }
0x135: {  	s9 =	rddreg [dreg:$0x19];
	[sflag:s15] =	ssyncadd.s32 $0xFFFFC000  }
0x136: {  	[spmem:s2] =	stream.indirect.scatter.add.f32 [tilespmem:s13], [sflag:$0x3], $0x80, s9, s12, $0xb8;
	[tilespmem:$0x1D400] =	vst v63  }
0x137: {  	_ =	swait.ge [sflag:s10], $0x4000  }
0x138: {  	[sflag:s10] =	ssyncset.done $0x0  }
0x139: {  	[sflag:s10] =	ssyncadd.s32 $0xFFFFC000  }
0x13a: {  	[tilespmem:s13], [sflag:$0x1] =	stream.indirect.gather [hbm4b:s4+s12], $0x80, s17, s12, $0xb8;
	[tilespmem:$0x1D400] =	vst v63  }
0x13b: {  	_ =	swait.ge [sflag:s16], $0x4000  }
0x13c: {  	[sflag:s16] =	ssyncset.done $0x0  }
0x13d: {  	[sflag:s16] =	ssyncadd.s32 $0xFFFFC000  }
0x13e: {  	[spmem:s2] =	stream.indirect.scatter.add.f32 [tilespmem:s14], [sflag:$0x3], $0x80, s18, s12, $0xb8;
	[tilespmem:$0x1D400] =	vst v63  }
0x13f: {  	_ =	swait.ge [sflag:s10], $0x4000  }
0x140: {  	[sflag:s10] =	ssyncset.done $0x0  }
0x141: {  	[sflag:s10] =	ssyncadd.s32 $0xFFFFC000  }
0x142: {  	[tilespmem:s14], [sflag:$0x2] =	stream.indirect.gather [hbm4b:s4+s12], $0x80, s19, s12, $0xb8;
	[tilespmem:$0x1D400] =	vst v63  }
0x143: {  	_ =	swait.ge [sflag:s15], $0x4000  }
0x144: {  	[sflag:s15] =	ssyncset.done $0x0  }
0x145: {  	[sflag:s15] =	ssyncadd.s32 $0xFFFFC000  }
0x146: {  	[spmem:s2] =	stream.indirect.scatter.add.f32 [tilespmem:s13], [sflag:$0x3], $0x80, s20, s12, $0xb8;
	[tilespmem:$0x1D400] =	vst v63  }
0x147: {  	_ =	swait.ge [sflag:s10], $0x4000  }
0x148: {  	[sflag:s10] =	ssyncset.done $0x0  }
0x149: {  	[sflag:s10] =	ssyncadd.s32 $0xFFFFC000  }
0x14a: {  	[tilespmem:s13], [sflag:$0x1] =	stream.indirect.gather [hbm4b:s4+s12], $0x80, s21, s12, $0xb8;
	[tilespmem:$0x1D400] =	vst v63  }
0x14b: {  	_ =	swait.ge [sflag:s16], $0x4000  }
0x14c: {  	[sflag:s16] =	ssyncset.done $0x0  }
0x14d: {  	[sflag:s16] =	ssyncadd.s32 $0xFFFFC000  }
0x14e: {  	[spmem:s2] =	stream.indirect.scatter.add.f32 [tilespmem:s14], [sflag:$0x3], $0x80, s22, s12, $0xb8;
	[tilespmem:$0x1D400] =	vst v63  }
0x14f: {  	_ =	swait.ge [sflag:s10], $0x4000  }
0x150: {  	[sflag:s10] =	ssyncset.done $0x0  }
0x151: {  	[sflag:s10] =	ssyncadd.s32 $0xFFFFC000  }
0x152: {  	[tilespmem:s14], [sflag:$0x2] =	stream.indirect.gather [hbm4b:s4+s12], $0x80, s23, s12, $0xb8;
	[tilespmem:$0x1D400] =	vst v63  }
0x153: {  	_ =	swait.ge [sflag:s15], $0x4000  }
0x154: {  	[sflag:s15] =	ssyncset.done $0x0  }
0x155: {  	[sflag:s15] =	ssyncadd.s32 $0xFFFFC000  }
0x156: {  	[spmem:s2] =	stream.indirect.scatter.add.f32 [tilespmem:s13], [sflag:$0x3], $0x80, s24, s12, $0xb8;
	[tilespmem:$0x1D400] =	vst v63  }
0x157: {  	_ =	swait.ge [sflag:s10], $0x4000  }
0x158: {  	[sflag:s10] =	ssyncset.done $0x0  }
0x159: {  	[sflag:s10] =	ssyncadd.s32 $0xFFFFC000  }
0x15a: {  	[tilespmem:s13], [sflag:$0x1] =	stream.indirect.gather [hbm4b:s4+s12], $0x80, s25, s12, $0xb8;
	[tilespmem:$0x1D400] =	vst v63  }
0x15b: {  	_ =	swait.ge [sflag:s16], $0x4000  }
0x15c: {  	[sflag:s16] =	ssyncset.done $0x0  }
0x15d: {  	[sflag:s16] =	ssyncadd.s32 $0xFFFFC000  }
0x15e: {  	[spmem:s2] =	stream.indirect.scatter.add.f32 [tilespmem:s14], [sflag:$0x3], $0x80, s26, s12, $0xb8;
	[tilespmem:$0x1D400] =	vst v63  }
0x15f: {  	_ =	swait.ge [sflag:s10], $0x4000  }
0x160: {  	[sflag:s10] =	ssyncset.done $0x0  }
0x161: {  	[sflag:s10] =	ssyncadd.s32 $0xFFFFC000  }
0x162: {  	[tilespmem:s14], [sflag:$0x2] =	stream.indirect.gather [hbm4b:s4+s12], $0x80, s28, s12, $0xb8;
	[tilespmem:$0x1D400] =	vst v63  }
0x163: {  	_ =	swait.ge [sflag:s15], $0x4000  }
0x164: {  	[sflag:s15] =	ssyncset.done $0x0  }
0x165: {  	[sflag:s15] =	ssyncadd.s32 $0xFFFFC000  }
0x166: {  	[spmem:s2] =	stream.indirect.scatter.add.f32 [tilespmem:s13], [sflag:$0x3], $0x80, s29, s12, $0xb8;
	[tilespmem:$0x1D400] =	vst v63  }
0x167: {  	_ =	swait.ge [sflag:s10], $0x4000  }
0x168: {  	[sflag:s10] =	ssyncset.done $0x0  }
0x169: {  	[sflag:s10] =	ssyncadd.s32 $0xFFFFC000  }
0x16a: {  	[tilespmem:s13], [sflag:$0x1] =	stream.indirect.gather [hbm4b:s4+s12], $0x80, s30, s12, $0xb8;
	[tilespmem:$0x1D400] =	vst v63  }
0x16b: {  	_ =	swait.ge [sflag:s16], $0x4000  }
0x16c: {  	[sflag:s16] =	ssyncset.done $0x0  }
0x16d: {  	[sflag:s16] =	ssyncadd.s32 $0xFFFFC000  }
0x16e: {  	[spmem:s2] =	stream.indirect.scatter.add.f32 [tilespmem:s14], [sflag:$0x3], $0x80, s31, s12, $0xb8;
	[tilespmem:$0x1D400] =	vst v63  }
0x16f: {  	_ =	swait.ge [sflag:s10], $0x4000  }
0x170: {  	[sflag:s10] =	ssyncset.done $0x0  }
0x171: {  	[sflag:s10] =	ssyncadd.s32 $0xFFFFC000  }
0x172: {  	[tilespmem:s14], [sflag:$0x2] =	stream.indirect.gather [hbm4b:s4+s12], $0x80, s1, s12, $0xb8;
	[tilespmem:$0x1D400] =	vst v63  }
0x173: {  	_ =	swait.ge [sflag:s15], $0x4000  }
0x174: {  	[sflag:s15] =	ssyncset.done $0x0  }
0x175: {  	[sflag:s15] =	ssyncadd.s32 $0xFFFFC000  }
0x176: {  	[spmem:s2] =	stream.indirect.scatter.add.f32 [tilespmem:s13], [sflag:$0x3], $0x80, s0, s12, $0xb8;
	[tilespmem:$0x1D400] =	vst v63  }
0x177: {  	_ =	swait.ge [sflag:s10], $0x4000  }
0x178: {  	[sflag:s10] =	ssyncset.done $0x0  }
0x179: {  	[sflag:s10] =	ssyncadd.s32 $0xFFFFC000  }
0x17a: {  	p0 =	sne.s32 s6, $0x480;
	_ =	swait.ge [sflag:s16], $0x4000  }
.Ltmp0:
0x17b: {  	[sflag:s16] =	ssyncset.done $0x0;
	(pc) =	sbr.rel @p0 .LBB2_2-.Ltmp0, $4  }
0x17c: {  	[sflag:s16] =	ssyncadd.s32 $0xFFFFC000  }
0x17d: {  	[spmem:s2] =	stream.indirect.scatter.add.f32 [tilespmem:s14], [sflag:$0x3], $0x80, s5, s12, $0xb8;
	[tilespmem:$0x1D400] =	vst v63  }
0x17e: {  	s7 =	smov.u32 s6;
	s6 =	sadd.s32 $0x180, s6;
	_ =	swait.ge [sflag:s10], $0x4000  }
0x17f: {  	s8 =	smov.u32 s7;
	s9 =	rddreg [dreg:$0x5];
	[sflag:s10] =	ssyncset.done $0x0  }
0x180: {  	[sflag:s10] =	ssyncadd.s32 $0xFFFFC000;
	s6 =	sadd.s32 s8, s9  }
0x181: {  	[tilespmem:s3], [sflag:$0x3] =	stream.linear.gather [hbm4b:s6+s3], $0xA00, $0x38;
	[tilespmem:$0x1D400] =	vst v63  }
0x182: {  	_ =	swait.ge [sflag:s10], $0xA00  }
0x183: {  	s9 =	rddreg [dreg:$0x4];
	[sflag:s10] =	ssyncset.done $0x0  }
0x184: {  	s6 =	sadd.s32 s8, s9;
	[sflag:s10] =	ssyncadd.s32 $0xFFFFF600  }
0x185: {  	[tilespmem:s11], [sflag:$0x3] =	stream.linear.gather [hbm4b:s6+s3], $0xA00, $0x38;
	[tilespmem:$0x1D400] =	vst v63  }
0x186: {  	_ =	swait.ge [sflag:s10], $0xA00  }
0x187: {  	[sflag:s10] =	ssyncset.done $0x0  }
0x188: {  	[sflag:s10] =	ssyncadd.s32 $0xFFFFF600  }
0x189: {  	[tilespmem:s13], [sflag:$0x1] =	stream.indirect.gather [hbm4b:s4+s12], $0x80, s3, s12, $0xb8;
	[tilespmem:$0x1D400] =	vst v63  }
0x18a: {  	_ = 	snop  }
0x18b: {  	[tilespmem:s14], [sflag:$0x2] =	stream.indirect.gather [hbm4b:s4+s12], $0x80, s12, s12, $0xb8;
	[tilespmem:$0x1D400] =	vst v63  }
0x18c: {  	_ =	swait.ge [sflag:s15], $0x4000  }
0x18d: {  	[sflag:s15] =	ssyncset.done $0x0  }
0x18e: {  	[sflag:s15] =	ssyncadd.s32 $0xFFFFC000  }
0x18f: {  	[spmem:s2] =	stream.indirect.scatter.add.f32 [tilespmem:s13], [sflag:$0x3], $0x80, s11, s12, $0xb8;
	[tilespmem:$0x1D400] =	vst v63  }
0x190: {  	_ =	swait.ge [sflag:s10], $0x4000  }
0x191: {  	[sflag:s10] =	ssyncset.done $0x0  }
0x192: {  	s7 =	rddreg [dreg:$0x6];
	[sflag:s10] =	ssyncadd.s32 $0xFFFFC000  }
0x193: {  	[tilespmem:s13], [sflag:$0x1] =	stream.indirect.gather [hbm4b:s4+s12], $0x80, s7, s12, $0xb8;
	[tilespmem:$0x1D400] =	vst v63  }
0x194: {  	_ =	swait.ge [sflag:s16], $0x4000  }
0x195: {  	[sflag:s16] =	ssyncset.done $0x0  }
0x196: {  	s8 =	rddreg [dreg:$0x7];
	[sflag:s16] =	ssyncadd.s32 $0xFFFFC000  }
0x197: {  	[spmem:s2] =	stream.indirect.scatter.add.f32 [tilespmem:s14], [sflag:$0x3], $0x80, s8, s12, $0xb8;
	[tilespmem:$0x1D400] =	vst v63  }
0x198: {  	_ =	swait.ge [sflag:s10], $0x4000  }
0x199: {  	[sflag:s10] =	ssyncset.done $0x0  }
0x19a: {  	s9 =	rddreg [dreg:$0x8];
	[sflag:s10] =	ssyncadd.s32 $0xFFFFC000  }
0x19b: {  	[tilespmem:s14], [sflag:$0x2] =	stream.indirect.gather [hbm4b:s4+s12], $0x80, s9, s12, $0xb8;
	[tilespmem:$0x1D400] =	vst v63  }
0x19c: {  	_ =	swait.ge [sflag:s15], $0x4000  }
0x19d: {  	[sflag:s15] =	ssyncset.done $0x0  }
0x19e: {  	s7 =	rddreg [dreg:$0x9];
	[sflag:s15] =	ssyncadd.s32 $0xFFFFC000  }
0x19f: {  	[spmem:s2] =	stream.indirect.scatter.add.f32 [tilespmem:s13], [sflag:$0x3], $0x80, s7, s12, $0xb8;
	[tilespmem:$0x1D400] =	vst v63  }
0x1a0: {  	_ =	swait.ge [sflag:s10], $0x4000  }
0x1a1: {  	[sflag:s10] =	ssyncset.done $0x0  }
0x1a2: {  	s8 =	rddreg [dreg:$0xa];
	[sflag:s10] =	ssyncadd.s32 $0xFFFFC000  }
0x1a3: {  	[tilespmem:s13], [sflag:$0x1] =	stream.indirect.gather [hbm4b:s4+s12], $0x80, s8, s12, $0xb8;
	[tilespmem:$0x1D400] =	vst v63  }
0x1a4: {  	_ =	swait.ge [sflag:s16], $0x4000  }
0x1a5: {  	[sflag:s16] =	ssyncset.done $0x0  }
0x1a6: {  	s9 =	rddreg [dreg:$0xb];
	[sflag:s16] =	ssyncadd.s32 $0xFFFFC000  }
0x1a7: {  	[spmem:s2] =	stream.indirect.scatter.add.f32 [tilespmem:s14], [sflag:$0x3], $0x80, s9, s12, $0xb8;
	[tilespmem:$0x1D400] =	vst v63  }
0x1a8: {  	_ =	swait.ge [sflag:s10], $0x4000  }
0x1a9: {  	[sflag:s10] =	ssyncset.done $0x0  }
0x1aa: {  	s7 =	rddreg [dreg:$0xc];
	[sflag:s10] =	ssyncadd.s32 $0xFFFFC000  }
0x1ab: {  	[tilespmem:s14], [sflag:$0x2] =	stream.indirect.gather [hbm4b:s4+s12], $0x80, s7, s12, $0xb8;
	[tilespmem:$0x1D400] =	vst v63  }
0x1ac: {  	_ =	swait.ge [sflag:s15], $0x4000  }
0x1ad: {  	[sflag:s15] =	ssyncset.done $0x0  }
0x1ae: {  	s8 =	rddreg [dreg:$0xd];
	[sflag:s15] =	ssyncadd.s32 $0xFFFFC000  }
0x1af: {  	[spmem:s2] =	stream.indirect.scatter.add.f32 [tilespmem:s13], [sflag:$0x3], $0x80, s8, s12, $0xb8;
	[tilespmem:$0x1D400] =	vst v63  }
0x1b0: {  	_ =	swait.ge [sflag:s10], $0x4000  }
0x1b1: {  	[sflag:s10] =	ssyncset.done $0x0  }
0x1b2: {  	s9 =	rddreg [dreg:$0xe];
	[sflag:s10] =	ssyncadd.s32 $0xFFFFC000  }
0x1b3: {  	[tilespmem:s13], [sflag:$0x1] =	stream.indirect.gather [hbm4b:s4+s12], $0x80, s9, s12, $0xb8;
	[tilespmem:$0x1D400] =	vst v63  }
0x1b4: {  	_ =	swait.ge [sflag:s16], $0x4000  }
0x1b5: {  	[sflag:s16] =	ssyncset.done $0x0  }
0x1b6: {  	s7 =	rddreg [dreg:$0xf];
	[sflag:s16] =	ssyncadd.s32 $0xFFFFC000  }
0x1b7: {  	[spmem:s2] =	stream.indirect.scatter.add.f32 [tilespmem:s14], [sflag:$0x3], $0x80, s7, s12, $0xb8;
	[tilespmem:$0x1D400] =	vst v63  }
0x1b8: {  	_ =	swait.ge [sflag:s10], $0x4000  }
0x1b9: {  	[sflag:s10] =	ssyncset.done $0x0  }
0x1ba: {  	s8 =	rddreg [dreg:$0x10];
	[sflag:s10] =	ssyncadd.s32 $0xFFFFC000  }
0x1bb: {  	[tilespmem:s14], [sflag:$0x2] =	stream.indirect.gather [hbm4b:s4+s12], $0x80, s8, s12, $0xb8;
	[tilespmem:$0x1D400] =	vst v63  }
0x1bc: {  	_ =	swait.ge [sflag:s15], $0x4000  }
0x1bd: {  	[sflag:s15] =	ssyncset.done $0x0  }
0x1be: {  	s9 =	rddreg [dreg:$0x11];
	[sflag:s15] =	ssyncadd.s32 $0xFFFFC000  }
0x1bf: {  	[spmem:s2] =	stream.indirect.scatter.add.f32 [tilespmem:s13], [sflag:$0x3], $0x80, s9, s12, $0xb8;
	[tilespmem:$0x1D400] =	vst v63  }
0x1c0: {  	_ =	swait.ge [sflag:s10], $0x4000  }
0x1c1: {  	[sflag:s10] =	ssyncset.done $0x0  }
0x1c2: {  	s7 =	rddreg [dreg:$0x12];
	[sflag:s10] =	ssyncadd.s32 $0xFFFFC000  }
0x1c3: {  	[tilespmem:s13], [sflag:$0x1] =	stream.indirect.gather [hbm4b:s4+s12], $0x80, s7, s12, $0xb8;
	[tilespmem:$0x1D400] =	vst v63  }
0x1c4: {  	_ =	swait.ge [sflag:s16], $0x4000  }
0x1c5: {  	[sflag:s16] =	ssyncset.done $0x0  }
0x1c6: {  	s8 =	rddreg [dreg:$0x13];
	[sflag:s16] =	ssyncadd.s32 $0xFFFFC000  }
0x1c7: {  	[spmem:s2] =	stream.indirect.scatter.add.f32 [tilespmem:s14], [sflag:$0x3], $0x80, s8, s12, $0xb8;
	[tilespmem:$0x1D400] =	vst v63  }
0x1c8: {  	_ =	swait.ge [sflag:s10], $0x4000  }
0x1c9: {  	[sflag:s10] =	ssyncset.done $0x0  }
0x1ca: {  	s9 =	rddreg [dreg:$0x14];
	[sflag:s10] =	ssyncadd.s32 $0xFFFFC000  }
0x1cb: {  	[tilespmem:s14], [sflag:$0x2] =	stream.indirect.gather [hbm4b:s4+s12], $0x80, s9, s12, $0xb8;
	[tilespmem:$0x1D400] =	vst v63  }
0x1cc: {  	_ =	swait.ge [sflag:s15], $0x4000  }
0x1cd: {  	[sflag:s15] =	ssyncset.done $0x0  }
0x1ce: {  	s7 =	rddreg [dreg:$0x15];
	[sflag:s15] =	ssyncadd.s32 $0xFFFFC000  }
0x1cf: {  	[spmem:s2] =	stream.indirect.scatter.add.f32 [tilespmem:s13], [sflag:$0x3], $0x80, s7, s12, $0xb8;
	[tilespmem:$0x1D400] =	vst v63  }
0x1d0: {  	_ =	swait.ge [sflag:s10], $0x4000  }
0x1d1: {  	[sflag:s10] =	ssyncset.done $0x0  }
0x1d2: {  	s8 =	rddreg [dreg:$0x16];
	[sflag:s10] =	ssyncadd.s32 $0xFFFFC000  }
0x1d3: {  	[tilespmem:s13], [sflag:$0x1] =	stream.indirect.gather [hbm4b:s4+s12], $0x80, s8, s12, $0xb8;
	[tilespmem:$0x1D400] =	vst v63  }
0x1d4: {  	_ =	swait.ge [sflag:s16], $0x4000  }
0x1d5: {  	[sflag:s16] =	ssyncset.done $0x0  }
0x1d6: {  	s9 =	rddreg [dreg:$0x17];
	[sflag:s16] =	ssyncadd.s32 $0xFFFFC000  }
0x1d7: {  	[spmem:s2] =	stream.indirect.scatter.add.f32 [tilespmem:s14], [sflag:$0x3], $0x80, s9, s12, $0xb8;
	[tilespmem:$0x1D400] =	vst v63  }
0x1d8: {  	_ =	swait.ge [sflag:s10], $0x4000  }
0x1d9: {  	[sflag:s10] =	ssyncset.done $0x0  }
0x1da: {  	s7 =	rddreg [dreg:$0x18];
	[sflag:s10] =	ssyncadd.s32 $0xFFFFC000  }
0x1db: {  	[tilespmem:s14], [sflag:$0x2] =	stream.indirect.gather [hbm4b:s4+s12], $0x80, s7, s12, $0xb8;
	[tilespmem:$0x1D400] =	vst v63  }
0x1dc: {  	_ =	swait.ge [sflag:s15], $0x4000  }
0x1dd: {  	[sflag:s15] =	ssyncset.done $0x0  }
0x1de: {  	s8 =	rddreg [dreg:$0x19];
	[sflag:s15] =	ssyncadd.s32 $0xFFFFC000  }
0x1df: {  	[spmem:s2] =	stream.indirect.scatter.add.f32 [tilespmem:s13], [sflag:$0x3], $0x80, s8, s12, $0xb8;
	[tilespmem:$0x1D400] =	vst v63  }
0x1e0: {  	_ =	swait.ge [sflag:s10], $0x4000  }
0x1e1: {  	[sflag:s10] =	ssyncset.done $0x0  }
0x1e2: {  	[sflag:s10] =	ssyncadd.s32 $0xFFFFC000  }
0x1e3: {  	[tilespmem:s13], [sflag:$0x1] =	stream.indirect.gather [hbm4b:s4+s12], $0x80, s17, s12, $0xb8;
	[tilespmem:$0x1D400] =	vst v63  }
0x1e4: {  	_ =	swait.ge [sflag:s16], $0x4000  }
0x1e5: {  	[sflag:s16] =	ssyncset.done $0x0  }
0x1e6: {  	[sflag:s16] =	ssyncadd.s32 $0xFFFFC000  }
0x1e7: {  	[spmem:s2] =	stream.indirect.scatter.add.f32 [tilespmem:s14], [sflag:$0x3], $0x80, s18, s12, $0xb8;
	[tilespmem:$0x1D400] =	vst v63  }
0x1e8: {  	_ =	swait.ge [sflag:s10], $0x4000  }
0x1e9: {  	[sflag:s10] =	ssyncset.done $0x0  }
0x1ea: {  	[sflag:s10] =	ssyncadd.s32 $0xFFFFC000  }
0x1eb: {  	[tilespmem:s14], [sflag:$0x2] =	stream.indirect.gather [hbm4b:s4+s12], $0x80, s19, s12, $0xb8;
	[tilespmem:$0x1D400] =	vst v63  }
0x1ec: {  	_ =	swait.ge [sflag:s15], $0x4000  }
0x1ed: {  	[sflag:s15] =	ssyncset.done $0x0  }
0x1ee: {  	[sflag:s15] =	ssyncadd.s32 $0xFFFFC000  }
0x1ef: {  	[spmem:s2] =	stream.indirect.scatter.add.f32 [tilespmem:s13], [sflag:$0x3], $0x80, s20, s12, $0xb8;
	[tilespmem:$0x1D400] =	vst v63  }
0x1f0: {  	_ =	swait.ge [sflag:s10], $0x4000  }
0x1f1: {  	[sflag:s10] =	ssyncset.done $0x0  }
0x1f2: {  	[sflag:s10] =	ssyncadd.s32 $0xFFFFC000  }
0x1f3: {  	[tilespmem:s13], [sflag:$0x1] =	stream.indirect.gather [hbm4b:s4+s12], $0x80, s21, s12, $0xb8;
	[tilespmem:$0x1D400] =	vst v63  }
0x1f4: {  	_ =	swait.ge [sflag:s16], $0x4000  }
0x1f5: {  	[sflag:s16] =	ssyncset.done $0x0  }
0x1f6: {  	[sflag:s16] =	ssyncadd.s32 $0xFFFFC000  }
0x1f7: {  	[spmem:s2] =	stream.indirect.scatter.add.f32 [tilespmem:s14], [sflag:$0x3], $0x80, s22, s12, $0xb8;
	[tilespmem:$0x1D400] =	vst v63  }
0x1f8: {  	_ =	swait.ge [sflag:s10], $0x4000  }
0x1f9: {  	[sflag:s10] =	ssyncset.done $0x0  }
0x1fa: {  	[sflag:s10] =	ssyncadd.s32 $0xFFFFC000  }
0x1fb: {  	[tilespmem:s14], [sflag:$0x2] =	stream.indirect.gather [hbm4b:s4+s12], $0x80, s23, s12, $0xb8;
	[tilespmem:$0x1D400] =	vst v63  }
0x1fc: {  	_ =	swait.ge [sflag:s15], $0x4000  }
0x1fd: {  	[sflag:s15] =	ssyncset.done $0x0  }
0x1fe: {  	[sflag:s15] =	ssyncadd.s32 $0xFFFFC000  }
0x1ff: {  	[spmem:s2] =	stream.indirect.scatter.add.f32 [tilespmem:s13], [sflag:$0x3], $0x80, s24, s12, $0xb8;
	[tilespmem:$0x1D400] =	vst v63  }
0x200: {  	_ =	swait.ge [sflag:s10], $0x4000  }
0x201: {  	[sflag:s10] =	ssyncset.done $0x0  }
0x202: {  	[sflag:s10] =	ssyncadd.s32 $0xFFFFC000  }
0x203: {  	[tilespmem:s13], [sflag:$0x1] =	stream.indirect.gather [hbm4b:s4+s12], $0x80, s25, s12, $0xb8;
	[tilespmem:$0x1D400] =	vst v63  }
0x204: {  	_ =	swait.ge [sflag:s16], $0x4000  }
0x205: {  	[sflag:s16] =	ssyncset.done $0x0  }
0x206: {  	[sflag:s16] =	ssyncadd.s32 $0xFFFFC000  }
0x207: {  	[spmem:s2] =	stream.indirect.scatter.add.f32 [tilespmem:s14], [sflag:$0x3], $0x80, s26, s12, $0xb8;
	[tilespmem:$0x1D400] =	vst v63  }
0x208: {  	_ =	swait.ge [sflag:s10], $0x4000  }
0x209: {  	[sflag:s10] =	ssyncset.done $0x0  }
0x20a: {  	[sflag:s10] =	ssyncadd.s32 $0xFFFFC000  }
0x20b: {  	[tilespmem:s14], [sflag:$0x2] =	stream.indirect.gather [hbm4b:s4+s12], $0x80, s28, s12, $0xb8;
	[tilespmem:$0x1D400] =	vst v63  }
0x20c: {  	_ =	swait.ge [sflag:s15], $0x4000  }
0x20d: {  	[sflag:s15] =	ssyncset.done $0x0  }
0x20e: {  	[sflag:s15] =	ssyncadd.s32 $0xFFFFC000  }
0x20f: {  	[spmem:s2] =	stream.indirect.scatter.add.f32 [tilespmem:s13], [sflag:$0x3], $0x80, s29, s12, $0xb8;
	[tilespmem:$0x1D400] =	vst v63  }
0x210: {  	_ =	swait.ge [sflag:s10], $0x4000  }
0x211: {  	[sflag:s10] =	ssyncset.done $0x0  }
0x212: {  	[sflag:s10] =	ssyncadd.s32 $0xFFFFC000  }
0x213: {  	[tilespmem:s13], [sflag:$0x1] =	stream.indirect.gather [hbm4b:s4+s12], $0x80, s30, s12, $0xb8;
	[tilespmem:$0x1D400] =	vst v63  }
0x214: {  	_ =	swait.ge [sflag:s16], $0x4000  }
0x215: {  	[sflag:s16] =	ssyncset.done $0x0  }
0x216: {  	[sflag:s16] =	ssyncadd.s32 $0xFFFFC000  }
0x217: {  	[spmem:s2] =	stream.indirect.scatter.add.f32 [tilespmem:s14], [sflag:$0x3], $0x80, s31, s12, $0xb8;
	[tilespmem:$0x1D400] =	vst v63  }
0x218: {  	_ =	swait.ge [sflag:s10], $0x4000  }
0x219: {  	[sflag:s10] =	ssyncset.done $0x0  }
0x21a: {  	[sflag:s10] =	ssyncadd.s32 $0xFFFFC000  }
0x21b: {  	[tilespmem:s14], [sflag:$0x2] =	stream.indirect.gather [hbm4b:s4+s12], $0x80, s1, s12, $0xb8;
	[tilespmem:$0x1D400] =	vst v63  }
0x21c: {  	_ =	swait.ge [sflag:s15], $0x4000  }
0x21d: {  	[sflag:s15] =	ssyncset.done $0x0  }
0x21e: {  	[sflag:s15] =	ssyncadd.s32 $0xFFFFC000  }
0x21f: {  	[spmem:s2] =	stream.indirect.scatter.add.f32 [tilespmem:s13], [sflag:$0x3], $0x80, s0, s12, $0xb8;
	[tilespmem:$0x1D400] =	vst v63  }
0x220: {  	_ =	swait.ge [sflag:s10], $0x4000  }
0x221: {  	[sflag:s10] =	ssyncset.done $0x0  }
0x222: {  	[sflag:s10] =	ssyncadd.s32 $0xFFFFC000  }
0x223: {  	_ =	swait.ge [sflag:s16], $0x4000  }
0x224: {  	[sflag:s16] =	ssyncset.done $0x0  }
0x225: {  	[sflag:s16] =	ssyncadd.s32 $0xFFFFC000  }
0x226: {  	[spmem:s2] =	stream.indirect.scatter.add.f32 [tilespmem:s14], [sflag:$0x3], $0x80, s5, s12, $0xb8;
	[tilespmem:$0x1D400] =	vst v63  }
0x227: {  	_ =	swait.ge [sflag:s10], $0x4000  }
0x228: {  	[sflag:s10] =	ssyncset.done $0x0  }
0x229: {  	[sflag:s10] =	ssyncadd.s32 $0xFFFFC000  }
0x22a: {  	[bflag:$0x0] =	sbarrier.arrive $0xFFFF  }
0x22b: {  	s7 =	rddreg [dreg:$0x1b]  }
0x22c: {  	s9 =	rddreg [dreg:$0x1c]  }
0x22d: {  	s8 =	rddreg [dreg:$0x1e]  }
0x22e: {  	[hbm:s9], [sflag:s7] =	dma.local [spmem:s8], $0x2780  }
0x22f: {  	_ =	swait.ge [sflag:s10], $0x2780  }
0x230: {  	s6 =	rddreg [dreg:$0x1f]  }
0x231: {  	s9 =	sadd.s32 $0x1, s6;
	s6 =	rddreg [dreg:$0x1d]  }
0x232: {  	p0 =	sne.s32 s9, s6  }
.Ltmp1:
0x233: {  	_ = 	snop;
	(pc) =	sbr.rel @p0 .LBB2_1-.Ltmp1, $3  }
0x234: {  	_ =	sdelay $0x1  }
0x235: {  	[sflag:s10] =	ssyncset.done $0x0  }
0x236: {  	[sflag:s10] =	ssyncadd.s32 $0xFFFFD880  }
0x237: {  	_ =	sfence.sel $0x180000  }
0x238: {  	[bflag:$0x0] =	sbarrier.arrive $0xFFFF  }
0x239: {  	_ =	strace $0x9000004A  }
0x23a: {  	s0 =	stileid.u32;
	[bflag:$0x2] =	sbarrier.arrive $0xFFFF  }
0x23b: {  	p0 =	sne.s32 s0, $0x0;
	s0 =	rddreg [dreg:$0x3]  }
0x23c: {  	s0 =	sadd.s32 @!p0 $0x100000, s0  }
0x23d: {  	[sflag:s0] =	ssyncadd.tile.s32 @!p0 $0x1;
	_ =	shalt  }
.Lfunc_end2:
_tile_overlayer_lowered:
.L_overlay_start_2:
0x23e: {  	(tag) =	ssettag $0x2  }
0x23f: {  	s0 =	rddreg [dreg:$0x0];
	s2 =	stileid.u32  }
0x240: {  	s1 =	rddreg [dreg:$0x1];
	p0 =	sne.s32 s2, $0x0  }
0x241: {  	s3 =	rddreg [dreg:$0x2];
	[bflag:$0x3] =	sbarrier.arrive $0xFFFF;
	s2 =	simm.s32 @!p0 $0x1C03  }
0x242: {  	[timem:s3], [sflag:s2] =	dma.local @!p0 [hbm:s0], s1  }
0x243: {  	s0 =	simm.s32 @!p0 $0x3  }
0x244: {  	_ =	swait.ge @!p0 [sflag:s0], s1  }
0x245: {  	s1 =	ssub.s32 @!p0 $0x0, s1;
	[sflag:s0] =	ssyncset.done @!p0 $0x0  }
0x246: {  	[sflag:s0] =	ssyncadd.s32 @!p0 s1  }
0x247: {  	[bflag:$0x3] =	sbarrier.arrive $0xFFFF  }
0x248: {  	_ =	shalt  }

// kernel: kernel.16.cloned.1.call-start
scs
__scs_entry_jumppad:
0x0: {  	(pc) =	sbr.rel $0x88, $3  }
0x1: {  	(tag) =	ssettag $0x0;
	lr =	simm.s32 $0x1  }
0x2: {  	[smem:$0x3F95] =	sst lr;
	_ =	strace $0xD0000000  }
0x3: {  	_ = 	snop  }
0x4: {  	_ = 	snop  }
0x5: {  	_ = 	snop  }
0x6: {  	_ = 	snop  }
0x7: {  	_ = 	snop  }
__scs_overlays_trampoline_lowered:
0x8: {  	[smem:$0x3FA4] =	sst s0  }
0x9: {  	[smem:$0x3FA5] =	sst s1  }
0xa: {  	[smem:$0x3FA6] =	sst s2  }
0xb: {  	[smem:$0x3FA7] =	sst s3  }
0xc: {  	[smem:$0x3FA8] =	sst s4  }
0xd: {  	[smem:$0x3FA9] =	sst s5  }
0xe: {  	[smem:$0x3FAA] =	sst s6  }
0xf: {  	[smem:$0x3FAB] =	sst s7  }
0x10: {  	[smem:$0x3FAC] =	sst s8  }
0x11: {  	[smem:$0x3FAD] =	sst s9;
	s0 =	simm.s32 @!p0 $0x0  }
0x12: {  	s1 =	sld [smem:$0x3F93];
	s0 =	simm.s32 @p0 $0x1  }
0x13: {  	[smem:$0x3FAE] =	sst s0;
	s0 =	simm.s32 @!p1 $0x0  }
0x14: {  	s2 =	sld [smem:$0x3F92];
	s0 =	simm.s32 @p1 $0x1  }
0x15: {  	[smem:$0x3FAF] =	sst s0;
	s0 =	simm.s32 @!p2 $0x0  }
0x16: {  	s3 =	sld [smem:$0x3FDB];
	s0 =	simm.s32 @p2 $0x1  }
0x17: {  	s4 =	simm.s32 $0x1BF5;
	[smem:$0x3FB1] =	sst s0  }
0x18: {  	s0 =	sld [smem:$0x3F94];
	_ =	swait.ge [sflag:s4], $0x0  }
0x19: {  	s7 =	sld [smem:$0x3F95]  }
0x1a: {  	s8 =	sadd.s32 $0xFFFFE003, lr  }
0x1b: {  	s9 =	sadd.s32 $0xFFFFFEF7, lr;
	s5 =	simm.s32 $0xFFFFFFFF;
	p2 =	slt.u32 s8, $0xFFFFF086  }
0x1c: {  	p1 =	slt.u32 s9, $0xF7A;
	s5 =	simm.s32 @!p2 $0x0  }
0x1d: {  	s5 =	simm.s32 @p1 $0x1;
	p0 =	seq.s32 s7, s2  }
0x1e: {  	s7 =	smul.u32 @!p0 $0xF7A, s2;
	p2 =	seq.s32 @!p0 s5, $0x0  }
0x1f: {  	s9 =	smul.u32 $0xF7A, s1;
	s8 =	simm.s32 @!p0 $0x1BF5;
	p2 =	por !p2, p0  }
0x20: {  	[sflag:s8] =	ssyncset.s32 @!p0 $0xFFFFF086;
	s6 =	sadd.s32 @!p0 s3, s7;
	s7 =	simm.s32 @!p0 $0x108  }
0x21: {  	s3 =	sadd.s32 s3, s9;
	s6 =	sadd.s32 @!p0 $0x88, s6;
	s7 =	simm.s32 @p2 $0x1082  }
0x22: {  	[simem:s7], [sflag:s8] =	dma.local @!p0 [hbm:s6], $0xF7A  }
0x23: {  	s9 =	sor.u32 $0xD0000000, s2;
	s6 =	simm.s32 $0x108;
	_ =	swait.ge @!p0 [sflag:s8], $0x0  }
0x24: {  	s3 =	sadd.s32 $0x88, s3;
	s6 =	simm.s32 @!p1 $0x1082;
	[sflag:s4] =	ssyncset.s32 $0xFFFFF086  }
0x25: {  	[simem:s6], [sflag:s4] =	dma.local [hbm:s3], $0xF7A  }
0x26: {  	[smem:$0x3F95] =	sst s1;
	(tag) =	ssettag s2;
	_ =	strace s9  }
0x27: {  	s1 =	sld [smem:$0x3FA5]  }
0x28: {  	s2 =	sld [smem:$0x3FA6]  }
0x29: {  	s4 =	sld [smem:$0x3FA8]  }
0x2a: {  	p0 =	seq.s32 s5, $0x0;
	s5 =	sld [smem:$0x3FA9]  }
0x2b: {  	s6 =	sld [smem:$0x3FAA]  }
0x2c: {  	s7 =	sld [smem:$0x3FAB]  }
0x2d: {  	s3 =	simm.s32 $0x108;
	s8 =	sld [smem:$0x3FAC]  }
0x2e: {  	s3 =	simm.s32 @!p0 $0x1082;
	s9 =	sld [smem:$0x3FAD]  }
0x2f: {  	lr =	sadd.s32 s0, s3;
	s0 =	sld [smem:$0x3FA4]  }
0x30: {  	s3 =	sld [smem:$0x3FA7]  }
0x31: {  	[smem:$0x3FB0] =	sst s10  }
0x32: {  	s10 =	sld [smem:$0x3FAE];
	_ =	sdelay $0x3  }
0x33: {  	p0 =	seq.s32 s10, $0x1;
	s10 =	sld [smem:$0x3FB0];
	_ =	sdelay $0x3  }
0x34: {  	[smem:$0x3FB0] =	sst s10  }
0x35: {  	s10 =	sld [smem:$0x3FAF];
	_ =	sdelay $0x3  }
0x36: {  	p1 =	seq.s32 s10, $0x1;
	s10 =	sld [smem:$0x3FB0];
	_ =	sdelay $0x3  }
0x37: {  	[smem:$0x3FB0] =	sst s10  }
0x38: {  	s10 =	sld [smem:$0x3FB1]  }
0x39: {  	_ = 	snop;
	(pc) =	sbr.ind lr, $3  }
0x3a: {  	_ = 	snop  }
0x3b: {  	_ = 	snop  }
0x3c: {  	p2 =	seq.s32 s10, $0x1;
	s10 =	sld [smem:$0x3FB0]  }
0x3d: {  	_ =	shalt  }
0x3e: {  	_ =	shalt  }
0x3f: {  	_ =	shalt  }
0x40: {  	_ =	shalt  }
0x41: {  	_ =	shalt  }
0x42: {  	_ =	shalt  }
0x43: {  	_ =	shalt  }
0x44: {  	_ =	shalt  }
0x45: {  	_ =	shalt  }
0x46: {  	_ =	shalt  }
0x47: {  	_ =	shalt  }
0x48: {  	_ =	shalt  }
0x49: {  	_ =	shalt  }
0x4a: {  	_ =	shalt  }
0x4b: {  	_ =	shalt  }
0x4c: {  	_ =	shalt  }
0x4d: {  	_ =	shalt  }
0x4e: {  	_ =	shalt  }
0x4f: {  	_ =	shalt  }
0x50: {  	_ =	shalt  }
0x51: {  	_ =	shalt  }
0x52: {  	_ =	shalt  }
0x53: {  	_ =	shalt  }
0x54: {  	_ =	shalt  }
0x55: {  	_ =	shalt  }
0x56: {  	_ =	shalt  }
0x57: {  	_ =	shalt  }
0x58: {  	_ =	shalt  }
0x59: {  	_ =	shalt  }
0x5a: {  	_ =	shalt  }
0x5b: {  	_ =	shalt  }
0x5c: {  	_ =	shalt  }
0x5d: {  	_ =	shalt  }
0x5e: {  	_ =	shalt  }
0x5f: {  	_ =	shalt  }
0x60: {  	_ =	shalt  }
0x61: {  	_ =	shalt  }
0x62: {  	_ =	shalt  }
0x63: {  	_ =	shalt  }
0x64: {  	_ =	shalt  }
0x65: {  	_ =	shalt  }
0x66: {  	_ =	shalt  }
0x67: {  	_ =	shalt  }
0x68: {  	_ =	shalt  }
0x69: {  	_ =	shalt  }
0x6a: {  	_ =	shalt  }
0x6b: {  	_ =	shalt  }
0x6c: {  	_ =	shalt  }
0x6d: {  	_ =	shalt  }
0x6e: {  	_ =	shalt  }
0x6f: {  	_ =	shalt  }
0x70: {  	_ =	shalt  }
0x71: {  	_ =	shalt  }
0x72: {  	_ =	shalt  }
0x73: {  	_ =	shalt  }
0x74: {  	_ =	shalt  }
0x75: {  	_ =	shalt  }
0x76: {  	_ =	shalt  }
0x77: {  	_ =	shalt  }
0x78: {  	_ =	shalt  }
0x79: {  	_ =	shalt  }
0x7a: {  	_ =	shalt  }
0x7b: {  	_ =	shalt  }
0x7c: {  	_ =	shalt  }
0x7d: {  	_ =	shalt  }
0x7e: {  	_ =	shalt  }
0x7f: {  	_ =	shalt  }
0x80: {  	_ =	shalt  }
0x81: {  	_ =	shalt  }
0x82: {  	_ =	shalt  }
0x83: {  	_ =	shalt  }
0x84: {  	_ =	shalt  }
0x85: {  	_ =	shalt  }
0x86: {  	_ =	shalt  }
0x87: {  	_ =	shalt  }
.Lfunc_end0:
.L_simem_size_0:
called_computation.2_lowered:
.L_overlay_start_0:
0x88: {  	s2 =	sld [smem:$0x3FD9]  }
0x89: {  	s3 =	sld [smem:$0x3FFE];
	_ =	sdelay $0x1  }
0x8a: {  	s1 =	srdreg.scid  }
0x8b: {  	s0 =	sand.u32 $0x1, s1  }
0x8c: {  	s17 =	sshll.u32 s0, $0xA;
	s2 =	sadd.s32 s3, s2  }
0x8d: {  	s2 =	sadd.s32 s2, s17  }
0x8e: {  	[smem:$0x3FBC] =	sst s2  }
0x8f: {  	_ = 	snop  }
0x90: {  	s2 =	sld [smem:$0x3FD0];
	(tm) =	ssettm $0x1  }
0x91: {  	s18 =	sld [smem:$0x3FFB];
	_ =	sdelay $0x3  }
0x92: {  	_ =	strace s18  }
0x93: {  	s3 =	sld [smem:$0x3FFC];
	_ =	sdelay $0x3  }
0x94: {  	_ =	strace s3  }
0x95: {  	s3 =	sld [smem:$0x3FFD];
	_ =	sdelay $0x3  }
0x96: {  	_ =	strace s3  }
0x97: {  	_ =	strace $0x8FFFFFFF  }
0x98: {  	s19 =	sld [smem:$0x3FDB];
	_ =	sdelay $0x1  }
0x99: {  	s4 =	simm.s32 $_scs_section_size  }
0x9a: {  	s5 =	simm.s32 $_size__tile_overlayer_lowered;
	s6 =	simm.s32 $_tile_overlayer_lowered  }
0x9b: {  	s22 =	simm.s32 $0x1BFF;
	s21 =	sshll.u32 s6, $0x1;
	s3 =	sadd.s32 s4, s19  }
0x9c: {  	s7 =	simm.s32 $0x0;
	s20 =	sshll.u32 s5, $0x1;
	s5 =	sadd.s32 s21, s3  }
0x9d: {  	[timem:s7], [sflag:s22] =	dma.local [hbm:s5], s20  }
0x9e: {  	_ =	swait.ge [sflag:s22], s20  }
0x9f: {  	s4 =	ssub.s32 $0x0, s20;
	[sflag:s22] =	ssyncset.done $0x0  }
0xa0: {  	[sflag:s22] =	ssyncadd.s32 s4;
	_ =	sdelay $0x1  }
0xa1: {  	s23 =	simm.s32 $0x1B8B  }
0xa2: {  	_ =	swait.ge [sflag:s23], $0x1  }
0xa3: {  	[sflag:s23] =	ssyncset.done $0x0  }
0xa4: {  	s25 =	simm.s32 $0x1B8E;
	s24 =	sld [smem:$0x3FFE];
	[sflag:s23] =	ssyncadd.s32 $0xFFFFFFFF  }
0xa5: {  	s26 =	simm.s32 $execute0_lowered;
	[smem:$0x3FD2] =	sst s25  }
0xa6: {  	s5 =	sshll.u32 s26, $0x1;
	_ =	strace $0x8000004C;
	[dreg:$0x1] =	wrdreg $0xFFFFFFFF  }
0xa7: {  	s28 =	simm.s32 $_size_execute0_lowered;
	s3 =	sadd.s32 s3, s5;
	[dreg:$0x0] =	wrdreg $0x0  }
0xa8: {  	s5 =	sshll.u32 s28, $0x1;
	[dreg:$0x2] =	wrdreg s3  }
0xa9: {  	[dreg:$0x3] =	wrdreg s5  }
0xaa: {  	[dreg:$0x4] =	wrdreg $0xC0  }
0xab: {  	_ =	task [dreg:s7], $0x5FFFF  }
0xac: {  	[dreg:$0x1] =	wrdreg $0xFFFFFFFF  }
0xad: {  	[dreg:$0x0] =	wrdreg $0x60  }
0xae: {  	[dreg:$0x2] =	wrdreg s24  }
0xaf: {  	[dreg:$0x3] =	wrdreg s2  }
0xb0: {  	[dreg:$0x4] =	wrdreg $0x98000  }
0xb1: {  	[dreg:$0x5] =	wrdreg $0x9  }
0xb2: {  	_ =	task.clear_ibuf [dreg:s7], $0x6FFFF;
	_ =	strace $0x9000004C  }
0xb3: {  	s29 =	simm.s32 $0x9;
	_ =	strace $0x8000004E  }
0xb4: {  	_ =	swait.ge [sflag:s29], $0x1  }
0xb5: {  	[sflag:s29] =	ssyncadd.s32 $0xFFFFFFFF  }
0xb6: {  	_ =	strace $0x9000004E  }
0xb7: {  	_ =	sfence  }
0xb8: {  	s30 =	sld [smem:$0x0];
	_ =	sdelay $0x2  }
0xb9: {  	s31 =	sshll.u32 s1, $0xD;
	s1 =	sshrl.u32 s1, $0x2  }
0xba: {  	s3 =	sand.u32 $0x4000, s31;
	s1 =	sadd.s32 s1, s30  }
0xbb: {  	s0 =	sor.u32 s3, s0;
	s1 =	sshll.u32 s1, $0x11  }
0xbc: {  	s0 =	sor.u32 s1, s0  }
0xbd: {  	s0 =	sadd.s32 $0x8F2B, s0  }
0xbe: {  	[sflag:s0] =	ssyncadd.remote.s32 $0x1  }
0xbf: {  	_ =	sfence.sel $0xFFFF  }
0xc0: {  	[dreg:$0x0] =	wrdreg $0xFFFFFFFF;
	(pc) =	sbr.abs _section_cstart, $3  }
0xc1: {  	[dreg:$0x1] =	wrdreg $0xFFFFFFFF  }
0xc2: {  	_ =	task.clear_ibuf [dreg:s7], $0x2FFFF;
	_ =	strace $0x9FFFFFFF  }
0xc3: {  	(tm) =	ssettm $0x7FFFFFFF  }
tec
execute0_lowered:
.L_overlay_start_1:
0x0: {  	(tag) =	ssettag $0x1  }
0x1: {  	s1 =	rddreg [dreg:$0x0]  }
0x2: {  	s0 =	srdreg.scid;
	s5 =	rddreg [dreg:$0x1]  }
0x3: {  	s11 =	stileid.u32;
	s2 =	rddreg [dreg:$0x2];
	s3 =	simm.s32 $0x0  }
0x4: {  	s19 =	simm.s32 $0x100;
	s20 =	simm.s32 $0xC80;
	s21 =	simm.s32 $0x180  }
0x5: {  	s22 =	simm.s32 $0xD00;
	s24 =	simm.s32 $0x200;
	[smem:$0x7FF] =	sst s3  }
0x6: {  	s26 =	simm.s32 $0xD80;
	_ =	strace $0x8000004D;
	[dreg:$0x6] =	wrdreg s19  }
0x7: {  	s12 =	simm.s32 $0xE00;
	s13 =	simm.s32 $0x300;
	[dreg:$0x7] =	wrdreg s20  }
0x8: {  	s15 =	simm.s32 $0xE80;
	s17 =	simm.s32 $0x380;
	[dreg:$0x8] =	wrdreg s21  }
0x9: {  	s28 =	simm.s32 $0x880;
	s29 =	simm.s32 $0x1400;
	[dreg:$0x9] =	wrdreg s22  }
0xa: {  	s30 =	simm.s32 $0x900;
	s4 =	smul.u32 $0x6000, s11;
	[dreg:$0xa] =	wrdreg s24  }
0xb: {  	s31 =	simm.s32 $0x1480;
	s7 =	smul.u32 $0x13C00, s11;
	[dreg:$0xb] =	wrdreg s26  }
0xc: {  	s0 =	sand.u32 $0x1, s0;
	s25 =	smul.u32 $0x4F000, s11;
	[dreg:$0xd] =	wrdreg s12  }
0xd: {  	s16 =	sshll.u32 s11, $0x6;
	s6 =	smul.u32 $0x3000, s0;
	[dreg:$0xe] =	wrdreg s13  }
0xe: {  	s11 =	simm.s32 $0xC00;
	s10 =	smul.u32 $0x13C000, s0;
	[dreg:$0xf] =	wrdreg s15  }
0xf: {  	s0 =	ssub.s32 $0x2, s0;
	[dreg:$0x10] =	wrdreg s17;
	s19 =	simm.s32 $0x400  }
0x10: {  	s20 =	simm.s32 $0xF80;
	s21 =	simm.s32 $0x480;
	[dreg:$0x12] =	wrdreg s19  }
0x11: {  	s22 =	simm.s32 $0x1000;
	s12 =	simm.s32 $0x80;
	[dreg:$0x13] =	wrdreg s20  }
0x12: {  	s24 =	simm.s32 $0x1080;
	s13 =	simm.s32 $0x1800;
	[dreg:$0x14] =	wrdreg s21  }
0x13: {  	s26 =	simm.s32 $0x1100;
	s15 =	simm.s32 $0x1;
	[dreg:$0x15] =	wrdreg s22  }
0x14: {  	s17 =	simm.s32 $0x600;
	s9 =	sshrl.u32 s7, $0x3;
	[dreg:$0x17] =	wrdreg s24  }
0x15: {  	s23 =	sshrl.u32 s0, $0x1;
	[dreg:$0x19] =	wrdreg s26;
	s19 =	simm.s32 $0x680  }
0x16: {  	s20 =	simm.s32 $0x1200;
	s21 =	simm.s32 $0x700;
	s22 =	simm.s32 $0x1280  }
0x17: {  	s24 =	simm.s32 $0x1300;
	s26 =	simm.s32 $0x1380;
	s4 =	sadd.s32 s6, s4  }
0x18: {  	s9 =	sadd.s32 s9, s1;
	s18 =	sadd.s32 s7, s10;
	s0 =	ssub.s32 s0, s23  }
0x19: {  	s10 =	sshrl.u32 s25, $0x2;
	s7 =	sor.u32 $0x1C03, s16;
	s23 =	simm.s32 $0x500  }
0x1a: {  	s25 =	simm.s32 $0x580;
	s16 =	simm.s32 $0x2;
	s6 =	sshrl.u32 s4, $0x3  }
0x1b: {  	s4 =	sadd.s32 $0x90400, s1;
	s14 =	sadd.s32 $0xD400, s9;
	[dreg:$0x16] =	wrdreg s23  }
0x1c: {  	s0 =	smax.u32 s0, $0x1;
	[dreg:$0x18] =	wrdreg s25;
	s23 =	simm.s32 $0x780  }
0x1d: {  	s25 =	simm.s32 $0x800;
	s9 =	simm.s32 $0x0;
	[dreg:$0x1b] =	wrdreg s7  }
0x1e: {  	s8 =	sadd.s32 s6, s1;
	s5 =	sadd.s32 s6, s5;
	[dreg:$0x1a] =	wrdreg s14  }
0x1f: {  	s6 =	sshrl.u32 s18, $0x3;
	s18 =	simm.s32 $0xF00;
	[dreg:$0x1d] =	wrdreg s0  }
0x20: {  	s14 =	simm.s32 $0x5800;
	s0 =	simm.s32 $0x1500;
	[dreg:$0x5] =	wrdreg s5  }
0x21: {  	s8 =	sadd.s32 $0x84400, s8;
	s1 =	sadd.s32 s6, s1;
	[dreg:$0x11] =	wrdreg s18  }
0x22: {  	s6 =	sadd.s32 s10, s2;
	[dreg:$0x4] =	wrdreg s8;
	s8 =	simm.s32 $0x280  }
0x23: {  	s10 =	simm.s32 $0x3;
	s1 =	sadd.s32 $0xB7600, s1;
	[dreg:$0xc] =	wrdreg s8  }
0x24: {  	s18 =	simm.s32 $0x1180;
	[dreg:$0x1c] =	wrdreg s1;
	s8 =	sshrl.u32 s6, $0x3  }
0x25: {  	s5 =	simm.s32 $0x1580;
	s1 =	simm.s32 $0x980;
	[dreg:$0x1e] =	wrdreg s8  }
.LBB2_1:
0x26: {  	[dreg:$0x1f] =	wrdreg s9  }
0x27: {  	s6 =	rddreg [dreg:$0x1a]  }
0x28: {  	[spmem:s8], [sflag:s7] =	dma.local [hbm:s6], $0x2780  }
0x29: {  	_ =	swait.ge [sflag:s10], $0x2780  }
0x2a: {  	[sflag:s10] =	ssyncset.done $0x0  }
0x2b: {  	[sflag:s10] =	ssyncadd.s32 $0xFFFFD880  }
0x2c: {  	[bflag:$0x0] =	sbarrier.arrive $0xFFFF  }
0x2d: {  	s9 =	rddreg [dreg:$0x5]  }
0x2e: {  	s6 =	sadd.s32 $0x0, s9  }
0x2f: {  	[tilespmem:s3], [sflag:$0x3] =	stream.linear.gather [hbm4b:s6+s3], $0xA00, $0x38;
	[tilespmem:$0x1D400] =	vst v63  }
0x30: {  	_ =	swait.ge [sflag:s10], $0xA00  }
0x31: {  	s7 =	rddreg [dreg:$0x4];
	[sflag:s10] =	ssyncset.done $0x0  }
0x32: {  	[sflag:s10] =	ssyncadd.s32 $0xFFFFF600;
	s6 =	sadd.s32 $0x0, s7  }
0x33: {  	[tilespmem:s11], [sflag:$0x3] =	stream.linear.gather [hbm4b:s6+s3], $0xA00, $0x38;
	[tilespmem:$0x1D400] =	vst v63  }
0x34: {  	_ =	swait.ge [sflag:s10], $0xA00  }
0x35: {  	[sflag:s10] =	ssyncset.done $0x0  }
0x36: {  	[sflag:s10] =	ssyncadd.s32 $0xFFFFF600  }
0x37: {  	[tilespmem:s13], [sflag:$0x1] =	stream.indirect.gather [hbm4b:s4+s12], $0x80, s3, s12, $0xb8;
	[tilespmem:$0x1D400] =	vst v63  }
0x38: {  	_ = 	snop  }
0x39: {  	[tilespmem:s14], [sflag:$0x2] =	stream.indirect.gather [hbm4b:s4+s12], $0x80, s12, s12, $0xb8;
	[tilespmem:$0x1D400] =	vst v63  }
0x3a: {  	_ =	swait.ge [sflag:s15], $0x4000  }
0x3b: {  	[sflag:s15] =	ssyncset.done $0x0  }
0x3c: {  	[sflag:s15] =	ssyncadd.s32 $0xFFFFC000  }
0x3d: {  	[spmem:s2] =	stream.indirect.scatter.add.f32 [tilespmem:s13], [sflag:$0x3], $0x80, s11, s12, $0xb8;
	[tilespmem:$0x1D400] =	vst v63  }
0x3e: {  	_ =	swait.ge [sflag:s10], $0x4000  }
0x3f: {  	[sflag:s10] =	ssyncset.done $0x0  }
0x40: {  	s8 =	rddreg [dreg:$0x6];
	[sflag:s10] =	ssyncadd.s32 $0xFFFFC000  }
0x41: {  	[tilespmem:s13], [sflag:$0x1] =	stream.indirect.gather [hbm4b:s4+s12], $0x80, s8, s12, $0xb8;
	[tilespmem:$0x1D400] =	vst v63  }
0x42: {  	_ =	swait.ge [sflag:s16], $0x4000  }
0x43: {  	[sflag:s16] =	ssyncset.done $0x0  }
0x44: {  	s9 =	rddreg [dreg:$0x7];
	[sflag:s16] =	ssyncadd.s32 $0xFFFFC000  }
0x45: {  	[spmem:s2] =	stream.indirect.scatter.add.f32 [tilespmem:s14], [sflag:$0x3], $0x80, s9, s12, $0xb8;
	[tilespmem:$0x1D400] =	vst v63  }
0x46: {  	_ =	swait.ge [sflag:s10], $0x4000  }
0x47: {  	[sflag:s10] =	ssyncset.done $0x0  }
0x48: {  	s7 =	rddreg [dreg:$0x8];
	[sflag:s10] =	ssyncadd.s32 $0xFFFFC000  }
0x49: {  	[tilespmem:s14], [sflag:$0x2] =	stream.indirect.gather [hbm4b:s4+s12], $0x80, s7, s12, $0xb8;
	[tilespmem:$0x1D400] =	vst v63  }
0x4a: {  	_ =	swait.ge [sflag:s15], $0x4000  }
0x4b: {  	[sflag:s15] =	ssyncset.done $0x0  }
0x4c: {  	s8 =	rddreg [dreg:$0x9];
	[sflag:s15] =	ssyncadd.s32 $0xFFFFC000  }
0x4d: {  	[spmem:s2] =	stream.indirect.scatter.add.f32 [tilespmem:s13], [sflag:$0x3], $0x80, s8, s12, $0xb8;
	[tilespmem:$0x1D400] =	vst v63  }
0x4e: {  	_ =	swait.ge [sflag:s10], $0x4000  }
0x4f: {  	[sflag:s10] =	ssyncset.done $0x0  }
0x50: {  	s9 =	rddreg [dreg:$0xa];
	[sflag:s10] =	ssyncadd.s32 $0xFFFFC000  }
0x51: {  	[tilespmem:s13], [sflag:$0x1] =	stream.indirect.gather [hbm4b:s4+s12], $0x80, s9, s12, $0xb8;
	[tilespmem:$0x1D400] =	vst v63  }
0x52: {  	_ =	swait.ge [sflag:s16], $0x4000  }
0x53: {  	[sflag:s16] =	ssyncset.done $0x0  }
0x54: {  	s7 =	rddreg [dreg:$0xb];
	[sflag:s16] =	ssyncadd.s32 $0xFFFFC000  }
0x55: {  	[spmem:s2] =	stream.indirect.scatter.add.f32 [tilespmem:s14], [sflag:$0x3], $0x80, s7, s12, $0xb8;
	[tilespmem:$0x1D400] =	vst v63  }
0x56: {  	_ =	swait.ge [sflag:s10], $0x4000  }
0x57: {  	[sflag:s10] =	ssyncset.done $0x0  }
0x58: {  	s8 =	rddreg [dreg:$0xc];
	[sflag:s10] =	ssyncadd.s32 $0xFFFFC000  }
0x59: {  	[tilespmem:s14], [sflag:$0x2] =	stream.indirect.gather [hbm4b:s4+s12], $0x80, s8, s12, $0xb8;
	[tilespmem:$0x1D400] =	vst v63  }
0x5a: {  	_ =	swait.ge [sflag:s15], $0x4000  }
0x5b: {  	[sflag:s15] =	ssyncset.done $0x0  }
0x5c: {  	s9 =	rddreg [dreg:$0xd];
	[sflag:s15] =	ssyncadd.s32 $0xFFFFC000  }
0x5d: {  	[spmem:s2] =	stream.indirect.scatter.add.f32 [tilespmem:s13], [sflag:$0x3], $0x80, s9, s12, $0xb8;
	[tilespmem:$0x1D400] =	vst v63  }
0x5e: {  	_ =	swait.ge [sflag:s10], $0x4000  }
0x5f: {  	[sflag:s10] =	ssyncset.done $0x0  }
0x60: {  	s7 =	rddreg [dreg:$0xe];
	[sflag:s10] =	ssyncadd.s32 $0xFFFFC000  }
0x61: {  	[tilespmem:s13], [sflag:$0x1] =	stream.indirect.gather [hbm4b:s4+s12], $0x80, s7, s12, $0xb8;
	[tilespmem:$0x1D400] =	vst v63  }
0x62: {  	_ =	swait.ge [sflag:s16], $0x4000  }
0x63: {  	[sflag:s16] =	ssyncset.done $0x0  }
0x64: {  	s8 =	rddreg [dreg:$0xf];
	[sflag:s16] =	ssyncadd.s32 $0xFFFFC000  }
0x65: {  	[spmem:s2] =	stream.indirect.scatter.add.f32 [tilespmem:s14], [sflag:$0x3], $0x80, s8, s12, $0xb8;
	[tilespmem:$0x1D400] =	vst v63  }
0x66: {  	_ =	swait.ge [sflag:s10], $0x4000  }
0x67: {  	[sflag:s10] =	ssyncset.done $0x0  }
0x68: {  	s9 =	rddreg [dreg:$0x10];
	[sflag:s10] =	ssyncadd.s32 $0xFFFFC000  }
0x69: {  	[tilespmem:s14], [sflag:$0x2] =	stream.indirect.gather [hbm4b:s4+s12], $0x80, s9, s12, $0xb8;
	[tilespmem:$0x1D400] =	vst v63  }
0x6a: {  	_ =	swait.ge [sflag:s15], $0x4000  }
0x6b: {  	[sflag:s15] =	ssyncset.done $0x0  }
0x6c: {  	s7 =	rddreg [dreg:$0x11];
	[sflag:s15] =	ssyncadd.s32 $0xFFFFC000  }
0x6d: {  	[spmem:s2] =	stream.indirect.scatter.add.f32 [tilespmem:s13], [sflag:$0x3], $0x80, s7, s12, $0xb8;
	[tilespmem:$0x1D400] =	vst v63  }
0x6e: {  	_ =	swait.ge [sflag:s10], $0x4000  }
0x6f: {  	[sflag:s10] =	ssyncset.done $0x0  }
0x70: {  	s8 =	rddreg [dreg:$0x12];
	[sflag:s10] =	ssyncadd.s32 $0xFFFFC000  }
0x71: {  	[tilespmem:s13], [sflag:$0x1] =	stream.indirect.gather [hbm4b:s4+s12], $0x80, s8, s12, $0xb8;
	[tilespmem:$0x1D400] =	vst v63  }
0x72: {  	_ =	swait.ge [sflag:s16], $0x4000  }
0x73: {  	[sflag:s16] =	ssyncset.done $0x0  }
0x74: {  	s9 =	rddreg [dreg:$0x13];
	[sflag:s16] =	ssyncadd.s32 $0xFFFFC000  }
0x75: {  	[spmem:s2] =	stream.indirect.scatter.add.f32 [tilespmem:s14], [sflag:$0x3], $0x80, s9, s12, $0xb8;
	[tilespmem:$0x1D400] =	vst v63  }
0x76: {  	_ =	swait.ge [sflag:s10], $0x4000  }
0x77: {  	[sflag:s10] =	ssyncset.done $0x0  }
0x78: {  	s7 =	rddreg [dreg:$0x14];
	[sflag:s10] =	ssyncadd.s32 $0xFFFFC000  }
0x79: {  	[tilespmem:s14], [sflag:$0x2] =	stream.indirect.gather [hbm4b:s4+s12], $0x80, s7, s12, $0xb8;
	[tilespmem:$0x1D400] =	vst v63  }
0x7a: {  	_ =	swait.ge [sflag:s15], $0x4000  }
0x7b: {  	[sflag:s15] =	ssyncset.done $0x0  }
0x7c: {  	s8 =	rddreg [dreg:$0x15];
	[sflag:s15] =	ssyncadd.s32 $0xFFFFC000  }
0x7d: {  	[spmem:s2] =	stream.indirect.scatter.add.f32 [tilespmem:s13], [sflag:$0x3], $0x80, s8, s12, $0xb8;
	[tilespmem:$0x1D400] =	vst v63  }
0x7e: {  	_ =	swait.ge [sflag:s10], $0x4000  }
0x7f: {  	[sflag:s10] =	ssyncset.done $0x0  }
0x80: {  	s9 =	rddreg [dreg:$0x16];
	[sflag:s10] =	ssyncadd.s32 $0xFFFFC000  }
0x81: {  	[tilespmem:s13], [sflag:$0x1] =	stream.indirect.gather [hbm4b:s4+s12], $0x80, s9, s12, $0xb8;
	[tilespmem:$0x1D400] =	vst v63  }
0x82: {  	_ =	swait.ge [sflag:s16], $0x4000  }
0x83: {  	[sflag:s16] =	ssyncset.done $0x0  }
0x84: {  	s7 =	rddreg [dreg:$0x17];
	[sflag:s16] =	ssyncadd.s32 $0xFFFFC000  }
0x85: {  	[spmem:s2] =	stream.indirect.scatter.add.f32 [tilespmem:s14], [sflag:$0x3], $0x80, s7, s12, $0xb8;
	[tilespmem:$0x1D400] =	vst v63  }
0x86: {  	_ =	swait.ge [sflag:s10], $0x4000  }
0x87: {  	[sflag:s10] =	ssyncset.done $0x0  }
0x88: {  	s8 =	rddreg [dreg:$0x18];
	[sflag:s10] =	ssyncadd.s32 $0xFFFFC000  }
0x89: {  	[tilespmem:s14], [sflag:$0x2] =	stream.indirect.gather [hbm4b:s4+s12], $0x80, s8, s12, $0xb8;
	[tilespmem:$0x1D400] =	vst v63  }
0x8a: {  	_ =	swait.ge [sflag:s15], $0x4000  }
0x8b: {  	[sflag:s15] =	ssyncset.done $0x0  }
0x8c: {  	s9 =	rddreg [dreg:$0x19];
	[sflag:s15] =	ssyncadd.s32 $0xFFFFC000  }
0x8d: {  	[spmem:s2] =	stream.indirect.scatter.add.f32 [tilespmem:s13], [sflag:$0x3], $0x80, s9, s12, $0xb8;
	[tilespmem:$0x1D400] =	vst v63  }
0x8e: {  	_ =	swait.ge [sflag:s10], $0x4000  }
0x8f: {  	[sflag:s10] =	ssyncset.done $0x0  }
0x90: {  	[sflag:s10] =	ssyncadd.s32 $0xFFFFC000  }
0x91: {  	[tilespmem:s13], [sflag:$0x1] =	stream.indirect.gather [hbm4b:s4+s12], $0x80, s17, s12, $0xb8;
	[tilespmem:$0x1D400] =	vst v63  }
0x92: {  	_ =	swait.ge [sflag:s16], $0x4000  }
0x93: {  	[sflag:s16] =	ssyncset.done $0x0  }
0x94: {  	[sflag:s16] =	ssyncadd.s32 $0xFFFFC000  }
0x95: {  	[spmem:s2] =	stream.indirect.scatter.add.f32 [tilespmem:s14], [sflag:$0x3], $0x80, s18, s12, $0xb8;
	[tilespmem:$0x1D400] =	vst v63  }
0x96: {  	_ =	swait.ge [sflag:s10], $0x4000  }
0x97: {  	[sflag:s10] =	ssyncset.done $0x0  }
0x98: {  	[sflag:s10] =	ssyncadd.s32 $0xFFFFC000  }
0x99: {  	[tilespmem:s14], [sflag:$0x2] =	stream.indirect.gather [hbm4b:s4+s12], $0x80, s19, s12, $0xb8;
	[tilespmem:$0x1D400] =	vst v63  }
0x9a: {  	_ =	swait.ge [sflag:s15], $0x4000  }
0x9b: {  	[sflag:s15] =	ssyncset.done $0x0  }
0x9c: {  	[sflag:s15] =	ssyncadd.s32 $0xFFFFC000  }
0x9d: {  	[spmem:s2] =	stream.indirect.scatter.add.f32 [tilespmem:s13], [sflag:$0x3], $0x80, s20, s12, $0xb8;
	[tilespmem:$0x1D400] =	vst v63  }
0x9e: {  	_ =	swait.ge [sflag:s10], $0x4000  }
0x9f: {  	[sflag:s10] =	ssyncset.done $0x0  }
0xa0: {  	[sflag:s10] =	ssyncadd.s32 $0xFFFFC000  }
0xa1: {  	[tilespmem:s13], [sflag:$0x1] =	stream.indirect.gather [hbm4b:s4+s12], $0x80, s21, s12, $0xb8;
	[tilespmem:$0x1D400] =	vst v63  }
0xa2: {  	_ =	swait.ge [sflag:s16], $0x4000  }
0xa3: {  	[sflag:s16] =	ssyncset.done $0x0  }
0xa4: {  	[sflag:s16] =	ssyncadd.s32 $0xFFFFC000  }
0xa5: {  	[spmem:s2] =	stream.indirect.scatter.add.f32 [tilespmem:s14], [sflag:$0x3], $0x80, s22, s12, $0xb8;
	[tilespmem:$0x1D400] =	vst v63  }
0xa6: {  	_ =	swait.ge [sflag:s10], $0x4000  }
0xa7: {  	[sflag:s10] =	ssyncset.done $0x0  }
0xa8: {  	[sflag:s10] =	ssyncadd.s32 $0xFFFFC000  }
0xa9: {  	[tilespmem:s14], [sflag:$0x2] =	stream.indirect.gather [hbm4b:s4+s12], $0x80, s23, s12, $0xb8;
	[tilespmem:$0x1D400] =	vst v63  }
0xaa: {  	_ =	swait.ge [sflag:s15], $0x4000  }
0xab: {  	[sflag:s15] =	ssyncset.done $0x0  }
0xac: {  	[sflag:s15] =	ssyncadd.s32 $0xFFFFC000  }
0xad: {  	[spmem:s2] =	stream.indirect.scatter.add.f32 [tilespmem:s13], [sflag:$0x3], $0x80, s24, s12, $0xb8;
	[tilespmem:$0x1D400] =	vst v63  }
0xae: {  	_ =	swait.ge [sflag:s10], $0x4000  }
0xaf: {  	[sflag:s10] =	ssyncset.done $0x0  }
0xb0: {  	[sflag:s10] =	ssyncadd.s32 $0xFFFFC000  }
0xb1: {  	[tilespmem:s13], [sflag:$0x1] =	stream.indirect.gather [hbm4b:s4+s12], $0x80, s25, s12, $0xb8;
	[tilespmem:$0x1D400] =	vst v63  }
0xb2: {  	_ =	swait.ge [sflag:s16], $0x4000  }
0xb3: {  	[sflag:s16] =	ssyncset.done $0x0  }
0xb4: {  	[sflag:s16] =	ssyncadd.s32 $0xFFFFC000  }
0xb5: {  	[spmem:s2] =	stream.indirect.scatter.add.f32 [tilespmem:s14], [sflag:$0x3], $0x80, s26, s12, $0xb8;
	[tilespmem:$0x1D400] =	vst v63  }
0xb6: {  	_ =	swait.ge [sflag:s10], $0x4000  }
0xb7: {  	[sflag:s10] =	ssyncset.done $0x0  }
0xb8: {  	[sflag:s10] =	ssyncadd.s32 $0xFFFFC000  }
0xb9: {  	[tilespmem:s14], [sflag:$0x2] =	stream.indirect.gather [hbm4b:s4+s12], $0x80, s28, s12, $0xb8;
	[tilespmem:$0x1D400] =	vst v63  }
0xba: {  	_ =	swait.ge [sflag:s15], $0x4000  }
0xbb: {  	[sflag:s15] =	ssyncset.done $0x0  }
0xbc: {  	[sflag:s15] =	ssyncadd.s32 $0xFFFFC000  }
0xbd: {  	[spmem:s2] =	stream.indirect.scatter.add.f32 [tilespmem:s13], [sflag:$0x3], $0x80, s29, s12, $0xb8;
	[tilespmem:$0x1D400] =	vst v63  }
0xbe: {  	_ =	swait.ge [sflag:s10], $0x4000  }
0xbf: {  	[sflag:s10] =	ssyncset.done $0x0  }
0xc0: {  	[sflag:s10] =	ssyncadd.s32 $0xFFFFC000  }
0xc1: {  	[tilespmem:s13], [sflag:$0x1] =	stream.indirect.gather [hbm4b:s4+s12], $0x80, s30, s12, $0xb8;
	[tilespmem:$0x1D400] =	vst v63  }
0xc2: {  	_ =	swait.ge [sflag:s16], $0x4000  }
0xc3: {  	[sflag:s16] =	ssyncset.done $0x0  }
0xc4: {  	[sflag:s16] =	ssyncadd.s32 $0xFFFFC000  }
0xc5: {  	[spmem:s2] =	stream.indirect.scatter.add.f32 [tilespmem:s14], [sflag:$0x3], $0x80, s31, s12, $0xb8;
	[tilespmem:$0x1D400] =	vst v63  }
0xc6: {  	_ =	swait.ge [sflag:s10], $0x4000  }
0xc7: {  	[sflag:s10] =	ssyncset.done $0x0  }
0xc8: {  	[sflag:s10] =	ssyncadd.s32 $0xFFFFC000  }
0xc9: {  	[tilespmem:s14], [sflag:$0x2] =	stream.indirect.gather [hbm4b:s4+s12], $0x80, s1, s12, $0xb8;
	[tilespmem:$0x1D400] =	vst v63  }
0xca: {  	_ =	swait.ge [sflag:s15], $0x4000  }
0xcb: {  	[sflag:s15] =	ssyncset.done $0x0  }
0xcc: {  	[sflag:s15] =	ssyncadd.s32 $0xFFFFC000  }
0xcd: {  	[spmem:s2] =	stream.indirect.scatter.add.f32 [tilespmem:s13], [sflag:$0x3], $0x80, s0, s12, $0xb8;
	[tilespmem:$0x1D400] =	vst v63  }
0xce: {  	_ =	swait.ge [sflag:s10], $0x4000  }
0xcf: {  	[sflag:s10] =	ssyncset.done $0x0  }
0xd0: {  	[sflag:s10] =	ssyncadd.s32 $0xFFFFC000  }
0xd1: {  	_ =	swait.ge [sflag:s16], $0x4000  }
0xd2: {  	[sflag:s16] =	ssyncset.done $0x0  }
0xd3: {  	[sflag:s16] =	ssyncadd.s32 $0xFFFFC000  }
0xd4: {  	[spmem:s2] =	stream.indirect.scatter.add.f32 [tilespmem:s14], [sflag:$0x3], $0x80, s5, s12, $0xb8;
	[tilespmem:$0x1D400] =	vst v63  }
0xd5: {  	s6 =	simm.s32 $0x300;
	_ =	swait.ge [sflag:s10], $0x4000  }
0xd6: {  	s8 =	simm.s32 $0x180;
	s9 =	rddreg [dreg:$0x5];
	[sflag:s10] =	ssyncset.done $0x0  }
.LBB2_2:
0xd7: {  	[sflag:s10] =	ssyncadd.s32 $0xFFFFC000;
	s9 =	sadd.s32 s8, s9  }
0xd8: {  	[tilespmem:s3], [sflag:$0x3] =	stream.linear.gather [hbm4b:s9+s3], $0xA00, $0x38;
	[tilespmem:$0x1D400] =	vst v63  }
0xd9: {  	_ =	swait.ge [sflag:s10], $0xA00  }
0xda: {  	s9 =	rddreg [dreg:$0x4];
	[sflag:s10] =	ssyncset.done $0x0  }
0xdb: {  	[sflag:s10] =	ssyncadd.s32 $0xFFFFF600;
	s9 =	sadd.s32 s8, s9  }
0xdc: {  	[tilespmem:s11], [sflag:$0x3] =	stream.linear.gather [hbm4b:s9+s3], $0xA00, $0x38;
	[tilespmem:$0x1D400] =	vst v63  }
0xdd: {  	_ =	swait.ge [sflag:s10], $0xA00  }
0xde: {  	[sflag:s10] =	ssyncset.done $0x0  }
0xdf: {  	[sflag:s10] =	ssyncadd.s32 $0xFFFFF600  }
0xe0: {  	[tilespmem:s13], [sflag:$0x1] =	stream.indirect.gather [hbm4b:s4+s12], $0x80, s3, s12, $0xb8;
	[tilespmem:$0x1D400] =	vst v63  }
0xe1: {  	_ = 	snop  }
0xe2: {  	[tilespmem:s14], [sflag:$0x2] =	stream.indirect.gather [hbm4b:s4+s12], $0x80, s12, s12, $0xb8;
	[tilespmem:$0x1D400] =	vst v63  }
0xe3: {  	_ =	swait.ge [sflag:s15], $0x4000  }
0xe4: {  	[sflag:s15] =	ssyncset.done $0x0  }
0xe5: {  	[sflag:s15] =	ssyncadd.s32 $0xFFFFC000  }
0xe6: {  	[spmem:s2] =	stream.indirect.scatter.add.f32 [tilespmem:s13], [sflag:$0x3], $0x80, s11, s12, $0xb8;
	[tilespmem:$0x1D400] =	vst v63  }
0xe7: {  	_ =	swait.ge [sflag:s10], $0x4000  }
0xe8: {  	[sflag:s10] =	ssyncset.done $0x0  }
0xe9: {  	s9 =	rddreg [dreg:$0x6];
	[sflag:s10] =	ssyncadd.s32 $0xFFFFC000  }
0xea: {  	[tilespmem:s13], [sflag:$0x1] =	stream.indirect.gather [hbm4b:s4+s12], $0x80, s9, s12, $0xb8;
	[tilespmem:$0x1D400] =	vst v63  }
0xeb: {  	_ =	swait.ge [sflag:s16], $0x4000  }
0xec: {  	[sflag:s16] =	ssyncset.done $0x0  }
0xed: {  	s9 =	rddreg [dreg:$0x7];
	[sflag:s16] =	ssyncadd.s32 $0xFFFFC000  }
0xee: {  	[spmem:s2] =	stream.indirect.scatter.add.f32 [tilespmem:s14], [sflag:$0x3], $0x80, s9, s12, $0xb8;
	[tilespmem:$0x1D400] =	vst v63  }
0xef: {  	_ =	swait.ge [sflag:s10], $0x4000  }
0xf0: {  	[sflag:s10] =	ssyncset.done $0x0  }
0xf1: {  	s9 =	rddreg [dreg:$0x8];
	[sflag:s10] =	ssyncadd.s32 $0xFFFFC000  }
0xf2: {  	[tilespmem:s14], [sflag:$0x2] =	stream.indirect.gather [hbm4b:s4+s12], $0x80, s9, s12, $0xb8;
	[tilespmem:$0x1D400] =	vst v63  }
0xf3: {  	_ =	swait.ge [sflag:s15], $0x4000  }
0xf4: {  	[sflag:s15] =	ssyncset.done $0x0  }
0xf5: {  	s9 =	rddreg [dreg:$0x9];
	[sflag:s15] =	ssyncadd.s32 $0xFFFFC000  }
0xf6: {  	[spmem:s2] =	stream.indirect.scatter.add.f32 [tilespmem:s13], [sflag:$0x3], $0x80, s9, s12, $0xb8;
	[tilespmem:$0x1D400] =	vst v63  }
0xf7: {  	_ =	swait.ge [sflag:s10], $0x4000  }
0xf8: {  	[sflag:s10] =	ssyncset.done $0x0  }
0xf9: {  	s9 =	rddreg [dreg:$0xa];
	[sflag:s10] =	ssyncadd.s32 $0xFFFFC000  }
0xfa: {  	[tilespmem:s13], [sflag:$0x1] =	stream.indirect.gather [hbm4b:s4+s12], $0x80, s9, s12, $0xb8;
	[tilespmem:$0x1D400] =	vst v63  }
0xfb: {  	_ =	swait.ge [sflag:s16], $0x4000  }
0xfc: {  	[sflag:s16] =	ssyncset.done $0x0  }
0xfd: {  	s9 =	rddreg [dreg:$0xb];
	[sflag:s16] =	ssyncadd.s32 $0xFFFFC000  }
0xfe: {  	[spmem:s2] =	stream.indirect.scatter.add.f32 [tilespmem:s14], [sflag:$0x3], $0x80, s9, s12, $0xb8;
	[tilespmem:$0x1D400] =	vst v63  }
0xff: {  	_ =	swait.ge [sflag:s10], $0x4000  }
0x100: {  	[sflag:s10] =	ssyncset.done $0x0  }
0x101: {  	s9 =	rddreg [dreg:$0xc];
	[sflag:s10] =	ssyncadd.s32 $0xFFFFC000  }
0x102: {  	[tilespmem:s14], [sflag:$0x2] =	stream.indirect.gather [hbm4b:s4+s12], $0x80, s9, s12, $0xb8;
	[tilespmem:$0x1D400] =	vst v63  }
0x103: {  	_ =	swait.ge [sflag:s15], $0x4000  }
0x104: {  	[sflag:s15] =	ssyncset.done $0x0  }
0x105: {  	s9 =	rddreg [dreg:$0xd];
	[sflag:s15] =	ssyncadd.s32 $0xFFFFC000  }
0x106: {  	[spmem:s2] =	stream.indirect.scatter.add.f32 [tilespmem:s13], [sflag:$0x3], $0x80, s9, s12, $0xb8;
	[tilespmem:$0x1D400] =	vst v63  }
0x107: {  	_ =	swait.ge [sflag:s10], $0x4000  }
0x108: {  	[sflag:s10] =	ssyncset.done $0x0  }
0x109: {  	s9 =	rddreg [dreg:$0xe];
	[sflag:s10] =	ssyncadd.s32 $0xFFFFC000  }
0x10a: {  	[tilespmem:s13], [sflag:$0x1] =	stream.indirect.gather [hbm4b:s4+s12], $0x80, s9, s12, $0xb8;
	[tilespmem:$0x1D400] =	vst v63  }
0x10b: {  	_ =	swait.ge [sflag:s16], $0x4000  }
0x10c: {  	[sflag:s16] =	ssyncset.done $0x0  }
0x10d: {  	s9 =	rddreg [dreg:$0xf];
	[sflag:s16] =	ssyncadd.s32 $0xFFFFC000  }
0x10e: {  	[spmem:s2] =	stream.indirect.scatter.add.f32 [tilespmem:s14], [sflag:$0x3], $0x80, s9, s12, $0xb8;
	[tilespmem:$0x1D400] =	vst v63  }
0x10f: {  	_ =	swait.ge [sflag:s10], $0x4000  }
0x110: {  	[sflag:s10] =	ssyncset.done $0x0  }
0x111: {  	s9 =	rddreg [dreg:$0x10];
	[sflag:s10] =	ssyncadd.s32 $0xFFFFC000  }
0x112: {  	[tilespmem:s14], [sflag:$0x2] =	stream.indirect.gather [hbm4b:s4+s12], $0x80, s9, s12, $0xb8;
	[tilespmem:$0x1D400] =	vst v63  }
0x113: {  	_ =	swait.ge [sflag:s15], $0x4000  }
0x114: {  	[sflag:s15] =	ssyncset.done $0x0  }
0x115: {  	s9 =	rddreg [dreg:$0x11];
	[sflag:s15] =	ssyncadd.s32 $0xFFFFC000  }
0x116: {  	[spmem:s2] =	stream.indirect.scatter.add.f32 [tilespmem:s13], [sflag:$0x3], $0x80, s9, s12, $0xb8;
	[tilespmem:$0x1D400] =	vst v63  }
0x117: {  	_ =	swait.ge [sflag:s10], $0x4000  }
0x118: {  	[sflag:s10] =	ssyncset.done $0x0  }
0x119: {  	s9 =	rddreg [dreg:$0x12];
	[sflag:s10] =	ssyncadd.s32 $0xFFFFC000  }
0x11a: {  	[tilespmem:s13], [sflag:$0x1] =	stream.indirect.gather [hbm4b:s4+s12], $0x80, s9, s12, $0xb8;
	[tilespmem:$0x1D400] =	vst v63  }
0x11b: {  	_ =	swait.ge [sflag:s16], $0x4000  }
0x11c: {  	[sflag:s16] =	ssyncset.done $0x0  }
0x11d: {  	s9 =	rddreg [dreg:$0x13];
	[sflag:s16] =	ssyncadd.s32 $0xFFFFC000  }
0x11e: {  	[spmem:s2] =	stream.indirect.scatter.add.f32 [tilespmem:s14], [sflag:$0x3], $0x80, s9, s12, $0xb8;
	[tilespmem:$0x1D400] =	vst v63  }
0x11f: {  	_ =	swait.ge [sflag:s10], $0x4000  }
0x120: {  	[sflag:s10] =	ssyncset.done $0x0  }
0x121: {  	s9 =	rddreg [dreg:$0x14];
	[sflag:s10] =	ssyncadd.s32 $0xFFFFC000  }
0x122: {  	[tilespmem:s14], [sflag:$0x2] =	stream.indirect.gather [hbm4b:s4+s12], $0x80, s9, s12, $0xb8;
	[tilespmem:$0x1D400] =	vst v63  }
0x123: {  	_ =	swait.ge [sflag:s15], $0x4000  }
0x124: {  	[sflag:s15] =	ssyncset.done $0x0  }
0x125: {  	s9 =	rddreg [dreg:$0x15];
	[sflag:s15] =	ssyncadd.s32 $0xFFFFC000  }
0x126: {  	[spmem:s2] =	stream.indirect.scatter.add.f32 [tilespmem:s13], [sflag:$0x3], $0x80, s9, s12, $0xb8;
	[tilespmem:$0x1D400] =	vst v63  }
0x127: {  	_ =	swait.ge [sflag:s10], $0x4000  }
0x128: {  	[sflag:s10] =	ssyncset.done $0x0  }
0x129: {  	s9 =	rddreg [dreg:$0x16];
	[sflag:s10] =	ssyncadd.s32 $0xFFFFC000  }
0x12a: {  	[tilespmem:s13], [sflag:$0x1] =	stream.indirect.gather [hbm4b:s4+s12], $0x80, s9, s12, $0xb8;
	[tilespmem:$0x1D400] =	vst v63  }
0x12b: {  	_ =	swait.ge [sflag:s16], $0x4000  }
0x12c: {  	[sflag:s16] =	ssyncset.done $0x0  }
0x12d: {  	s9 =	rddreg [dreg:$0x17];
	[sflag:s16] =	ssyncadd.s32 $0xFFFFC000  }
0x12e: {  	[spmem:s2] =	stream.indirect.scatter.add.f32 [tilespmem:s14], [sflag:$0x3], $0x80, s9, s12, $0xb8;
	[tilespmem:$0x1D400] =	vst v63  }
0x12f: {  	_ =	swait.ge [sflag:s10], $0x4000  }
0x130: {  	[sflag:s10] =	ssyncset.done $0x0  }
0x131: {  	s9 =	rddreg [dreg:$0x18];
	[sflag:s10] =	ssyncadd.s32 $0xFFFFC000  }
0x132: {  	[tilespmem:s14], [sflag:$0x2] =	stream.indirect.gather [hbm4b:s4+s12], $0x80, s9, s12, $0xb8;
	[tilespmem:$0x1D400] =	vst v63  }
0x133: {  	_ =	swait.ge [sflag:s15], $0x4000  }
0x134: {  	[sflag:s15] =	ssyncset.done $0x0  }
0x135: {  	s9 =	rddreg [dreg:$0x19];
	[sflag:s15] =	ssyncadd.s32 $0xFFFFC000  }
0x136: {  	[spmem:s2] =	stream.indirect.scatter.add.f32 [tilespmem:s13], [sflag:$0x3], $0x80, s9, s12, $0xb8;
	[tilespmem:$0x1D400] =	vst v63  }
0x137: {  	_ =	swait.ge [sflag:s10], $0x4000  }
0x138: {  	[sflag:s10] =	ssyncset.done $0x0  }
0x139: {  	[sflag:s10] =	ssyncadd.s32 $0xFFFFC000  }
0x13a: {  	[tilespmem:s13], [sflag:$0x1] =	stream.indirect.gather [hbm4b:s4+s12], $0x80, s17, s12, $0xb8;
	[tilespmem:$0x1D400] =	vst v63  }
0x13b: {  	_ =	swait.ge [sflag:s16], $0x4000  }
0x13c: {  	[sflag:s16] =	ssyncset.done $0x0  }
0x13d: {  	[sflag:s16] =	ssyncadd.s32 $0xFFFFC000  }
0x13e: {  	[spmem:s2] =	stream.indirect.scatter.add.f32 [tilespmem:s14], [sflag:$0x3], $0x80, s18, s12, $0xb8;
	[tilespmem:$0x1D400] =	vst v63  }
0x13f: {  	_ =	swait.ge [sflag:s10], $0x4000  }
0x140: {  	[sflag:s10] =	ssyncset.done $0x0  }
0x141: {  	[sflag:s10] =	ssyncadd.s32 $0xFFFFC000  }
0x142: {  	[tilespmem:s14], [sflag:$0x2] =	stream.indirect.gather [hbm4b:s4+s12], $0x80, s19, s12, $0xb8;
	[tilespmem:$0x1D400] =	vst v63  }
0x143: {  	_ =	swait.ge [sflag:s15], $0x4000  }
0x144: {  	[sflag:s15] =	ssyncset.done $0x0  }
0x145: {  	[sflag:s15] =	ssyncadd.s32 $0xFFFFC000  }
0x146: {  	[spmem:s2] =	stream.indirect.scatter.add.f32 [tilespmem:s13], [sflag:$0x3], $0x80, s20, s12, $0xb8;
	[tilespmem:$0x1D400] =	vst v63  }
0x147: {  	_ =	swait.ge [sflag:s10], $0x4000  }
0x148: {  	[sflag:s10] =	ssyncset.done $0x0  }
0x149: {  	[sflag:s10] =	ssyncadd.s32 $0xFFFFC000  }
0x14a: {  	[tilespmem:s13], [sflag:$0x1] =	stream.indirect.gather [hbm4b:s4+s12], $0x80, s21, s12, $0xb8;
	[tilespmem:$0x1D400] =	vst v63  }
0x14b: {  	_ =	swait.ge [sflag:s16], $0x4000  }
0x14c: {  	[sflag:s16] =	ssyncset.done $0x0  }
0x14d: {  	[sflag:s16] =	ssyncadd.s32 $0xFFFFC000  }
0x14e: {  	[spmem:s2] =	stream.indirect.scatter.add.f32 [tilespmem:s14], [sflag:$0x3], $0x80, s22, s12, $0xb8;
	[tilespmem:$0x1D400] =	vst v63  }
0x14f: {  	_ =	swait.ge [sflag:s10], $0x4000  }
0x150: {  	[sflag:s10] =	ssyncset.done $0x0  }
0x151: {  	[sflag:s10] =	ssyncadd.s32 $0xFFFFC000  }
0x152: {  	[tilespmem:s14], [sflag:$0x2] =	stream.indirect.gather [hbm4b:s4+s12], $0x80, s23, s12, $0xb8;
	[tilespmem:$0x1D400] =	vst v63  }
0x153: {  	_ =	swait.ge [sflag:s15], $0x4000  }
0x154: {  	[sflag:s15] =	ssyncset.done $0x0  }
0x155: {  	[sflag:s15] =	ssyncadd.s32 $0xFFFFC000  }
0x156: {  	[spmem:s2] =	stream.indirect.scatter.add.f32 [tilespmem:s13], [sflag:$0x3], $0x80, s24, s12, $0xb8;
	[tilespmem:$0x1D400] =	vst v63  }
0x157: {  	_ =	swait.ge [sflag:s10], $0x4000  }
0x158: {  	[sflag:s10] =	ssyncset.done $0x0  }
0x159: {  	[sflag:s10] =	ssyncadd.s32 $0xFFFFC000  }
0x15a: {  	[tilespmem:s13], [sflag:$0x1] =	stream.indirect.gather [hbm4b:s4+s12], $0x80, s25, s12, $0xb8;
	[tilespmem:$0x1D400] =	vst v63  }
0x15b: {  	_ =	swait.ge [sflag:s16], $0x4000  }
0x15c: {  	[sflag:s16] =	ssyncset.done $0x0  }
0x15d: {  	[sflag:s16] =	ssyncadd.s32 $0xFFFFC000  }
0x15e: {  	[spmem:s2] =	stream.indirect.scatter.add.f32 [tilespmem:s14], [sflag:$0x3], $0x80, s26, s12, $0xb8;
	[tilespmem:$0x1D400] =	vst v63  }
0x15f: {  	_ =	swait.ge [sflag:s10], $0x4000  }
0x160: {  	[sflag:s10] =	ssyncset.done $0x0  }
0x161: {  	[sflag:s10] =	ssyncadd.s32 $0xFFFFC000  }
0x162: {  	[tilespmem:s14], [sflag:$0x2] =	stream.indirect.gather [hbm4b:s4+s12], $0x80, s28, s12, $0xb8;
	[tilespmem:$0x1D400] =	vst v63  }
0x163: {  	_ =	swait.ge [sflag:s15], $0x4000  }
0x164: {  	[sflag:s15] =	ssyncset.done $0x0  }
0x165: {  	[sflag:s15] =	ssyncadd.s32 $0xFFFFC000  }
0x166: {  	[spmem:s2] =	stream.indirect.scatter.add.f32 [tilespmem:s13], [sflag:$0x3], $0x80, s29, s12, $0xb8;
	[tilespmem:$0x1D400] =	vst v63  }
0x167: {  	_ =	swait.ge [sflag:s10], $0x4000  }
0x168: {  	[sflag:s10] =	ssyncset.done $0x0  }
0x169: {  	[sflag:s10] =	ssyncadd.s32 $0xFFFFC000  }
0x16a: {  	[tilespmem:s13], [sflag:$0x1] =	stream.indirect.gather [hbm4b:s4+s12], $0x80, s30, s12, $0xb8;
	[tilespmem:$0x1D400] =	vst v63  }
0x16b: {  	_ =	swait.ge [sflag:s16], $0x4000  }
0x16c: {  	[sflag:s16] =	ssyncset.done $0x0  }
0x16d: {  	[sflag:s16] =	ssyncadd.s32 $0xFFFFC000  }
0x16e: {  	[spmem:s2] =	stream.indirect.scatter.add.f32 [tilespmem:s14], [sflag:$0x3], $0x80, s31, s12, $0xb8;
	[tilespmem:$0x1D400] =	vst v63  }
0x16f: {  	_ =	swait.ge [sflag:s10], $0x4000  }
0x170: {  	[sflag:s10] =	ssyncset.done $0x0  }
0x171: {  	[sflag:s10] =	ssyncadd.s32 $0xFFFFC000  }
0x172: {  	[tilespmem:s14], [sflag:$0x2] =	stream.indirect.gather [hbm4b:s4+s12], $0x80, s1, s12, $0xb8;
	[tilespmem:$0x1D400] =	vst v63  }
0x173: {  	_ =	swait.ge [sflag:s15], $0x4000  }
0x174: {  	[sflag:s15] =	ssyncset.done $0x0  }
0x175: {  	[sflag:s15] =	ssyncadd.s32 $0xFFFFC000  }
0x176: {  	[spmem:s2] =	stream.indirect.scatter.add.f32 [tilespmem:s13], [sflag:$0x3], $0x80, s0, s12, $0xb8;
	[tilespmem:$0x1D400] =	vst v63  }
0x177: {  	_ =	swait.ge [sflag:s10], $0x4000  }
0x178: {  	[sflag:s10] =	ssyncset.done $0x0  }
0x179: {  	[sflag:s10] =	ssyncadd.s32 $0xFFFFC000  }
0x17a: {  	p0 =	sne.s32 s6, $0x480;
	_ =	swait.ge [sflag:s16], $0x4000  }
.Ltmp0:
0x17b: {  	[sflag:s16] =	ssyncset.done $0x0;
	(pc) =	sbr.rel @p0 .LBB2_2-.Ltmp0, $4  }
0x17c: {  	[sflag:s16] =	ssyncadd.s32 $0xFFFFC000  }
0x17d: {  	[spmem:s2] =	stream.indirect.scatter.add.f32 [tilespmem:s14], [sflag:$0x3], $0x80, s5, s12, $0xb8;
	[tilespmem:$0x1D400] =	vst v63  }
0x17e: {  	s7 =	smov.u32 s6;
	s6 =	sadd.s32 $0x180, s6;
	_ =	swait.ge [sflag:s10], $0x4000  }
0x17f: {  	s8 =	smov.u32 s7;
	s9 =	rddreg [dreg:$0x5];
	[sflag:s10] =	ssyncset.done $0x0  }
0x180: {  	[sflag:s10] =	ssyncadd.s32 $0xFFFFC000;
	s6 =	sadd.s32 s8, s9  }
0x181: {  	[tilespmem:s3], [sflag:$0x3] =	stream.linear.gather [hbm4b:s6+s3], $0xA00, $0x38;
	[tilespmem:$0x1D400] =	vst v63  }
0x182: {  	_ =	swait.ge [sflag:s10], $0xA00  }
0x183: {  	s9 =	rddreg [dreg:$0x4];
	[sflag:s10] =	ssyncset.done $0x0  }
0x184: {  	s6 =	sadd.s32 s8, s9;
	[sflag:s10] =	ssyncadd.s32 $0xFFFFF600  }
0x185: {  	[tilespmem:s11], [sflag:$0x3] =	stream.linear.gather [hbm4b:s6+s3], $0xA00, $0x38;
	[tilespmem:$0x1D400] =	vst v63  }
0x186: {  	_ =	swait.ge [sflag:s10], $0xA00  }
0x187: {  	[sflag:s10] =	ssyncset.done $0x0  }
0x188: {  	[sflag:s10] =	ssyncadd.s32 $0xFFFFF600  }
0x189: {  	[tilespmem:s13], [sflag:$0x1] =	stream.indirect.gather [hbm4b:s4+s12], $0x80, s3, s12, $0xb8;
	[tilespmem:$0x1D400] =	vst v63  }
0x18a: {  	_ = 	snop  }
0x18b: {  	[tilespmem:s14], [sflag:$0x2] =	stream.indirect.gather [hbm4b:s4+s12], $0x80, s12, s12, $0xb8;
	[tilespmem:$0x1D400] =	vst v63  }
0x18c: {  	_ =	swait.ge [sflag:s15], $0x4000  }
0x18d: {  	[sflag:s15] =	ssyncset.done $0x0  }
0x18e: {  	[sflag:s15] =	ssyncadd.s32 $0xFFFFC000  }
0x18f: {  	[spmem:s2] =	stream.indirect.scatter.add.f32 [tilespmem:s13], [sflag:$0x3], $0x80, s11, s12, $0xb8;
	[tilespmem:$0x1D400] =	vst v63  }
0x190: {  	_ =	swait.ge [sflag:s10], $0x4000  }
0x191: {  	[sflag:s10] =	ssyncset.done $0x0  }
0x192: {  	s7 =	rddreg [dreg:$0x6];
	[sflag:s10] =	ssyncadd.s32 $0xFFFFC000  }
0x193: {  	[tilespmem:s13], [sflag:$0x1] =	stream.indirect.gather [hbm4b:s4+s12], $0x80, s7, s12, $0xb8;
	[tilespmem:$0x1D400] =	vst v63  }
0x194: {  	_ =	swait.ge [sflag:s16], $0x4000  }
0x195: {  	[sflag:s16] =	ssyncset.done $0x0  }
0x196: {  	s8 =	rddreg [dreg:$0x7];
	[sflag:s16] =	ssyncadd.s32 $0xFFFFC000  }
0x197: {  	[spmem:s2] =	stream.indirect.scatter.add.f32 [tilespmem:s14], [sflag:$0x3], $0x80, s8, s12, $0xb8;
	[tilespmem:$0x1D400] =	vst v63  }
0x198: {  	_ =	swait.ge [sflag:s10], $0x4000  }
0x199: {  	[sflag:s10] =	ssyncset.done $0x0  }
0x19a: {  	s9 =	rddreg [dreg:$0x8];
	[sflag:s10] =	ssyncadd.s32 $0xFFFFC000  }
0x19b: {  	[tilespmem:s14], [sflag:$0x2] =	stream.indirect.gather [hbm4b:s4+s12], $0x80, s9, s12, $0xb8;
	[tilespmem:$0x1D400] =	vst v63  }
0x19c: {  	_ =	swait.ge [sflag:s15], $0x4000  }
0x19d: {  	[sflag:s15] =	ssyncset.done $0x0  }
0x19e: {  	s7 =	rddreg [dreg:$0x9];
	[sflag:s15] =	ssyncadd.s32 $0xFFFFC000  }
0x19f: {  	[spmem:s2] =	stream.indirect.scatter.add.f32 [tilespmem:s13], [sflag:$0x3], $0x80, s7, s12, $0xb8;
	[tilespmem:$0x1D400] =	vst v63  }
0x1a0: {  	_ =	swait.ge [sflag:s10], $0x4000  }
0x1a1: {  	[sflag:s10] =	ssyncset.done $0x0  }
0x1a2: {  	s8 =	rddreg [dreg:$0xa];
	[sflag:s10] =	ssyncadd.s32 $0xFFFFC000  }
0x1a3: {  	[tilespmem:s13], [sflag:$0x1] =	stream.indirect.gather [hbm4b:s4+s12], $0x80, s8, s12, $0xb8;
	[tilespmem:$0x1D400] =	vst v63  }
0x1a4: {  	_ =	swait.ge [sflag:s16], $0x4000  }
0x1a5: {  	[sflag:s16] =	ssyncset.done $0x0  }
0x1a6: {  	s9 =	rddreg [dreg:$0xb];
	[sflag:s16] =	ssyncadd.s32 $0xFFFFC000  }
0x1a7: {  	[spmem:s2] =	stream.indirect.scatter.add.f32 [tilespmem:s14], [sflag:$0x3], $0x80, s9, s12, $0xb8;
	[tilespmem:$0x1D400] =	vst v63  }
0x1a8: {  	_ =	swait.ge [sflag:s10], $0x4000  }
0x1a9: {  	[sflag:s10] =	ssyncset.done $0x0  }
0x1aa: {  	s7 =	rddreg [dreg:$0xc];
	[sflag:s10] =	ssyncadd.s32 $0xFFFFC000  }
0x1ab: {  	[tilespmem:s14], [sflag:$0x2] =	stream.indirect.gather [hbm4b:s4+s12], $0x80, s7, s12, $0xb8;
	[tilespmem:$0x1D400] =	vst v63  }
0x1ac: {  	_ =	swait.ge [sflag:s15], $0x4000  }
0x1ad: {  	[sflag:s15] =	ssyncset.done $0x0  }
0x1ae: {  	s8 =	rddreg [dreg:$0xd];
	[sflag:s15] =	ssyncadd.s32 $0xFFFFC000  }
0x1af: {  	[spmem:s2] =	stream.indirect.scatter.add.f32 [tilespmem:s13], [sflag:$0x3], $0x80, s8, s12, $0xb8;
	[tilespmem:$0x1D400] =	vst v63  }
0x1b0: {  	_ =	swait.ge [sflag:s10], $0x4000  }
0x1b1: {  	[sflag:s10] =	ssyncset.done $0x0  }
0x1b2: {  	s9 =	rddreg [dreg:$0xe];
	[sflag:s10] =	ssyncadd.s32 $0xFFFFC000  }
0x1b3: {  	[tilespmem:s13], [sflag:$0x1] =	stream.indirect.gather [hbm4b:s4+s12], $0x80, s9, s12, $0xb8;
	[tilespmem:$0x1D400] =	vst v63  }
0x1b4: {  	_ =	swait.ge [sflag:s16], $0x4000  }
0x1b5: {  	[sflag:s16] =	ssyncset.done $0x0  }
0x1b6: {  	s7 =	rddreg [dreg:$0xf];
	[sflag:s16] =	ssyncadd.s32 $0xFFFFC000  }
0x1b7: {  	[spmem:s2] =	stream.indirect.scatter.add.f32 [tilespmem:s14], [sflag:$0x3], $0x80, s7, s12, $0xb8;
	[tilespmem:$0x1D400] =	vst v63  }
0x1b8: {  	_ =	swait.ge [sflag:s10], $0x4000  }
0x1b9: {  	[sflag:s10] =	ssyncset.done $0x0  }
0x1ba: {  	s8 =	rddreg [dreg:$0x10];
	[sflag:s10] =	ssyncadd.s32 $0xFFFFC000  }
0x1bb: {  	[tilespmem:s14], [sflag:$0x2] =	stream.indirect.gather [hbm4b:s4+s12], $0x80, s8, s12, $0xb8;
	[tilespmem:$0x1D400] =	vst v63  }
0x1bc: {  	_ =	swait.ge [sflag:s15], $0x4000  }
0x1bd: {  	[sflag:s15] =	ssyncset.done $0x0  }
0x1be: {  	s9 =	rddreg [dreg:$0x11];
	[sflag:s15] =	ssyncadd.s32 $0xFFFFC000  }
0x1bf: {  	[spmem:s2] =	stream.indirect.scatter.add.f32 [tilespmem:s13], [sflag:$0x3], $0x80, s9, s12, $0xb8;
	[tilespmem:$0x1D400] =	vst v63  }
0x1c0: {  	_ =	swait.ge [sflag:s10], $0x4000  }
0x1c1: {  	[sflag:s10] =	ssyncset.done $0x0  }
0x1c2: {  	s7 =	rddreg [dreg:$0x12];
	[sflag:s10] =	ssyncadd.s32 $0xFFFFC000  }
0x1c3: {  	[tilespmem:s13], [sflag:$0x1] =	stream.indirect.gather [hbm4b:s4+s12], $0x80, s7, s12, $0xb8;
	[tilespmem:$0x1D400] =	vst v63  }
0x1c4: {  	_ =	swait.ge [sflag:s16], $0x4000  }
0x1c5: {  	[sflag:s16] =	ssyncset.done $0x0  }
0x1c6: {  	s8 =	rddreg [dreg:$0x13];
	[sflag:s16] =	ssyncadd.s32 $0xFFFFC000  }
0x1c7: {  	[spmem:s2] =	stream.indirect.scatter.add.f32 [tilespmem:s14], [sflag:$0x3], $0x80, s8, s12, $0xb8;
	[tilespmem:$0x1D400] =	vst v63  }
0x1c8: {  	_ =	swait.ge [sflag:s10], $0x4000  }
0x1c9: {  	[sflag:s10] =	ssyncset.done $0x0  }
0x1ca: {  	s9 =	rddreg [dreg:$0x14];
	[sflag:s10] =	ssyncadd.s32 $0xFFFFC000  }
0x1cb: {  	[tilespmem:s14], [sflag:$0x2] =	stream.indirect.gather [hbm4b:s4+s12], $0x80, s9, s12, $0xb8;
	[tilespmem:$0x1D400] =	vst v63  }
0x1cc: {  	_ =	swait.ge [sflag:s15], $0x4000  }
0x1cd: {  	[sflag:s15] =	ssyncset.done $0x0  }
0x1ce: {  	s7 =	rddreg [dreg:$0x15];
	[sflag:s15] =	ssyncadd.s32 $0xFFFFC000  }
0x1cf: {  	[spmem:s2] =	stream.indirect.scatter.add.f32 [tilespmem:s13], [sflag:$0x3], $0x80, s7, s12, $0xb8;
	[tilespmem:$0x1D400] =	vst v63  }
0x1d0: {  	_ =	swait.ge [sflag:s10], $0x4000  }
0x1d1: {  	[sflag:s10] =	ssyncset.done $0x0  }
0x1d2: {  	s8 =	rddreg [dreg:$0x16];
	[sflag:s10] =	ssyncadd.s32 $0xFFFFC000  }
0x1d3: {  	[tilespmem:s13], [sflag:$0x1] =	stream.indirect.gather [hbm4b:s4+s12], $0x80, s8, s12, $0xb8;
	[tilespmem:$0x1D400] =	vst v63  }
0x1d4: {  	_ =	swait.ge [sflag:s16], $0x4000  }
0x1d5: {  	[sflag:s16] =	ssyncset.done $0x0  }
0x1d6: {  	s9 =	rddreg [dreg:$0x17];
	[sflag:s16] =	ssyncadd.s32 $0xFFFFC000  }
0x1d7: {  	[spmem:s2] =	stream.indirect.scatter.add.f32 [tilespmem:s14], [sflag:$0x3], $0x80, s9, s12, $0xb8;
	[tilespmem:$0x1D400] =	vst v63  }
0x1d8: {  	_ =	swait.ge [sflag:s10], $0x4000  }
0x1d9: {  	[sflag:s10] =	ssyncset.done $0x0  }
0x1da: {  	s7 =	rddreg [dreg:$0x18];
	[sflag:s10] =	ssyncadd.s32 $0xFFFFC000  }
0x1db: {  	[tilespmem:s14], [sflag:$0x2] =	stream.indirect.gather [hbm4b:s4+s12], $0x80, s7, s12, $0xb8;
	[tilespmem:$0x1D400] =	vst v63  }
0x1dc: {  	_ =	swait.ge [sflag:s15], $0x4000  }
0x1dd: {  	[sflag:s15] =	ssyncset.done $0x0  }
0x1de: {  	s8 =	rddreg [dreg:$0x19];
	[sflag:s15] =	ssyncadd.s32 $0xFFFFC000  }
0x1df: {  	[spmem:s2] =	stream.indirect.scatter.add.f32 [tilespmem:s13], [sflag:$0x3], $0x80, s8, s12, $0xb8;
	[tilespmem:$0x1D400] =	vst v63  }
0x1e0: {  	_ =	swait.ge [sflag:s10], $0x4000  }
0x1e1: {  	[sflag:s10] =	ssyncset.done $0x0  }
0x1e2: {  	[sflag:s10] =	ssyncadd.s32 $0xFFFFC000  }
0x1e3: {  	[tilespmem:s13], [sflag:$0x1] =	stream.indirect.gather [hbm4b:s4+s12], $0x80, s17, s12, $0xb8;
	[tilespmem:$0x1D400] =	vst v63  }
0x1e4: {  	_ =	swait.ge [sflag:s16], $0x4000  }
0x1e5: {  	[sflag:s16] =	ssyncset.done $0x0  }
0x1e6: {  	[sflag:s16] =	ssyncadd.s32 $0xFFFFC000  }
0x1e7: {  	[spmem:s2] =	stream.indirect.scatter.add.f32 [tilespmem:s14], [sflag:$0x3], $0x80, s18, s12, $0xb8;
	[tilespmem:$0x1D400] =	vst v63  }
0x1e8: {  	_ =	swait.ge [sflag:s10], $0x4000  }
0x1e9: {  	[sflag:s10] =	ssyncset.done $0x0  }
0x1ea: {  	[sflag:s10] =	ssyncadd.s32 $0xFFFFC000  }
0x1eb: {  	[tilespmem:s14], [sflag:$0x2] =	stream.indirect.gather [hbm4b:s4+s12], $0x80, s19, s12, $0xb8;
	[tilespmem:$0x1D400] =	vst v63  }
0x1ec: {  	_ =	swait.ge [sflag:s15], $0x4000  }
0x1ed: {  	[sflag:s15] =	ssyncset.done $0x0  }
0x1ee: {  	[sflag:s15] =	ssyncadd.s32 $0xFFFFC000  }
0x1ef: {  	[spmem:s2] =	stream.indirect.scatter.add.f32 [tilespmem:s13], [sflag:$0x3], $0x80, s20, s12, $0xb8;
	[tilespmem:$0x1D400] =	vst v63  }
0x1f0: {  	_ =	swait.ge [sflag:s10], $0x4000  }
0x1f1: {  	[sflag:s10] =	ssyncset.done $0x0  }
0x1f2: {  	[sflag:s10] =	ssyncadd.s32 $0xFFFFC000  }
0x1f3: {  	[tilespmem:s13], [sflag:$0x1] =	stream.indirect.gather [hbm4b:s4+s12], $0x80, s21, s12, $0xb8;
	[tilespmem:$0x1D400] =	vst v63  }
0x1f4: {  	_ =	swait.ge [sflag:s16], $0x4000  }
0x1f5: {  	[sflag:s16] =	ssyncset.done $0x0  }
0x1f6: {  	[sflag:s16] =	ssyncadd.s32 $0xFFFFC000  }
0x1f7: {  	[spmem:s2] =	stream.indirect.scatter.add.f32 [tilespmem:s14], [sflag:$0x3], $0x80, s22, s12, $0xb8;
	[tilespmem:$0x1D400] =	vst v63  }
0x1f8: {  	_ =	swait.ge [sflag:s10], $0x4000  }
0x1f9: {  	[sflag:s10] =	ssyncset.done $0x0  }
0x1fa: {  	[sflag:s10] =	ssyncadd.s32 $0xFFFFC000  }
0x1fb: {  	[tilespmem:s14], [sflag:$0x2] =	stream.indirect.gather [hbm4b:s4+s12], $0x80, s23, s12, $0xb8;
	[tilespmem:$0x1D400] =	vst v63  }
0x1fc: {  	_ =	swait.ge [sflag:s15], $0x4000  }
0x1fd: {  	[sflag:s15] =	ssyncset.done $0x0  }
0x1fe: {  	[sflag:s15] =	ssyncadd.s32 $0xFFFFC000  }
0x1ff: {  	[spmem:s2] =	stream.indirect.scatter.add.f32 [tilespmem:s13], [sflag:$0x3], $0x80, s24, s12, $0xb8;
	[tilespmem:$0x1D400] =	vst v63  }
0x200: {  	_ =	swait.ge [sflag:s10], $0x4000  }
0x201: {  	[sflag:s10] =	ssyncset.done $0x0  }
0x202: {  	[sflag:s10] =	ssyncadd.s32 $0xFFFFC000  }
0x203: {  	[tilespmem:s13], [sflag:$0x1] =	stream.indirect.gather [hbm4b:s4+s12], $0x80, s25, s12, $0xb8;
	[tilespmem:$0x1D400] =	vst v63  }
0x204: {  	_ =	swait.ge [sflag:s16], $0x4000  }
0x205: {  	[sflag:s16] =	ssyncset.done $0x0  }
0x206: {  	[sflag:s16] =	ssyncadd.s32 $0xFFFFC000  }
0x207: {  	[spmem:s2] =	stream.indirect.scatter.add.f32 [tilespmem:s14], [sflag:$0x3], $0x80, s26, s12, $0xb8;
	[tilespmem:$0x1D400] =	vst v63  }
0x208: {  	_ =	swait.ge [sflag:s10], $0x4000  }
0x209: {  	[sflag:s10] =	ssyncset.done $0x0  }
0x20a: {  	[sflag:s10] =	ssyncadd.s32 $0xFFFFC000  }
0x20b: {  	[tilespmem:s14], [sflag:$0x2] =	stream.indirect.gather [hbm4b:s4+s12], $0x80, s28, s12, $0xb8;
	[tilespmem:$0x1D400] =	vst v63  }
0x20c: {  	_ =	swait.ge [sflag:s15], $0x4000  }
0x20d: {  	[sflag:s15] =	ssyncset.done $0x0  }
0x20e: {  	[sflag:s15] =	ssyncadd.s32 $0xFFFFC000  }
0x20f: {  	[spmem:s2] =	stream.indirect.scatter.add.f32 [tilespmem:s13], [sflag:$0x3], $0x80, s29, s12, $0xb8;
	[tilespmem:$0x1D400] =	vst v63  }
0x210: {  	_ =	swait.ge [sflag:s10], $0x4000  }
0x211: {  	[sflag:s10] =	ssyncset.done $0x0  }
0x212: {  	[sflag:s10] =	ssyncadd.s32 $0xFFFFC000  }
0x213: {  	[tilespmem:s13], [sflag:$0x1] =	stream.indirect.gather [hbm4b:s4+s12], $0x80, s30, s12, $0xb8;
	[tilespmem:$0x1D400] =	vst v63  }
0x214: {  	_ =	swait.ge [sflag:s16], $0x4000  }
0x215: {  	[sflag:s16] =	ssyncset.done $0x0  }
0x216: {  	[sflag:s16] =	ssyncadd.s32 $0xFFFFC000  }
0x217: {  	[spmem:s2] =	stream.indirect.scatter.add.f32 [tilespmem:s14], [sflag:$0x3], $0x80, s31, s12, $0xb8;
	[tilespmem:$0x1D400] =	vst v63  }
0x218: {  	_ =	swait.ge [sflag:s10], $0x4000  }
0x219: {  	[sflag:s10] =	ssyncset.done $0x0  }
0x21a: {  	[sflag:s10] =	ssyncadd.s32 $0xFFFFC000  }
0x21b: {  	[tilespmem:s14], [sflag:$0x2] =	stream.indirect.gather [hbm4b:s4+s12], $0x80, s1, s12, $0xb8;
	[tilespmem:$0x1D400] =	vst v63  }
0x21c: {  	_ =	swait.ge [sflag:s15], $0x4000  }
0x21d: {  	[sflag:s15] =	ssyncset.done $0x0  }
0x21e: {  	[sflag:s15] =	ssyncadd.s32 $0xFFFFC000  }
0x21f: {  	[spmem:s2] =	stream.indirect.scatter.add.f32 [tilespmem:s13], [sflag:$0x3], $0x80, s0, s12, $0xb8;
	[tilespmem:$0x1D400] =	vst v63  }
0x220: {  	_ =	swait.ge [sflag:s10], $0x4000  }
0x221: {  	[sflag:s10] =	ssyncset.done $0x0  }
0x222: {  	[sflag:s10] =	ssyncadd.s32 $0xFFFFC000  }
0x223: {  	_ =	swait.ge [sflag:s16], $0x4000  }
0x224: {  	[sflag:s16] =	ssyncset.done $0x0  }
0x225: {  	[sflag:s16] =	ssyncadd.s32 $0xFFFFC000  }
0x226: {  	[spmem:s2] =	stream.indirect.scatter.add.f32 [tilespmem:s14], [sflag:$0x3], $0x80, s5, s12, $0xb8;
	[tilespmem:$0x1D400] =	vst v63  }
0x227: {  	_ =	swait.ge [sflag:s10], $0x4000  }
0x228: {  	[sflag:s10] =	ssyncset.done $0x0  }
0x229: {  	[sflag:s10] =	ssyncadd.s32 $0xFFFFC000  }
0x22a: {  	[bflag:$0x0] =	sbarrier.arrive $0xFFFF  }
0x22b: {  	s7 =	rddreg [dreg:$0x1b]  }
0x22c: {  	s9 =	rddreg [dreg:$0x1c]  }
0x22d: {  	s8 =	rddreg [dreg:$0x1e]  }
0x22e: {  	[hbm:s9], [sflag:s7] =	dma.local [spmem:s8], $0x2780  }
0x22f: {  	_ =	swait.ge [sflag:s10], $0x2780  }
0x230: {  	s6 =	rddreg [dreg:$0x1f]  }
0x231: {  	s9 =	sadd.s32 $0x1, s6;
	s6 =	rddreg [dreg:$0x1d]  }
0x232: {  	p0 =	sne.s32 s9, s6  }
.Ltmp1:
0x233: {  	_ = 	snop;
	(pc) =	sbr.rel @p0 .LBB2_1-.Ltmp1, $3  }
0x234: {  	_ =	sdelay $0x1  }
0x235: {  	[sflag:s10] =	ssyncset.done $0x0  }
0x236: {  	[sflag:s10] =	ssyncadd.s32 $0xFFFFD880  }
0x237: {  	_ =	sfence.sel $0x180000  }
0x238: {  	[bflag:$0x0] =	sbarrier.arrive $0xFFFF  }
0x239: {  	_ =	strace $0x9000004D  }
0x23a: {  	s0 =	stileid.u32;
	[bflag:$0x2] =	sbarrier.arrive $0xFFFF  }
0x23b: {  	p0 =	sne.s32 s0, $0x0;
	s0 =	rddreg [dreg:$0x3]  }
0x23c: {  	s0 =	sadd.s32 @!p0 $0x100000, s0  }
0x23d: {  	[sflag:s0] =	ssyncadd.tile.s32 @!p0 $0x1;
	_ =	shalt  }
.Lfunc_end2:
_tile_overlayer_lowered:
.L_overlay_start_2:
0x23e: {  	(tag) =	ssettag $0x2  }
0x23f: {  	s0 =	rddreg [dreg:$0x0];
	s2 =	stileid.u32  }
0x240: {  	s1 =	rddreg [dreg:$0x1];
	p0 =	sne.s32 s2, $0x0  }
0x241: {  	s3 =	rddreg [dreg:$0x2];
	[bflag:$0x3] =	sbarrier.arrive $0xFFFF;
	s2 =	simm.s32 @!p0 $0x1C03  }
0x242: {  	[timem:s3], [sflag:s2] =	dma.local @!p0 [hbm:s0], s1  }
0x243: {  	s0 =	simm.s32 @!p0 $0x3  }
0x244: {  	_ =	swait.ge @!p0 [sflag:s0], s1  }
0x245: {  	s1 =	ssub.s32 @!p0 $0x0, s1;
	[sflag:s0] =	ssyncset.done @!p0 $0x0  }
0x246: {  	[sflag:s0] =	ssyncadd.s32 @!p0 s1  }
0x247: {  	[bflag:$0x3] =	sbarrier.arrive $0xFFFF  }
0x248: {  	_ =	shalt  }

// kernel: kernel.19.cloned.1.call-start
scs
__scs_entry_jumppad:
0x0: {  	(pc) =	sbr.rel $0x88, $3  }
0x1: {  	(tag) =	ssettag $0x0;
	lr =	simm.s32 $0x1  }
0x2: {  	[smem:$0x3F95] =	sst lr;
	_ =	strace $0xD0000000  }
0x3: {  	_ = 	snop  }
0x4: {  	_ = 	snop  }
0x5: {  	_ = 	snop  }
0x6: {  	_ = 	snop  }
0x7: {  	_ = 	snop  }
__scs_overlays_trampoline_lowered:
0x8: {  	[smem:$0x3FA4] =	sst s0  }
0x9: {  	[smem:$0x3FA5] =	sst s1  }
0xa: {  	[smem:$0x3FA6] =	sst s2  }
0xb: {  	[smem:$0x3FA7] =	sst s3  }
0xc: {  	[smem:$0x3FA8] =	sst s4  }
0xd: {  	[smem:$0x3FA9] =	sst s5  }
0xe: {  	[smem:$0x3FAA] =	sst s6  }
0xf: {  	[smem:$0x3FAB] =	sst s7  }
0x10: {  	[smem:$0x3FAC] =	sst s8  }
0x11: {  	[smem:$0x3FAD] =	sst s9;
	s0 =	simm.s32 @!p0 $0x0  }
0x12: {  	s1 =	sld [smem:$0x3F93];
	s0 =	simm.s32 @p0 $0x1  }
0x13: {  	[smem:$0x3FAE] =	sst s0;
	s0 =	simm.s32 @!p1 $0x0  }
0x14: {  	s2 =	sld [smem:$0x3F92];
	s0 =	simm.s32 @p1 $0x1  }
0x15: {  	[smem:$0x3FAF] =	sst s0;
	s0 =	simm.s32 @!p2 $0x0  }
0x16: {  	s3 =	sld [smem:$0x3FDB];
	s0 =	simm.s32 @p2 $0x1  }
0x17: {  	s4 =	simm.s32 $0x1BF5;
	[smem:$0x3FB1] =	sst s0  }
0x18: {  	s0 =	sld [smem:$0x3F94];
	_ =	swait.ge [sflag:s4], $0x0  }
0x19: {  	s7 =	sld [smem:$0x3F95]  }
0x1a: {  	s8 =	sadd.s32 $0xFFFFE003, lr  }
0x1b: {  	s9 =	sadd.s32 $0xFFFFFEF7, lr;
	s5 =	simm.s32 $0xFFFFFFFF;
	p2 =	slt.u32 s8, $0xFFFFF086  }
0x1c: {  	p1 =	slt.u32 s9, $0xF7A;
	s5 =	simm.s32 @!p2 $0x0  }
0x1d: {  	s5 =	simm.s32 @p1 $0x1;
	p0 =	seq.s32 s7, s2  }
0x1e: {  	s7 =	smul.u32 @!p0 $0xF7A, s2;
	p2 =	seq.s32 @!p0 s5, $0x0  }
0x1f: {  	s9 =	smul.u32 $0xF7A, s1;
	s8 =	simm.s32 @!p0 $0x1BF5;
	p2 =	por !p2, p0  }
0x20: {  	[sflag:s8] =	ssyncset.s32 @!p0 $0xFFFFF086;
	s6 =	sadd.s32 @!p0 s3, s7;
	s7 =	simm.s32 @!p0 $0x108  }
0x21: {  	s3 =	sadd.s32 s3, s9;
	s6 =	sadd.s32 @!p0 $0x88, s6;
	s7 =	simm.s32 @p2 $0x1082  }
0x22: {  	[simem:s7], [sflag:s8] =	dma.local @!p0 [hbm:s6], $0xF7A  }
0x23: {  	s9 =	sor.u32 $0xD0000000, s2;
	s6 =	simm.s32 $0x108;
	_ =	swait.ge @!p0 [sflag:s8], $0x0  }
0x24: {  	s3 =	sadd.s32 $0x88, s3;
	s6 =	simm.s32 @!p1 $0x1082;
	[sflag:s4] =	ssyncset.s32 $0xFFFFF086  }
0x25: {  	[simem:s6], [sflag:s4] =	dma.local [hbm:s3], $0xF7A  }
0x26: {  	[smem:$0x3F95] =	sst s1;
	(tag) =	ssettag s2;
	_ =	strace s9  }
0x27: {  	s1 =	sld [smem:$0x3FA5]  }
0x28: {  	s2 =	sld [smem:$0x3FA6]  }
0x29: {  	s4 =	sld [smem:$0x3FA8]  }
0x2a: {  	p0 =	seq.s32 s5, $0x0;
	s5 =	sld [smem:$0x3FA9]  }
0x2b: {  	s6 =	sld [smem:$0x3FAA]  }
0x2c: {  	s7 =	sld [smem:$0x3FAB]  }
0x2d: {  	s3 =	simm.s32 $0x108;
	s8 =	sld [smem:$0x3FAC]  }
0x2e: {  	s3 =	simm.s32 @!p0 $0x1082;
	s9 =	sld [smem:$0x3FAD]  }
0x2f: {  	lr =	sadd.s32 s0, s3;
	s0 =	sld [smem:$0x3FA4]  }
0x30: {  	s3 =	sld [smem:$0x3FA7]  }
0x31: {  	[smem:$0x3FB0] =	sst s10  }
0x32: {  	s10 =	sld [smem:$0x3FAE];
	_ =	sdelay $0x3  }
0x33: {  	p0 =	seq.s32 s10, $0x1;
	s10 =	sld [smem:$0x3FB0];
	_ =	sdelay $0x3  }
0x34: {  	[smem:$0x3FB0] =	sst s10  }
0x35: {  	s10 =	sld [smem:$0x3FAF];
	_ =	sdelay $0x3  }
0x36: {  	p1 =	seq.s32 s10, $0x1;
	s10 =	sld [smem:$0x3FB0];
	_ =	sdelay $0x3  }
0x37: {  	[smem:$0x3FB0] =	sst s10  }
0x38: {  	s10 =	sld [smem:$0x3FB1]  }
0x39: {  	_ = 	snop;
	(pc) =	sbr.ind lr, $3  }
0x3a: {  	_ = 	snop  }
0x3b: {  	_ = 	snop  }
0x3c: {  	p2 =	seq.s32 s10, $0x1;
	s10 =	sld [smem:$0x3FB0]  }
0x3d: {  	_ =	shalt  }
0x3e: {  	_ =	shalt  }
0x3f: {  	_ =	shalt  }
0x40: {  	_ =	shalt  }
0x41: {  	_ =	shalt  }
0x42: {  	_ =	shalt  }
0x43: {  	_ =	shalt  }
0x44: {  	_ =	shalt  }
0x45: {  	_ =	shalt  }
0x46: {  	_ =	shalt  }
0x47: {  	_ =	shalt  }
0x48: {  	_ =	shalt  }
0x49: {  	_ =	shalt  }
0x4a: {  	_ =	shalt  }
0x4b: {  	_ =	shalt  }
0x4c: {  	_ =	shalt  }
0x4d: {  	_ =	shalt  }
0x4e: {  	_ =	shalt  }
0x4f: {  	_ =	shalt  }
0x50: {  	_ =	shalt  }
0x51: {  	_ =	shalt  }
0x52: {  	_ =	shalt  }
0x53: {  	_ =	shalt  }
0x54: {  	_ =	shalt  }
0x55: {  	_ =	shalt  }
0x56: {  	_ =	shalt  }
0x57: {  	_ =	shalt  }
0x58: {  	_ =	shalt  }
0x59: {  	_ =	shalt  }
0x5a: {  	_ =	shalt  }
0x5b: {  	_ =	shalt  }
0x5c: {  	_ =	shalt  }
0x5d: {  	_ =	shalt  }
0x5e: {  	_ =	shalt  }
0x5f: {  	_ =	shalt  }
0x60: {  	_ =	shalt  }
0x61: {  	_ =	shalt  }
0x62: {  	_ =	shalt  }
0x63: {  	_ =	shalt  }
0x64: {  	_ =	shalt  }
0x65: {  	_ =	shalt  }
0x66: {  	_ =	shalt  }
0x67: {  	_ =	shalt  }
0x68: {  	_ =	shalt  }
0x69: {  	_ =	shalt  }
0x6a: {  	_ =	shalt  }
0x6b: {  	_ =	shalt  }
0x6c: {  	_ =	shalt  }
0x6d: {  	_ =	shalt  }
0x6e: {  	_ =	shalt  }
0x6f: {  	_ =	shalt  }
0x70: {  	_ =	shalt  }
0x71: {  	_ =	shalt  }
0x72: {  	_ =	shalt  }
0x73: {  	_ =	shalt  }
0x74: {  	_ =	shalt  }
0x75: {  	_ =	shalt  }
0x76: {  	_ =	shalt  }
0x77: {  	_ =	shalt  }
0x78: {  	_ =	shalt  }
0x79: {  	_ =	shalt  }
0x7a: {  	_ =	shalt  }
0x7b: {  	_ =	shalt  }
0x7c: {  	_ =	shalt  }
0x7d: {  	_ =	shalt  }
0x7e: {  	_ =	shalt  }
0x7f: {  	_ =	shalt  }
0x80: {  	_ =	shalt  }
0x81: {  	_ =	shalt  }
0x82: {  	_ =	shalt  }
0x83: {  	_ =	shalt  }
0x84: {  	_ =	shalt  }
0x85: {  	_ =	shalt  }
0x86: {  	_ =	shalt  }
0x87: {  	_ =	shalt  }
.Lfunc_end0:
.L_simem_size_0:
called_computation.3_lowered:
.L_overlay_start_0:
0x88: {  	s2 =	sld [smem:$0x3FD9]  }
0x89: {  	s3 =	sld [smem:$0x3FFE];
	_ =	sdelay $0x1  }
0x8a: {  	s1 =	srdreg.scid  }
0x8b: {  	s0 =	sand.u32 $0x1, s1  }
0x8c: {  	s17 =	sshll.u32 s0, $0xA;
	s2 =	sadd.s32 s3, s2  }
0x8d: {  	s2 =	sadd.s32 s2, s17  }
0x8e: {  	[smem:$0x3FBC] =	sst s2  }
0x8f: {  	_ = 	snop  }
0x90: {  	s2 =	sld [smem:$0x3FD0];
	(tm) =	ssettm $0x1  }
0x91: {  	s18 =	sld [smem:$0x3FFB];
	_ =	sdelay $0x3  }
0x92: {  	_ =	strace s18  }
0x93: {  	s3 =	sld [smem:$0x3FFC];
	_ =	sdelay $0x3  }
0x94: {  	_ =	strace s3  }
0x95: {  	s3 =	sld [smem:$0x3FFD];
	_ =	sdelay $0x3  }
0x96: {  	_ =	strace s3  }
0x97: {  	_ =	strace $0x8FFFFFFF  }
0x98: {  	s19 =	sld [smem:$0x3FDB];
	_ =	sdelay $0x1  }
0x99: {  	s4 =	simm.s32 $_scs_section_size  }
0x9a: {  	s5 =	simm.s32 $_size__tile_overlayer_lowered;
	s6 =	simm.s32 $_tile_overlayer_lowered  }
0x9b: {  	s22 =	simm.s32 $0x1BFF;
	s21 =	sshll.u32 s6, $0x1;
	s3 =	sadd.s32 s4, s19  }
0x9c: {  	s7 =	simm.s32 $0x0;
	s20 =	sshll.u32 s5, $0x1;
	s5 =	sadd.s32 s21, s3  }
0x9d: {  	[timem:s7], [sflag:s22] =	dma.local [hbm:s5], s20  }
0x9e: {  	_ =	swait.ge [sflag:s22], s20  }
0x9f: {  	s4 =	ssub.s32 $0x0, s20;
	[sflag:s22] =	ssyncset.done $0x0  }
0xa0: {  	[sflag:s22] =	ssyncadd.s32 s4;
	_ =	sdelay $0x1  }
0xa1: {  	s23 =	simm.s32 $0x1B8B  }
0xa2: {  	_ =	swait.ge [sflag:s23], $0x1  }
0xa3: {  	[sflag:s23] =	ssyncset.done $0x0  }
0xa4: {  	s25 =	simm.s32 $0x1B8E;
	s24 =	sld [smem:$0x3FFE];
	[sflag:s23] =	ssyncadd.s32 $0xFFFFFFFF  }
0xa5: {  	s26 =	simm.s32 $execute0_lowered;
	[smem:$0x3FD2] =	sst s25  }
0xa6: {  	s5 =	sshll.u32 s26, $0x1;
	_ =	strace $0x8000004F;
	[dreg:$0x1] =	wrdreg $0xFFFFFFFF  }
0xa7: {  	s28 =	simm.s32 $_size_execute0_lowered;
	s3 =	sadd.s32 s3, s5;
	[dreg:$0x0] =	wrdreg $0x0  }
0xa8: {  	s5 =	sshll.u32 s28, $0x1;
	[dreg:$0x2] =	wrdreg s3  }
0xa9: {  	[dreg:$0x3] =	wrdreg s5  }
0xaa: {  	[dreg:$0x4] =	wrdreg $0xC0  }
0xab: {  	_ =	task [dreg:s7], $0x5FFFF  }
0xac: {  	[dreg:$0x1] =	wrdreg $0xFFFFFFFF  }
0xad: {  	[dreg:$0x0] =	wrdreg $0x60  }
0xae: {  	[dreg:$0x2] =	wrdreg s24  }
0xaf: {  	[dreg:$0x3] =	wrdreg s2  }
0xb0: {  	[dreg:$0x4] =	wrdreg $0x98000  }
0xb1: {  	[dreg:$0x5] =	wrdreg $0x9  }
0xb2: {  	_ =	task.clear_ibuf [dreg:s7], $0x6FFFF;
	_ =	strace $0x9000004F  }
0xb3: {  	s29 =	simm.s32 $0x9;
	_ =	strace $0x80000051  }
0xb4: {  	_ =	swait.ge [sflag:s29], $0x1  }
0xb5: {  	[sflag:s29] =	ssyncadd.s32 $0xFFFFFFFF  }
0xb6: {  	_ =	strace $0x90000051  }
0xb7: {  	_ =	sfence  }
0xb8: {  	s30 =	sld [smem:$0x0];
	_ =	sdelay $0x2  }
0xb9: {  	s31 =	sshll.u32 s1, $0xD;
	s1 =	sshrl.u32 s1, $0x2  }
0xba: {  	s3 =	sand.u32 $0x4000, s31;
	s1 =	sadd.s32 s1, s30  }
0xbb: {  	s0 =	sor.u32 s3, s0;
	s1 =	sshll.u32 s1, $0x11  }
0xbc: {  	s0 =	sor.u32 s1, s0  }
0xbd: {  	s0 =	sadd.s32 $0x8F2B, s0  }
0xbe: {  	[sflag:s0] =	ssyncadd.remote.s32 $0x1  }
0xbf: {  	_ =	sfence.sel $0xFFFF  }
0xc0: {  	[dreg:$0x0] =	wrdreg $0xFFFFFFFF;
	(pc) =	sbr.abs _section_cstart, $3  }
0xc1: {  	[dreg:$0x1] =	wrdreg $0xFFFFFFFF  }
0xc2: {  	_ =	task.clear_ibuf [dreg:s7], $0x2FFFF;
	_ =	strace $0x9FFFFFFF  }
0xc3: {  	(tm) =	ssettm $0x7FFFFFFF  }
tec
execute0_lowered:
.L_overlay_start_1:
0x0: {  	(tag) =	ssettag $0x1  }
0x1: {  	s1 =	rddreg [dreg:$0x0]  }
0x2: {  	s0 =	srdreg.scid;
	s5 =	rddreg [dreg:$0x1]  }
0x3: {  	s11 =	stileid.u32;
	s2 =	rddreg [dreg:$0x2];
	s3 =	simm.s32 $0x0  }
0x4: {  	s19 =	simm.s32 $0x100;
	s20 =	simm.s32 $0xC80;
	s21 =	simm.s32 $0x180  }
0x5: {  	s22 =	simm.s32 $0xD00;
	s24 =	simm.s32 $0x200;
	[smem:$0x7FF] =	sst s3  }
0x6: {  	s26 =	simm.s32 $0xD80;
	_ =	strace $0x80000050;
	[dreg:$0x6] =	wrdreg s19  }
0x7: {  	s12 =	simm.s32 $0xE00;
	s13 =	simm.s32 $0x300;
	[dreg:$0x7] =	wrdreg s20  }
0x8: {  	s15 =	simm.s32 $0xE80;
	s17 =	simm.s32 $0x380;
	[dreg:$0x8] =	wrdreg s21  }
0x9: {  	s28 =	simm.s32 $0x880;
	s29 =	simm.s32 $0x1400;
	[dreg:$0x9] =	wrdreg s22  }
0xa: {  	s30 =	simm.s32 $0x900;
	s4 =	smul.u32 $0x6000, s11;
	[dreg:$0xa] =	wrdreg s24  }
0xb: {  	s31 =	simm.s32 $0x1480;
	s7 =	smul.u32 $0x13C00, s11;
	[dreg:$0xb] =	wrdreg s26  }
0xc: {  	s0 =	sand.u32 $0x1, s0;
	s25 =	smul.u32 $0x4F000, s11;
	[dreg:$0xd] =	wrdreg s12  }
0xd: {  	s16 =	sshll.u32 s11, $0x6;
	s6 =	smul.u32 $0x3000, s0;
	[dreg:$0xe] =	wrdreg s13  }
0xe: {  	s11 =	simm.s32 $0xC00;
	s10 =	smul.u32 $0x13C000, s0;
	[dreg:$0xf] =	wrdreg s15  }
0xf: {  	s0 =	ssub.s32 $0x2, s0;
	[dreg:$0x10] =	wrdreg s17;
	s19 =	simm.s32 $0x400  }
0x10: {  	s20 =	simm.s32 $0xF80;
	s21 =	simm.s32 $0x480;
	[dreg:$0x12] =	wrdreg s19  }
0x11: {  	s22 =	simm.s32 $0x1000;
	s12 =	simm.s32 $0x80;
	[dreg:$0x13] =	wrdreg s20  }
0x12: {  	s24 =	simm.s32 $0x1080;
	s13 =	simm.s32 $0x1800;
	[dreg:$0x14] =	wrdreg s21  }
0x13: {  	s26 =	simm.s32 $0x1100;
	s15 =	simm.s32 $0x1;
	[dreg:$0x15] =	wrdreg s22  }
0x14: {  	s17 =	simm.s32 $0x600;
	s9 =	sshrl.u32 s7, $0x3;
	[dreg:$0x17] =	wrdreg s24  }
0x15: {  	s23 =	sshrl.u32 s0, $0x1;
	[dreg:$0x19] =	wrdreg s26;
	s19 =	simm.s32 $0x680  }
0x16: {  	s20 =	simm.s32 $0x1200;
	s21 =	simm.s32 $0x700;
	s22 =	simm.s32 $0x1280  }
0x17: {  	s24 =	simm.s32 $0x1300;
	s26 =	simm.s32 $0x1380;
	s4 =	sadd.s32 s6, s4  }
0x18: {  	s9 =	sadd.s32 s9, s1;
	s18 =	sadd.s32 s7, s10;
	s0 =	ssub.s32 s0, s23  }
0x19: {  	s10 =	sshrl.u32 s25, $0x2;
	s7 =	sor.u32 $0x1C03, s16;
	s23 =	simm.s32 $0x500  }
0x1a: {  	s25 =	simm.s32 $0x580;
	s16 =	simm.s32 $0x2;
	s6 =	sshrl.u32 s4, $0x3  }
0x1b: {  	s4 =	sadd.s32 $0x90400, s1;
	s14 =	sadd.s32 $0xD400, s9;
	[dreg:$0x16] =	wrdreg s23  }
0x1c: {  	s0 =	smax.u32 s0, $0x1;
	[dreg:$0x18] =	wrdreg s25;
	s23 =	simm.s32 $0x780  }
0x1d: {  	s25 =	simm.s32 $0x800;
	s9 =	simm.s32 $0x0;
	[dreg:$0x1b] =	wrdreg s7  }
0x1e: {  	s8 =	sadd.s32 s6, s1;
	s5 =	sadd.s32 s6, s5;
	[dreg:$0x1a] =	wrdreg s14  }
0x1f: {  	s6 =	sshrl.u32 s18, $0x3;
	s18 =	simm.s32 $0xF00;
	[dreg:$0x1d] =	wrdreg s0  }
0x20: {  	s14 =	simm.s32 $0x5800;
	s0 =	simm.s32 $0x1500;
	[dreg:$0x5] =	wrdreg s5  }
0x21: {  	s8 =	sadd.s32 $0x84400, s8;
	s1 =	sadd.s32 s6, s1;
	[dreg:$0x11] =	wrdreg s18  }
0x22: {  	s6 =	sadd.s32 s10, s2;
	[dreg:$0x4] =	wrdreg s8;
	s8 =	simm.s32 $0x280  }
0x23: {  	s10 =	simm.s32 $0x3;
	s1 =	sadd.s32 $0xB7600, s1;
	[dreg:$0xc] =	wrdreg s8  }
0x24: {  	s18 =	simm.s32 $0x1180;
	[dreg:$0x1c] =	wrdreg s1;
	s8 =	sshrl.u32 s6, $0x3  }
0x25: {  	s5 =	simm.s32 $0x1580;
	s1 =	simm.s32 $0x980;
	[dreg:$0x1e] =	wrdreg s8  }
.LBB2_1:
0x26: {  	[dreg:$0x1f] =	wrdreg s9  }
0x27: {  	s6 =	rddreg [dreg:$0x1a]  }
0x28: {  	[spmem:s8], [sflag:s7] =	dma.local [hbm:s6], $0x2780  }
0x29: {  	_ =	swait.ge [sflag:s10], $0x2780  }
0x2a: {  	[sflag:s10] =	ssyncset.done $0x0  }
0x2b: {  	[sflag:s10] =	ssyncadd.s32 $0xFFFFD880  }
0x2c: {  	[bflag:$0x0] =	sbarrier.arrive $0xFFFF  }
0x2d: {  	s9 =	rddreg [dreg:$0x5]  }
0x2e: {  	s6 =	sadd.s32 $0x0, s9  }
0x2f: {  	[tilespmem:s3], [sflag:$0x3] =	stream.linear.gather [hbm4b:s6+s3], $0xA00, $0x38;
	[tilespmem:$0x1D400] =	vst v63  }
0x30: {  	_ =	swait.ge [sflag:s10], $0xA00  }
0x31: {  	s7 =	rddreg [dreg:$0x4];
	[sflag:s10] =	ssyncset.done $0x0  }
0x32: {  	[sflag:s10] =	ssyncadd.s32 $0xFFFFF600;
	s6 =	sadd.s32 $0x0, s7  }
0x33: {  	[tilespmem:s11], [sflag:$0x3] =	stream.linear.gather [hbm4b:s6+s3], $0xA00, $0x38;
	[tilespmem:$0x1D400] =	vst v63  }
0x34: {  	_ =	swait.ge [sflag:s10], $0xA00  }
0x35: {  	[sflag:s10] =	ssyncset.done $0x0  }
0x36: {  	[sflag:s10] =	ssyncadd.s32 $0xFFFFF600  }
0x37: {  	[tilespmem:s13], [sflag:$0x1] =	stream.indirect.gather [hbm4b:s4+s12], $0x80, s3, s12, $0xb8;
	[tilespmem:$0x1D400] =	vst v63  }
0x38: {  	_ = 	snop  }
0x39: {  	[tilespmem:s14], [sflag:$0x2] =	stream.indirect.gather [hbm4b:s4+s12], $0x80, s12, s12, $0xb8;
	[tilespmem:$0x1D400] =	vst v63  }
0x3a: {  	_ =	swait.ge [sflag:s15], $0x4000  }
0x3b: {  	[sflag:s15] =	ssyncset.done $0x0  }
0x3c: {  	[sflag:s15] =	ssyncadd.s32 $0xFFFFC000  }
0x3d: {  	[spmem:s2] =	stream.indirect.scatter.add.f32 [tilespmem:s13], [sflag:$0x3], $0x80, s11, s12, $0xb8;
	[tilespmem:$0x1D400] =	vst v63  }
0x3e: {  	_ =	swait.ge [sflag:s10], $0x4000  }
0x3f: {  	[sflag:s10] =	ssyncset.done $0x0  }
0x40: {  	s8 =	rddreg [dreg:$0x6];
	[sflag:s10] =	ssyncadd.s32 $0xFFFFC000  }
0x41: {  	[tilespmem:s13], [sflag:$0x1] =	stream.indirect.gather [hbm4b:s4+s12], $0x80, s8, s12, $0xb8;
	[tilespmem:$0x1D400] =	vst v63  }
0x42: {  	_ =	swait.ge [sflag:s16], $0x4000  }
0x43: {  	[sflag:s16] =	ssyncset.done $0x0  }
0x44: {  	s9 =	rddreg [dreg:$0x7];
	[sflag:s16] =	ssyncadd.s32 $0xFFFFC000  }
0x45: {  	[spmem:s2] =	stream.indirect.scatter.add.f32 [tilespmem:s14], [sflag:$0x3], $0x80, s9, s12, $0xb8;
	[tilespmem:$0x1D400] =	vst v63  }
0x46: {  	_ =	swait.ge [sflag:s10], $0x4000  }
0x47: {  	[sflag:s10] =	ssyncset.done $0x0  }
0x48: {  	s7 =	rddreg [dreg:$0x8];
	[sflag:s10] =	ssyncadd.s32 $0xFFFFC000  }
0x49: {  	[tilespmem:s14], [sflag:$0x2] =	stream.indirect.gather [hbm4b:s4+s12], $0x80, s7, s12, $0xb8;
	[tilespmem:$0x1D400] =	vst v63  }
0x4a: {  	_ =	swait.ge [sflag:s15], $0x4000  }
0x4b: {  	[sflag:s15] =	ssyncset.done $0x0  }
0x4c: {  	s8 =	rddreg [dreg:$0x9];
	[sflag:s15] =	ssyncadd.s32 $0xFFFFC000  }
0x4d: {  	[spmem:s2] =	stream.indirect.scatter.add.f32 [tilespmem:s13], [sflag:$0x3], $0x80, s8, s12, $0xb8;
	[tilespmem:$0x1D400] =	vst v63  }
0x4e: {  	_ =	swait.ge [sflag:s10], $0x4000  }
0x4f: {  	[sflag:s10] =	ssyncset.done $0x0  }
0x50: {  	s9 =	rddreg [dreg:$0xa];
	[sflag:s10] =	ssyncadd.s32 $0xFFFFC000  }
0x51: {  	[tilespmem:s13], [sflag:$0x1] =	stream.indirect.gather [hbm4b:s4+s12], $0x80, s9, s12, $0xb8;
	[tilespmem:$0x1D400] =	vst v63  }
0x52: {  	_ =	swait.ge [sflag:s16], $0x4000  }
0x53: {  	[sflag:s16] =	ssyncset.done $0x0  }
0x54: {  	s7 =	rddreg [dreg:$0xb];
	[sflag:s16] =	ssyncadd.s32 $0xFFFFC000  }
0x55: {  	[spmem:s2] =	stream.indirect.scatter.add.f32 [tilespmem:s14], [sflag:$0x3], $0x80, s7, s12, $0xb8;
	[tilespmem:$0x1D400] =	vst v63  }
0x56: {  	_ =	swait.ge [sflag:s10], $0x4000  }
0x57: {  	[sflag:s10] =	ssyncset.done $0x0  }
0x58: {  	s8 =	rddreg [dreg:$0xc];
	[sflag:s10] =	ssyncadd.s32 $0xFFFFC000  }
0x59: {  	[tilespmem:s14], [sflag:$0x2] =	stream.indirect.gather [hbm4b:s4+s12], $0x80, s8, s12, $0xb8;
	[tilespmem:$0x1D400] =	vst v63  }
0x5a: {  	_ =	swait.ge [sflag:s15], $0x4000  }
0x5b: {  	[sflag:s15] =	ssyncset.done $0x0  }
0x5c: {  	s9 =	rddreg [dreg:$0xd];
	[sflag:s15] =	ssyncadd.s32 $0xFFFFC000  }
0x5d: {  	[spmem:s2] =	stream.indirect.scatter.add.f32 [tilespmem:s13], [sflag:$0x3], $0x80, s9, s12, $0xb8;
	[tilespmem:$0x1D400] =	vst v63  }
0x5e: {  	_ =	swait.ge [sflag:s10], $0x4000  }
0x5f: {  	[sflag:s10] =	ssyncset.done $0x0  }
0x60: {  	s7 =	rddreg [dreg:$0xe];
	[sflag:s10] =	ssyncadd.s32 $0xFFFFC000  }
0x61: {  	[tilespmem:s13], [sflag:$0x1] =	stream.indirect.gather [hbm4b:s4+s12], $0x80, s7, s12, $0xb8;
	[tilespmem:$0x1D400] =	vst v63  }
0x62: {  	_ =	swait.ge [sflag:s16], $0x4000  }
0x63: {  	[sflag:s16] =	ssyncset.done $0x0  }
0x64: {  	s8 =	rddreg [dreg:$0xf];
	[sflag:s16] =	ssyncadd.s32 $0xFFFFC000  }
0x65: {  	[spmem:s2] =	stream.indirect.scatter.add.f32 [tilespmem:s14], [sflag:$0x3], $0x80, s8, s12, $0xb8;
	[tilespmem:$0x1D400] =	vst v63  }
0x66: {  	_ =	swait.ge [sflag:s10], $0x4000  }
0x67: {  	[sflag:s10] =	ssyncset.done $0x0  }
0x68: {  	s9 =	rddreg [dreg:$0x10];
	[sflag:s10] =	ssyncadd.s32 $0xFFFFC000  }
0x69: {  	[tilespmem:s14], [sflag:$0x2] =	stream.indirect.gather [hbm4b:s4+s12], $0x80, s9, s12, $0xb8;
	[tilespmem:$0x1D400] =	vst v63  }
0x6a: {  	_ =	swait.ge [sflag:s15], $0x4000  }
0x6b: {  	[sflag:s15] =	ssyncset.done $0x0  }
0x6c: {  	s7 =	rddreg [dreg:$0x11];
	[sflag:s15] =	ssyncadd.s32 $0xFFFFC000  }
0x6d: {  	[spmem:s2] =	stream.indirect.scatter.add.f32 [tilespmem:s13], [sflag:$0x3], $0x80, s7, s12, $0xb8;
	[tilespmem:$0x1D400] =	vst v63  }
0x6e: {  	_ =	swait.ge [sflag:s10], $0x4000  }
0x6f: {  	[sflag:s10] =	ssyncset.done $0x0  }
0x70: {  	s8 =	rddreg [dreg:$0x12];
	[sflag:s10] =	ssyncadd.s32 $0xFFFFC000  }
0x71: {  	[tilespmem:s13], [sflag:$0x1] =	stream.indirect.gather [hbm4b:s4+s12], $0x80, s8, s12, $0xb8;
	[tilespmem:$0x1D400] =	vst v63  }
0x72: {  	_ =	swait.ge [sflag:s16], $0x4000  }
0x73: {  	[sflag:s16] =	ssyncset.done $0x0  }
0x74: {  	s9 =	rddreg [dreg:$0x13];
	[sflag:s16] =	ssyncadd.s32 $0xFFFFC000  }
0x75: {  	[spmem:s2] =	stream.indirect.scatter.add.f32 [tilespmem:s14], [sflag:$0x3], $0x80, s9, s12, $0xb8;
	[tilespmem:$0x1D400] =	vst v63  }
0x76: {  	_ =	swait.ge [sflag:s10], $0x4000  }
0x77: {  	[sflag:s10] =	ssyncset.done $0x0  }
0x78: {  	s7 =	rddreg [dreg:$0x14];
	[sflag:s10] =	ssyncadd.s32 $0xFFFFC000  }
0x79: {  	[tilespmem:s14], [sflag:$0x2] =	stream.indirect.gather [hbm4b:s4+s12], $0x80, s7, s12, $0xb8;
	[tilespmem:$0x1D400] =	vst v63  }
0x7a: {  	_ =	swait.ge [sflag:s15], $0x4000  }
0x7b: {  	[sflag:s15] =	ssyncset.done $0x0  }
0x7c: {  	s8 =	rddreg [dreg:$0x15];
	[sflag:s15] =	ssyncadd.s32 $0xFFFFC000  }
0x7d: {  	[spmem:s2] =	stream.indirect.scatter.add.f32 [tilespmem:s13], [sflag:$0x3], $0x80, s8, s12, $0xb8;
	[tilespmem:$0x1D400] =	vst v63  }
0x7e: {  	_ =	swait.ge [sflag:s10], $0x4000  }
0x7f: {  	[sflag:s10] =	ssyncset.done $0x0  }
0x80: {  	s9 =	rddreg [dreg:$0x16];
	[sflag:s10] =	ssyncadd.s32 $0xFFFFC000  }
0x81: {  	[tilespmem:s13], [sflag:$0x1] =	stream.indirect.gather [hbm4b:s4+s12], $0x80, s9, s12, $0xb8;
	[tilespmem:$0x1D400] =	vst v63  }
0x82: {  	_ =	swait.ge [sflag:s16], $0x4000  }
0x83: {  	[sflag:s16] =	ssyncset.done $0x0  }
0x84: {  	s7 =	rddreg [dreg:$0x17];
	[sflag:s16] =	ssyncadd.s32 $0xFFFFC000  }
0x85: {  	[spmem:s2] =	stream.indirect.scatter.add.f32 [tilespmem:s14], [sflag:$0x3], $0x80, s7, s12, $0xb8;
	[tilespmem:$0x1D400] =	vst v63  }
0x86: {  	_ =	swait.ge [sflag:s10], $0x4000  }
0x87: {  	[sflag:s10] =	ssyncset.done $0x0  }
0x88: {  	s8 =	rddreg [dreg:$0x18];
	[sflag:s10] =	ssyncadd.s32 $0xFFFFC000  }
0x89: {  	[tilespmem:s14], [sflag:$0x2] =	stream.indirect.gather [hbm4b:s4+s12], $0x80, s8, s12, $0xb8;
	[tilespmem:$0x1D400] =	vst v63  }
0x8a: {  	_ =	swait.ge [sflag:s15], $0x4000  }
0x8b: {  	[sflag:s15] =	ssyncset.done $0x0  }
0x8c: {  	s9 =	rddreg [dreg:$0x19];
	[sflag:s15] =	ssyncadd.s32 $0xFFFFC000  }
0x8d: {  	[spmem:s2] =	stream.indirect.scatter.add.f32 [tilespmem:s13], [sflag:$0x3], $0x80, s9, s12, $0xb8;
	[tilespmem:$0x1D400] =	vst v63  }
0x8e: {  	_ =	swait.ge [sflag:s10], $0x4000  }
0x8f: {  	[sflag:s10] =	ssyncset.done $0x0  }
0x90: {  	[sflag:s10] =	ssyncadd.s32 $0xFFFFC000  }
0x91: {  	[tilespmem:s13], [sflag:$0x1] =	stream.indirect.gather [hbm4b:s4+s12], $0x80, s17, s12, $0xb8;
	[tilespmem:$0x1D400] =	vst v63  }
0x92: {  	_ =	swait.ge [sflag:s16], $0x4000  }
0x93: {  	[sflag:s16] =	ssyncset.done $0x0  }
0x94: {  	[sflag:s16] =	ssyncadd.s32 $0xFFFFC000  }
0x95: {  	[spmem:s2] =	stream.indirect.scatter.add.f32 [tilespmem:s14], [sflag:$0x3], $0x80, s18, s12, $0xb8;
	[tilespmem:$0x1D400] =	vst v63  }
0x96: {  	_ =	swait.ge [sflag:s10], $0x4000  }
0x97: {  	[sflag:s10] =	ssyncset.done $0x0  }
0x98: {  	[sflag:s10] =	ssyncadd.s32 $0xFFFFC000  }
0x99: {  	[tilespmem:s14], [sflag:$0x2] =	stream.indirect.gather [hbm4b:s4+s12], $0x80, s19, s12, $0xb8;
	[tilespmem:$0x1D400] =	vst v63  }
0x9a: {  	_ =	swait.ge [sflag:s15], $0x4000  }
0x9b: {  	[sflag:s15] =	ssyncset.done $0x0  }
0x9c: {  	[sflag:s15] =	ssyncadd.s32 $0xFFFFC000  }
0x9d: {  	[spmem:s2] =	stream.indirect.scatter.add.f32 [tilespmem:s13], [sflag:$0x3], $0x80, s20, s12, $0xb8;
	[tilespmem:$0x1D400] =	vst v63  }
0x9e: {  	_ =	swait.ge [sflag:s10], $0x4000  }
0x9f: {  	[sflag:s10] =	ssyncset.done $0x0  }
0xa0: {  	[sflag:s10] =	ssyncadd.s32 $0xFFFFC000  }
0xa1: {  	[tilespmem:s13], [sflag:$0x1] =	stream.indirect.gather [hbm4b:s4+s12], $0x80, s21, s12, $0xb8;
	[tilespmem:$0x1D400] =	vst v63  }
0xa2: {  	_ =	swait.ge [sflag:s16], $0x4000  }
0xa3: {  	[sflag:s16] =	ssyncset.done $0x0  }
0xa4: {  	[sflag:s16] =	ssyncadd.s32 $0xFFFFC000  }
0xa5: {  	[spmem:s2] =	stream.indirect.scatter.add.f32 [tilespmem:s14], [sflag:$0x3], $0x80, s22, s12, $0xb8;
	[tilespmem:$0x1D400] =	vst v63  }
0xa6: {  	_ =	swait.ge [sflag:s10], $0x4000  }
0xa7: {  	[sflag:s10] =	ssyncset.done $0x0  }
0xa8: {  	[sflag:s10] =	ssyncadd.s32 $0xFFFFC000  }
0xa9: {  	[tilespmem:s14], [sflag:$0x2] =	stream.indirect.gather [hbm4b:s4+s12], $0x80, s23, s12, $0xb8;
	[tilespmem:$0x1D400] =	vst v63  }
0xaa: {  	_ =	swait.ge [sflag:s15], $0x4000  }
0xab: {  	[sflag:s15] =	ssyncset.done $0x0  }
0xac: {  	[sflag:s15] =	ssyncadd.s32 $0xFFFFC000  }
0xad: {  	[spmem:s2] =	stream.indirect.scatter.add.f32 [tilespmem:s13], [sflag:$0x3], $0x80, s24, s12, $0xb8;
	[tilespmem:$0x1D400] =	vst v63  }
0xae: {  	_ =	swait.ge [sflag:s10], $0x4000  }
0xaf: {  	[sflag:s10] =	ssyncset.done $0x0  }
0xb0: {  	[sflag:s10] =	ssyncadd.s32 $0xFFFFC000  }
0xb1: {  	[tilespmem:s13], [sflag:$0x1] =	stream.indirect.gather [hbm4b:s4+s12], $0x80, s25, s12, $0xb8;
	[tilespmem:$0x1D400] =	vst v63  }
0xb2: {  	_ =	swait.ge [sflag:s16], $0x4000  }
0xb3: {  	[sflag:s16] =	ssyncset.done $0x0  }
0xb4: {  	[sflag:s16] =	ssyncadd.s32 $0xFFFFC000  }
0xb5: {  	[spmem:s2] =	stream.indirect.scatter.add.f32 [tilespmem:s14], [sflag:$0x3], $0x80, s26, s12, $0xb8;
	[tilespmem:$0x1D400] =	vst v63  }
0xb6: {  	_ =	swait.ge [sflag:s10], $0x4000  }
0xb7: {  	[sflag:s10] =	ssyncset.done $0x0  }
0xb8: {  	[sflag:s10] =	ssyncadd.s32 $0xFFFFC000  }
0xb9: {  	[tilespmem:s14], [sflag:$0x2] =	stream.indirect.gather [hbm4b:s4+s12], $0x80, s28, s12, $0xb8;
	[tilespmem:$0x1D400] =	vst v63  }
0xba: {  	_ =	swait.ge [sflag:s15], $0x4000  }
0xbb: {  	[sflag:s15] =	ssyncset.done $0x0  }
0xbc: {  	[sflag:s15] =	ssyncadd.s32 $0xFFFFC000  }
0xbd: {  	[spmem:s2] =	stream.indirect.scatter.add.f32 [tilespmem:s13], [sflag:$0x3], $0x80, s29, s12, $0xb8;
	[tilespmem:$0x1D400] =	vst v63  }
0xbe: {  	_ =	swait.ge [sflag:s10], $0x4000  }
0xbf: {  	[sflag:s10] =	ssyncset.done $0x0  }
0xc0: {  	[sflag:s10] =	ssyncadd.s32 $0xFFFFC000  }
0xc1: {  	[tilespmem:s13], [sflag:$0x1] =	stream.indirect.gather [hbm4b:s4+s12], $0x80, s30, s12, $0xb8;
	[tilespmem:$0x1D400] =	vst v63  }
0xc2: {  	_ =	swait.ge [sflag:s16], $0x4000  }
0xc3: {  	[sflag:s16] =	ssyncset.done $0x0  }
0xc4: {  	[sflag:s16] =	ssyncadd.s32 $0xFFFFC000  }
0xc5: {  	[spmem:s2] =	stream.indirect.scatter.add.f32 [tilespmem:s14], [sflag:$0x3], $0x80, s31, s12, $0xb8;
	[tilespmem:$0x1D400] =	vst v63  }
0xc6: {  	_ =	swait.ge [sflag:s10], $0x4000  }
0xc7: {  	[sflag:s10] =	ssyncset.done $0x0  }
0xc8: {  	[sflag:s10] =	ssyncadd.s32 $0xFFFFC000  }
0xc9: {  	[tilespmem:s14], [sflag:$0x2] =	stream.indirect.gather [hbm4b:s4+s12], $0x80, s1, s12, $0xb8;
	[tilespmem:$0x1D400] =	vst v63  }
0xca: {  	_ =	swait.ge [sflag:s15], $0x4000  }
0xcb: {  	[sflag:s15] =	ssyncset.done $0x0  }
0xcc: {  	[sflag:s15] =	ssyncadd.s32 $0xFFFFC000  }
0xcd: {  	[spmem:s2] =	stream.indirect.scatter.add.f32 [tilespmem:s13], [sflag:$0x3], $0x80, s0, s12, $0xb8;
	[tilespmem:$0x1D400] =	vst v63  }
0xce: {  	_ =	swait.ge [sflag:s10], $0x4000  }
0xcf: {  	[sflag:s10] =	ssyncset.done $0x0  }
0xd0: {  	[sflag:s10] =	ssyncadd.s32 $0xFFFFC000  }
0xd1: {  	_ =	swait.ge [sflag:s16], $0x4000  }
0xd2: {  	[sflag:s16] =	ssyncset.done $0x0  }
0xd3: {  	[sflag:s16] =	ssyncadd.s32 $0xFFFFC000  }
0xd4: {  	[spmem:s2] =	stream.indirect.scatter.add.f32 [tilespmem:s14], [sflag:$0x3], $0x80, s5, s12, $0xb8;
	[tilespmem:$0x1D400] =	vst v63  }
0xd5: {  	s6 =	simm.s32 $0x300;
	_ =	swait.ge [sflag:s10], $0x4000  }
0xd6: {  	s8 =	simm.s32 $0x180;
	s9 =	rddreg [dreg:$0x5];
	[sflag:s10] =	ssyncset.done $0x0  }
.LBB2_2:
0xd7: {  	[sflag:s10] =	ssyncadd.s32 $0xFFFFC000;
	s9 =	sadd.s32 s8, s9  }
0xd8: {  	[tilespmem:s3], [sflag:$0x3] =	stream.linear.gather [hbm4b:s9+s3], $0xA00, $0x38;
	[tilespmem:$0x1D400] =	vst v63  }
0xd9: {  	_ =	swait.ge [sflag:s10], $0xA00  }
0xda: {  	s9 =	rddreg [dreg:$0x4];
	[sflag:s10] =	ssyncset.done $0x0  }
0xdb: {  	[sflag:s10] =	ssyncadd.s32 $0xFFFFF600;
	s9 =	sadd.s32 s8, s9  }
0xdc: {  	[tilespmem:s11], [sflag:$0x3] =	stream.linear.gather [hbm4b:s9+s3], $0xA00, $0x38;
	[tilespmem:$0x1D400] =	vst v63  }
0xdd: {  	_ =	swait.ge [sflag:s10], $0xA00  }
0xde: {  	[sflag:s10] =	ssyncset.done $0x0  }
0xdf: {  	[sflag:s10] =	ssyncadd.s32 $0xFFFFF600  }
0xe0: {  	[tilespmem:s13], [sflag:$0x1] =	stream.indirect.gather [hbm4b:s4+s12], $0x80, s3, s12, $0xb8;
	[tilespmem:$0x1D400] =	vst v63  }
0xe1: {  	_ = 	snop  }
0xe2: {  	[tilespmem:s14], [sflag:$0x2] =	stream.indirect.gather [hbm4b:s4+s12], $0x80, s12, s12, $0xb8;
	[tilespmem:$0x1D400] =	vst v63  }
0xe3: {  	_ =	swait.ge [sflag:s15], $0x4000  }
0xe4: {  	[sflag:s15] =	ssyncset.done $0x0  }
0xe5: {  	[sflag:s15] =	ssyncadd.s32 $0xFFFFC000  }
0xe6: {  	[spmem:s2] =	stream.indirect.scatter.add.f32 [tilespmem:s13], [sflag:$0x3], $0x80, s11, s12, $0xb8;
	[tilespmem:$0x1D400] =	vst v63  }
0xe7: {  	_ =	swait.ge [sflag:s10], $0x4000  }
0xe8: {  	[sflag:s10] =	ssyncset.done $0x0  }
0xe9: {  	s9 =	rddreg [dreg:$0x6];
	[sflag:s10] =	ssyncadd.s32 $0xFFFFC000  }
0xea: {  	[tilespmem:s13], [sflag:$0x1] =	stream.indirect.gather [hbm4b:s4+s12], $0x80, s9, s12, $0xb8;
	[tilespmem:$0x1D400] =	vst v63  }
0xeb: {  	_ =	swait.ge [sflag:s16], $0x4000  }
0xec: {  	[sflag:s16] =	ssyncset.done $0x0  }
0xed: {  	s9 =	rddreg [dreg:$0x7];
	[sflag:s16] =	ssyncadd.s32 $0xFFFFC000  }
0xee: {  	[spmem:s2] =	stream.indirect.scatter.add.f32 [tilespmem:s14], [sflag:$0x3], $0x80, s9, s12, $0xb8;
	[tilespmem:$0x1D400] =	vst v63  }
0xef: {  	_ =	swait.ge [sflag:s10], $0x4000  }
0xf0: {  	[sflag:s10] =	ssyncset.done $0x0  }
0xf1: {  	s9 =	rddreg [dreg:$0x8];
	[sflag:s10] =	ssyncadd.s32 $0xFFFFC000  }
0xf2: {  	[tilespmem:s14], [sflag:$0x2] =	stream.indirect.gather [hbm4b:s4+s12], $0x80, s9, s12, $0xb8;
	[tilespmem:$0x1D400] =	vst v63  }
0xf3: {  	_ =	swait.ge [sflag:s15], $0x4000  }
0xf4: {  	[sflag:s15] =	ssyncset.done $0x0  }
0xf5: {  	s9 =	rddreg [dreg:$0x9];
	[sflag:s15] =	ssyncadd.s32 $0xFFFFC000  }
0xf6: {  	[spmem:s2] =	stream.indirect.scatter.add.f32 [tilespmem:s13], [sflag:$0x3], $0x80, s9, s12, $0xb8;
	[tilespmem:$0x1D400] =	vst v63  }
0xf7: {  	_ =	swait.ge [sflag:s10], $0x4000  }
0xf8: {  	[sflag:s10] =	ssyncset.done $0x0  }
0xf9: {  	s9 =	rddreg [dreg:$0xa];
	[sflag:s10] =	ssyncadd.s32 $0xFFFFC000  }
0xfa: {  	[tilespmem:s13], [sflag:$0x1] =	stream.indirect.gather [hbm4b:s4+s12], $0x80, s9, s12, $0xb8;
	[tilespmem:$0x1D400] =	vst v63  }
0xfb: {  	_ =	swait.ge [sflag:s16], $0x4000  }
0xfc: {  	[sflag:s16] =	ssyncset.done $0x0  }
0xfd: {  	s9 =	rddreg [dreg:$0xb];
	[sflag:s16] =	ssyncadd.s32 $0xFFFFC000  }
0xfe: {  	[spmem:s2] =	stream.indirect.scatter.add.f32 [tilespmem:s14], [sflag:$0x3], $0x80, s9, s12, $0xb8;
	[tilespmem:$0x1D400] =	vst v63  }
0xff: {  	_ =	swait.ge [sflag:s10], $0x4000  }
0x100: {  	[sflag:s10] =	ssyncset.done $0x0  }
0x101: {  	s9 =	rddreg [dreg:$0xc];
	[sflag:s10] =	ssyncadd.s32 $0xFFFFC000  }
0x102: {  	[tilespmem:s14], [sflag:$0x2] =	stream.indirect.gather [hbm4b:s4+s12], $0x80, s9, s12, $0xb8;
	[tilespmem:$0x1D400] =	vst v63  }
0x103: {  	_ =	swait.ge [sflag:s15], $0x4000  }
0x104: {  	[sflag:s15] =	ssyncset.done $0x0  }
0x105: {  	s9 =	rddreg [dreg:$0xd];
	[sflag:s15] =	ssyncadd.s32 $0xFFFFC000  }
0x106: {  	[spmem:s2] =	stream.indirect.scatter.add.f32 [tilespmem:s13], [sflag:$0x3], $0x80, s9, s12, $0xb8;
	[tilespmem:$0x1D400] =	vst v63  }
0x107: {  	_ =	swait.ge [sflag:s10], $0x4000  }
0x108: {  	[sflag:s10] =	ssyncset.done $0x0  }
0x109: {  	s9 =	rddreg [dreg:$0xe];
	[sflag:s10] =	ssyncadd.s32 $0xFFFFC000  }
0x10a: {  	[tilespmem:s13], [sflag:$0x1] =	stream.indirect.gather [hbm4b:s4+s12], $0x80, s9, s12, $0xb8;
	[tilespmem:$0x1D400] =	vst v63  }
0x10b: {  	_ =	swait.ge [sflag:s16], $0x4000  }
0x10c: {  	[sflag:s16] =	ssyncset.done $0x0  }
0x10d: {  	s9 =	rddreg [dreg:$0xf];
	[sflag:s16] =	ssyncadd.s32 $0xFFFFC000  }
0x10e: {  	[spmem:s2] =	stream.indirect.scatter.add.f32 [tilespmem:s14], [sflag:$0x3], $0x80, s9, s12, $0xb8;
	[tilespmem:$0x1D400] =	vst v63  }
0x10f: {  	_ =	swait.ge [sflag:s10], $0x4000  }
0x110: {  	[sflag:s10] =	ssyncset.done $0x0  }
0x111: {  	s9 =	rddreg [dreg:$0x10];
	[sflag:s10] =	ssyncadd.s32 $0xFFFFC000  }
0x112: {  	[tilespmem:s14], [sflag:$0x2] =	stream.indirect.gather [hbm4b:s4+s12], $0x80, s9, s12, $0xb8;
	[tilespmem:$0x1D400] =	vst v63  }
0x113: {  	_ =	swait.ge [sflag:s15], $0x4000  }
0x114: {  	[sflag:s15] =	ssyncset.done $0x0  }
0x115: {  	s9 =	rddreg [dreg:$0x11];
	[sflag:s15] =	ssyncadd.s32 $0xFFFFC000  }
0x116: {  	[spmem:s2] =	stream.indirect.scatter.add.f32 [tilespmem:s13], [sflag:$0x3], $0x80, s9, s12, $0xb8;
	[tilespmem:$0x1D400] =	vst v63  }
0x117: {  	_ =	swait.ge [sflag:s10], $0x4000  }
0x118: {  	[sflag:s10] =	ssyncset.done $0x0  }
0x119: {  	s9 =	rddreg [dreg:$0x12];
	[sflag:s10] =	ssyncadd.s32 $0xFFFFC000  }
0x11a: {  	[tilespmem:s13], [sflag:$0x1] =	stream.indirect.gather [hbm4b:s4+s12], $0x80, s9, s12, $0xb8;
	[tilespmem:$0x1D400] =	vst v63  }
0x11b: {  	_ =	swait.ge [sflag:s16], $0x4000  }
0x11c: {  	[sflag:s16] =	ssyncset.done $0x0  }
0x11d: {  	s9 =	rddreg [dreg:$0x13];
	[sflag:s16] =	ssyncadd.s32 $0xFFFFC000  }
0x11e: {  	[spmem:s2] =	stream.indirect.scatter.add.f32 [tilespmem:s14], [sflag:$0x3], $0x80, s9, s12, $0xb8;
	[tilespmem:$0x1D400] =	vst v63  }
0x11f: {  	_ =	swait.ge [sflag:s10], $0x4000  }
0x120: {  	[sflag:s10] =	ssyncset.done $0x0  }
0x121: {  	s9 =	rddreg [dreg:$0x14];
	[sflag:s10] =	ssyncadd.s32 $0xFFFFC000  }
0x122: {  	[tilespmem:s14], [sflag:$0x2] =	stream.indirect.gather [hbm4b:s4+s12], $0x80, s9, s12, $0xb8;
	[tilespmem:$0x1D400] =	vst v63  }
0x123: {  	_ =	swait.ge [sflag:s15], $0x4000  }
0x124: {  	[sflag:s15] =	ssyncset.done $0x0  }
0x125: {  	s9 =	rddreg [dreg:$0x15];
	[sflag:s15] =	ssyncadd.s32 $0xFFFFC000  }
0x126: {  	[spmem:s2] =	stream.indirect.scatter.add.f32 [tilespmem:s13], [sflag:$0x3], $0x80, s9, s12, $0xb8;
	[tilespmem:$0x1D400] =	vst v63  }
0x127: {  	_ =	swait.ge [sflag:s10], $0x4000  }
0x128: {  	[sflag:s10] =	ssyncset.done $0x0  }
0x129: {  	s9 =	rddreg [dreg:$0x16];
	[sflag:s10] =	ssyncadd.s32 $0xFFFFC000  }
0x12a: {  	[tilespmem:s13], [sflag:$0x1] =	stream.indirect.gather [hbm4b:s4+s12], $0x80, s9, s12, $0xb8;
	[tilespmem:$0x1D400] =	vst v63  }
0x12b: {  	_ =	swait.ge [sflag:s16], $0x4000  }
0x12c: {  	[sflag:s16] =	ssyncset.done $0x0  }
0x12d: {  	s9 =	rddreg [dreg:$0x17];
	[sflag:s16] =	ssyncadd.s32 $0xFFFFC000  }
0x12e: {  	[spmem:s2] =	stream.indirect.scatter.add.f32 [tilespmem:s14], [sflag:$0x3], $0x80, s9, s12, $0xb8;
	[tilespmem:$0x1D400] =	vst v63  }
0x12f: {  	_ =	swait.ge [sflag:s10], $0x4000  }
0x130: {  	[sflag:s10] =	ssyncset.done $0x0  }
0x131: {  	s9 =	rddreg [dreg:$0x18];
	[sflag:s10] =	ssyncadd.s32 $0xFFFFC000  }
0x132: {  	[tilespmem:s14], [sflag:$0x2] =	stream.indirect.gather [hbm4b:s4+s12], $0x80, s9, s12, $0xb8;
	[tilespmem:$0x1D400] =	vst v63  }
0x133: {  	_ =	swait.ge [sflag:s15], $0x4000  }
0x134: {  	[sflag:s15] =	ssyncset.done $0x0  }
0x135: {  	s9 =	rddreg [dreg:$0x19];
	[sflag:s15] =	ssyncadd.s32 $0xFFFFC000  }
0x136: {  	[spmem:s2] =	stream.indirect.scatter.add.f32 [tilespmem:s13], [sflag:$0x3], $0x80, s9, s12, $0xb8;
	[tilespmem:$0x1D400] =	vst v63  }
0x137: {  	_ =	swait.ge [sflag:s10], $0x4000  }
0x138: {  	[sflag:s10] =	ssyncset.done $0x0  }
0x139: {  	[sflag:s10] =	ssyncadd.s32 $0xFFFFC000  }
0x13a: {  	[tilespmem:s13], [sflag:$0x1] =	stream.indirect.gather [hbm4b:s4+s12], $0x80, s17, s12, $0xb8;
	[tilespmem:$0x1D400] =	vst v63  }
0x13b: {  	_ =	swait.ge [sflag:s16], $0x4000  }
0x13c: {  	[sflag:s16] =	ssyncset.done $0x0  }
0x13d: {  	[sflag:s16] =	ssyncadd.s32 $0xFFFFC000  }
0x13e: {  	[spmem:s2] =	stream.indirect.scatter.add.f32 [tilespmem:s14], [sflag:$0x3], $0x80, s18, s12, $0xb8;
	[tilespmem:$0x1D400] =	vst v63  }
0x13f: {  	_ =	swait.ge [sflag:s10], $0x4000  }
0x140: {  	[sflag:s10] =	ssyncset.done $0x0  }
0x141: {  	[sflag:s10] =	ssyncadd.s32 $0xFFFFC000  }
0x142: {  	[tilespmem:s14], [sflag:$0x2] =	stream.indirect.gather [hbm4b:s4+s12], $0x80, s19, s12, $0xb8;
	[tilespmem:$0x1D400] =	vst v63  }
0x143: {  	_ =	swait.ge [sflag:s15], $0x4000  }
0x144: {  	[sflag:s15] =	ssyncset.done $0x0  }
0x145: {  	[sflag:s15] =	ssyncadd.s32 $0xFFFFC000  }
0x146: {  	[spmem:s2] =	stream.indirect.scatter.add.f32 [tilespmem:s13], [sflag:$0x3], $0x80, s20, s12, $0xb8;
	[tilespmem:$0x1D400] =	vst v63  }
0x147: {  	_ =	swait.ge [sflag:s10], $0x4000  }
0x148: {  	[sflag:s10] =	ssyncset.done $0x0  }
0x149: {  	[sflag:s10] =	ssyncadd.s32 $0xFFFFC000  }
0x14a: {  	[tilespmem:s13], [sflag:$0x1] =	stream.indirect.gather [hbm4b:s4+s12], $0x80, s21, s12, $0xb8;
	[tilespmem:$0x1D400] =	vst v63  }
0x14b: {  	_ =	swait.ge [sflag:s16], $0x4000  }
0x14c: {  	[sflag:s16] =	ssyncset.done $0x0  }
0x14d: {  	[sflag:s16] =	ssyncadd.s32 $0xFFFFC000  }
0x14e: {  	[spmem:s2] =	stream.indirect.scatter.add.f32 [tilespmem:s14], [sflag:$0x3], $0x80, s22, s12, $0xb8;
	[tilespmem:$0x1D400] =	vst v63  }
0x14f: {  	_ =	swait.ge [sflag:s10], $0x4000  }
0x150: {  	[sflag:s10] =	ssyncset.done $0x0  }
0x151: {  	[sflag:s10] =	ssyncadd.s32 $0xFFFFC000  }
0x152: {  	[tilespmem:s14], [sflag:$0x2] =	stream.indirect.gather [hbm4b:s4+s12], $0x80, s23, s12, $0xb8;
	[tilespmem:$0x1D400] =	vst v63  }
0x153: {  	_ =	swait.ge [sflag:s15], $0x4000  }
0x154: {  	[sflag:s15] =	ssyncset.done $0x0  }
0x155: {  	[sflag:s15] =	ssyncadd.s32 $0xFFFFC000  }
0x156: {  	[spmem:s2] =	stream.indirect.scatter.add.f32 [tilespmem:s13], [sflag:$0x3], $0x80, s24, s12, $0xb8;
	[tilespmem:$0x1D400] =	vst v63  }
0x157: {  	_ =	swait.ge [sflag:s10], $0x4000  }
0x158: {  	[sflag:s10] =	ssyncset.done $0x0  }
0x159: {  	[sflag:s10] =	ssyncadd.s32 $0xFFFFC000  }
0x15a: {  	[tilespmem:s13], [sflag:$0x1] =	stream.indirect.gather [hbm4b:s4+s12], $0x80, s25, s12, $0xb8;
	[tilespmem:$0x1D400] =	vst v63  }
0x15b: {  	_ =	swait.ge [sflag:s16], $0x4000  }
0x15c: {  	[sflag:s16] =	ssyncset.done $0x0  }
0x15d: {  	[sflag:s16] =	ssyncadd.s32 $0xFFFFC000  }
0x15e: {  	[spmem:s2] =	stream.indirect.scatter.add.f32 [tilespmem:s14], [sflag:$0x3], $0x80, s26, s12, $0xb8;
	[tilespmem:$0x1D400] =	vst v63  }
0x15f: {  	_ =	swait.ge [sflag:s10], $0x4000  }
0x160: {  	[sflag:s10] =	ssyncset.done $0x0  }
0x161: {  	[sflag:s10] =	ssyncadd.s32 $0xFFFFC000  }
0x162: {  	[tilespmem:s14], [sflag:$0x2] =	stream.indirect.gather [hbm4b:s4+s12], $0x80, s28, s12, $0xb8;
	[tilespmem:$0x1D400] =	vst v63  }
0x163: {  	_ =	swait.ge [sflag:s15], $0x4000  }
0x164: {  	[sflag:s15] =	ssyncset.done $0x0  }
0x165: {  	[sflag:s15] =	ssyncadd.s32 $0xFFFFC000  }
0x166: {  	[spmem:s2] =	stream.indirect.scatter.add.f32 [tilespmem:s13], [sflag:$0x3], $0x80, s29, s12, $0xb8;
	[tilespmem:$0x1D400] =	vst v63  }
0x167: {  	_ =	swait.ge [sflag:s10], $0x4000  }
0x168: {  	[sflag:s10] =	ssyncset.done $0x0  }
0x169: {  	[sflag:s10] =	ssyncadd.s32 $0xFFFFC000  }
0x16a: {  	[tilespmem:s13], [sflag:$0x1] =	stream.indirect.gather [hbm4b:s4+s12], $0x80, s30, s12, $0xb8;
	[tilespmem:$0x1D400] =	vst v63  }
0x16b: {  	_ =	swait.ge [sflag:s16], $0x4000  }
0x16c: {  	[sflag:s16] =	ssyncset.done $0x0  }
0x16d: {  	[sflag:s16] =	ssyncadd.s32 $0xFFFFC000  }
0x16e: {  	[spmem:s2] =	stream.indirect.scatter.add.f32 [tilespmem:s14], [sflag:$0x3], $0x80, s31, s12, $0xb8;
	[tilespmem:$0x1D400] =	vst v63  }
0x16f: {  	_ =	swait.ge [sflag:s10], $0x4000  }
0x170: {  	[sflag:s10] =	ssyncset.done $0x0  }
0x171: {  	[sflag:s10] =	ssyncadd.s32 $0xFFFFC000  }
0x172: {  	[tilespmem:s14], [sflag:$0x2] =	stream.indirect.gather [hbm4b:s4+s12], $0x80, s1, s12, $0xb8;
	[tilespmem:$0x1D400] =	vst v63  }
0x173: {  	_ =	swait.ge [sflag:s15], $0x4000  }
0x174: {  	[sflag:s15] =	ssyncset.done $0x0  }
0x175: {  	[sflag:s15] =	ssyncadd.s32 $0xFFFFC000  }
0x176: {  	[spmem:s2] =	stream.indirect.scatter.add.f32 [tilespmem:s13], [sflag:$0x3], $0x80, s0, s12, $0xb8;
	[tilespmem:$0x1D400] =	vst v63  }
0x177: {  	_ =	swait.ge [sflag:s10], $0x4000  }
0x178: {  	[sflag:s10] =	ssyncset.done $0x0  }
0x179: {  	[sflag:s10] =	ssyncadd.s32 $0xFFFFC000  }
0x17a: {  	p0 =	sne.s32 s6, $0x480;
	_ =	swait.ge [sflag:s16], $0x4000  }
.Ltmp0:
0x17b: {  	[sflag:s16] =	ssyncset.done $0x0;
	(pc) =	sbr.rel @p0 .LBB2_2-.Ltmp0, $4  }
0x17c: {  	[sflag:s16] =	ssyncadd.s32 $0xFFFFC000  }
0x17d: {  	[spmem:s2] =	stream.indirect.scatter.add.f32 [tilespmem:s14], [sflag:$0x3], $0x80, s5, s12, $0xb8;
	[tilespmem:$0x1D400] =	vst v63  }
0x17e: {  	s7 =	smov.u32 s6;
	s6 =	sadd.s32 $0x180, s6;
	_ =	swait.ge [sflag:s10], $0x4000  }
0x17f: {  	s8 =	smov.u32 s7;
	s9 =	rddreg [dreg:$0x5];
	[sflag:s10] =	ssyncset.done $0x0  }
0x180: {  	[sflag:s10] =	ssyncadd.s32 $0xFFFFC000;
	s6 =	sadd.s32 s8, s9  }
0x181: {  	[tilespmem:s3], [sflag:$0x3] =	stream.linear.gather [hbm4b:s6+s3], $0xA00, $0x38;
	[tilespmem:$0x1D400] =	vst v63  }
0x182: {  	_ =	swait.ge [sflag:s10], $0xA00  }
0x183: {  	s9 =	rddreg [dreg:$0x4];
	[sflag:s10] =	ssyncset.done $0x0  }
0x184: {  	s6 =	sadd.s32 s8, s9;
	[sflag:s10] =	ssyncadd.s32 $0xFFFFF600  }
0x185: {  	[tilespmem:s11], [sflag:$0x3] =	stream.linear.gather [hbm4b:s6+s3], $0xA00, $0x38;
	[tilespmem:$0x1D400] =	vst v63  }
0x186: {  	_ =	swait.ge [sflag:s10], $0xA00  }
0x187: {  	[sflag:s10] =	ssyncset.done $0x0  }
0x188: {  	[sflag:s10] =	ssyncadd.s32 $0xFFFFF600  }
0x189: {  	[tilespmem:s13], [sflag:$0x1] =	stream.indirect.gather [hbm4b:s4+s12], $0x80, s3, s12, $0xb8;
	[tilespmem:$0x1D400] =	vst v63  }
0x18a: {  	_ = 	snop  }
0x18b: {  	[tilespmem:s14], [sflag:$0x2] =	stream.indirect.gather [hbm4b:s4+s12], $0x80, s12, s12, $0xb8;
	[tilespmem:$0x1D400] =	vst v63  }
0x18c: {  	_ =	swait.ge [sflag:s15], $0x4000  }
0x18d: {  	[sflag:s15] =	ssyncset.done $0x0  }
0x18e: {  	[sflag:s15] =	ssyncadd.s32 $0xFFFFC000  }
0x18f: {  	[spmem:s2] =	stream.indirect.scatter.add.f32 [tilespmem:s13], [sflag:$0x3], $0x80, s11, s12, $0xb8;
	[tilespmem:$0x1D400] =	vst v63  }
0x190: {  	_ =	swait.ge [sflag:s10], $0x4000  }
0x191: {  	[sflag:s10] =	ssyncset.done $0x0  }
0x192: {  	s7 =	rddreg [dreg:$0x6];
	[sflag:s10] =	ssyncadd.s32 $0xFFFFC000  }
0x193: {  	[tilespmem:s13], [sflag:$0x1] =	stream.indirect.gather [hbm4b:s4+s12], $0x80, s7, s12, $0xb8;
	[tilespmem:$0x1D400] =	vst v63  }
0x194: {  	_ =	swait.ge [sflag:s16], $0x4000  }
0x195: {  	[sflag:s16] =	ssyncset.done $0x0  }
0x196: {  	s8 =	rddreg [dreg:$0x7];
	[sflag:s16] =	ssyncadd.s32 $0xFFFFC000  }
0x197: {  	[spmem:s2] =	stream.indirect.scatter.add.f32 [tilespmem:s14], [sflag:$0x3], $0x80, s8, s12, $0xb8;
	[tilespmem:$0x1D400] =	vst v63  }
0x198: {  	_ =	swait.ge [sflag:s10], $0x4000  }
0x199: {  	[sflag:s10] =	ssyncset.done $0x0  }
0x19a: {  	s9 =	rddreg [dreg:$0x8];
	[sflag:s10] =	ssyncadd.s32 $0xFFFFC000  }
0x19b: {  	[tilespmem:s14], [sflag:$0x2] =	stream.indirect.gather [hbm4b:s4+s12], $0x80, s9, s12, $0xb8;
	[tilespmem:$0x1D400] =	vst v63  }
0x19c: {  	_ =	swait.ge [sflag:s15], $0x4000  }
0x19d: {  	[sflag:s15] =	ssyncset.done $0x0  }
0x19e: {  	s7 =	rddreg [dreg:$0x9];
	[sflag:s15] =	ssyncadd.s32 $0xFFFFC000  }
0x19f: {  	[spmem:s2] =	stream.indirect.scatter.add.f32 [tilespmem:s13], [sflag:$0x3], $0x80, s7, s12, $0xb8;
	[tilespmem:$0x1D400] =	vst v63  }
0x1a0: {  	_ =	swait.ge [sflag:s10], $0x4000  }
0x1a1: {  	[sflag:s10] =	ssyncset.done $0x0  }
0x1a2: {  	s8 =	rddreg [dreg:$0xa];
	[sflag:s10] =	ssyncadd.s32 $0xFFFFC000  }
0x1a3: {  	[tilespmem:s13], [sflag:$0x1] =	stream.indirect.gather [hbm4b:s4+s12], $0x80, s8, s12, $0xb8;
	[tilespmem:$0x1D400] =	vst v63  }
0x1a4: {  	_ =	swait.ge [sflag:s16], $0x4000  }
0x1a5: {  	[sflag:s16] =	ssyncset.done $0x0  }
0x1a6: {  	s9 =	rddreg [dreg:$0xb];
	[sflag:s16] =	ssyncadd.s32 $0xFFFFC000  }
0x1a7: {  	[spmem:s2] =	stream.indirect.scatter.add.f32 [tilespmem:s14], [sflag:$0x3], $0x80, s9, s12, $0xb8;
	[tilespmem:$0x1D400] =	vst v63  }
0x1a8: {  	_ =	swait.ge [sflag:s10], $0x4000  }
0x1a9: {  	[sflag:s10] =	ssyncset.done $0x0  }
0x1aa: {  	s7 =	rddreg [dreg:$0xc];
	[sflag:s10] =	ssyncadd.s32 $0xFFFFC000  }
0x1ab: {  	[tilespmem:s14], [sflag:$0x2] =	stream.indirect.gather [hbm4b:s4+s12], $0x80, s7, s12, $0xb8;
	[tilespmem:$0x1D400] =	vst v63  }
0x1ac: {  	_ =	swait.ge [sflag:s15], $0x4000  }
0x1ad: {  	[sflag:s15] =	ssyncset.done $0x0  }
0x1ae: {  	s8 =	rddreg [dreg:$0xd];
	[sflag:s15] =	ssyncadd.s32 $0xFFFFC000  }
0x1af: {  	[spmem:s2] =	stream.indirect.scatter.add.f32 [tilespmem:s13], [sflag:$0x3], $0x80, s8, s12, $0xb8;
	[tilespmem:$0x1D400] =	vst v63  }
0x1b0: {  	_ =	swait.ge [sflag:s10], $0x4000  }
0x1b1: {  	[sflag:s10] =	ssyncset.done $0x0  }
0x1b2: {  	s9 =	rddreg [dreg:$0xe];
	[sflag:s10] =	ssyncadd.s32 $0xFFFFC000  }
0x1b3: {  	[tilespmem:s13], [sflag:$0x1] =	stream.indirect.gather [hbm4b:s4+s12], $0x80, s9, s12, $0xb8;
	[tilespmem:$0x1D400] =	vst v63  }
0x1b4: {  	_ =	swait.ge [sflag:s16], $0x4000  }
0x1b5: {  	[sflag:s16] =	ssyncset.done $0x0  }
0x1b6: {  	s7 =	rddreg [dreg:$0xf];
	[sflag:s16] =	ssyncadd.s32 $0xFFFFC000  }
0x1b7: {  	[spmem:s2] =	stream.indirect.scatter.add.f32 [tilespmem:s14], [sflag:$0x3], $0x80, s7, s12, $0xb8;
	[tilespmem:$0x1D400] =	vst v63  }
0x1b8: {  	_ =	swait.ge [sflag:s10], $0x4000  }
0x1b9: {  	[sflag:s10] =	ssyncset.done $0x0  }
0x1ba: {  	s8 =	rddreg [dreg:$0x10];
	[sflag:s10] =	ssyncadd.s32 $0xFFFFC000  }
0x1bb: {  	[tilespmem:s14], [sflag:$0x2] =	stream.indirect.gather [hbm4b:s4+s12], $0x80, s8, s12, $0xb8;
	[tilespmem:$0x1D400] =	vst v63  }
0x1bc: {  	_ =	swait.ge [sflag:s15], $0x4000  }
0x1bd: {  	[sflag:s15] =	ssyncset.done $0x0  }
0x1be: {  	s9 =	rddreg [dreg:$0x11];
	[sflag:s15] =	ssyncadd.s32 $0xFFFFC000  }
0x1bf: {  	[spmem:s2] =	stream.indirect.scatter.add.f32 [tilespmem:s13], [sflag:$0x3], $0x80, s9, s12, $0xb8;
	[tilespmem:$0x1D400] =	vst v63  }
0x1c0: {  	_ =	swait.ge [sflag:s10], $0x4000  }
0x1c1: {  	[sflag:s10] =	ssyncset.done $0x0  }
0x1c2: {  	s7 =	rddreg [dreg:$0x12];
	[sflag:s10] =	ssyncadd.s32 $0xFFFFC000  }
0x1c3: {  	[tilespmem:s13], [sflag:$0x1] =	stream.indirect.gather [hbm4b:s4+s12], $0x80, s7, s12, $0xb8;
	[tilespmem:$0x1D400] =	vst v63  }
0x1c4: {  	_ =	swait.ge [sflag:s16], $0x4000  }
0x1c5: {  	[sflag:s16] =	ssyncset.done $0x0  }
0x1c6: {  	s8 =	rddreg [dreg:$0x13];
	[sflag:s16] =	ssyncadd.s32 $0xFFFFC000  }
0x1c7: {  	[spmem:s2] =	stream.indirect.scatter.add.f32 [tilespmem:s14], [sflag:$0x3], $0x80, s8, s12, $0xb8;
	[tilespmem:$0x1D400] =	vst v63  }
0x1c8: {  	_ =	swait.ge [sflag:s10], $0x4000  }
0x1c9: {  	[sflag:s10] =	ssyncset.done $0x0  }
0x1ca: {  	s9 =	rddreg [dreg:$0x14];
	[sflag:s10] =	ssyncadd.s32 $0xFFFFC000  }
0x1cb: {  	[tilespmem:s14], [sflag:$0x2] =	stream.indirect.gather [hbm4b:s4+s12], $0x80, s9, s12, $0xb8;
	[tilespmem:$0x1D400] =	vst v63  }
0x1cc: {  	_ =	swait.ge [sflag:s15], $0x4000  }
0x1cd: {  	[sflag:s15] =	ssyncset.done $0x0  }
0x1ce: {  	s7 =	rddreg [dreg:$0x15];
	[sflag:s15] =	ssyncadd.s32 $0xFFFFC000  }
0x1cf: {  	[spmem:s2] =	stream.indirect.scatter.add.f32 [tilespmem:s13], [sflag:$0x3], $0x80, s7, s12, $0xb8;
	[tilespmem:$0x1D400] =	vst v63  }
0x1d0: {  	_ =	swait.ge [sflag:s10], $0x4000  }
0x1d1: {  	[sflag:s10] =	ssyncset.done $0x0  }
0x1d2: {  	s8 =	rddreg [dreg:$0x16];
	[sflag:s10] =	ssyncadd.s32 $0xFFFFC000  }
0x1d3: {  	[tilespmem:s13], [sflag:$0x1] =	stream.indirect.gather [hbm4b:s4+s12], $0x80, s8, s12, $0xb8;
	[tilespmem:$0x1D400] =	vst v63  }
0x1d4: {  	_ =	swait.ge [sflag:s16], $0x4000  }
0x1d5: {  	[sflag:s16] =	ssyncset.done $0x0  }
0x1d6: {  	s9 =	rddreg [dreg:$0x17];
	[sflag:s16] =	ssyncadd.s32 $0xFFFFC000  }
0x1d7: {  	[spmem:s2] =	stream.indirect.scatter.add.f32 [tilespmem:s14], [sflag:$0x3], $0x80, s9, s12, $0xb8;
	[tilespmem:$0x1D400] =	vst v63  }
0x1d8: {  	_ =	swait.ge [sflag:s10], $0x4000  }
0x1d9: {  	[sflag:s10] =	ssyncset.done $0x0  }
0x1da: {  	s7 =	rddreg [dreg:$0x18];
	[sflag:s10] =	ssyncadd.s32 $0xFFFFC000  }
0x1db: {  	[tilespmem:s14], [sflag:$0x2] =	stream.indirect.gather [hbm4b:s4+s12], $0x80, s7, s12, $0xb8;
	[tilespmem:$0x1D400] =	vst v63  }
0x1dc: {  	_ =	swait.ge [sflag:s15], $0x4000  }
0x1dd: {  	[sflag:s15] =	ssyncset.done $0x0  }
0x1de: {  	s8 =	rddreg [dreg:$0x19];
	[sflag:s15] =	ssyncadd.s32 $0xFFFFC000  }
0x1df: {  	[spmem:s2] =	stream.indirect.scatter.add.f32 [tilespmem:s13], [sflag:$0x3], $0x80, s8, s12, $0xb8;
	[tilespmem:$0x1D400] =	vst v63  }
0x1e0: {  	_ =	swait.ge [sflag:s10], $0x4000  }
0x1e1: {  	[sflag:s10] =	ssyncset.done $0x0  }
0x1e2: {  	[sflag:s10] =	ssyncadd.s32 $0xFFFFC000  }
0x1e3: {  	[tilespmem:s13], [sflag:$0x1] =	stream.indirect.gather [hbm4b:s4+s12], $0x80, s17, s12, $0xb8;
	[tilespmem:$0x1D400] =	vst v63  }
0x1e4: {  	_ =	swait.ge [sflag:s16], $0x4000  }
0x1e5: {  	[sflag:s16] =	ssyncset.done $0x0  }
0x1e6: {  	[sflag:s16] =	ssyncadd.s32 $0xFFFFC000  }
0x1e7: {  	[spmem:s2] =	stream.indirect.scatter.add.f32 [tilespmem:s14], [sflag:$0x3], $0x80, s18, s12, $0xb8;
	[tilespmem:$0x1D400] =	vst v63  }
0x1e8: {  	_ =	swait.ge [sflag:s10], $0x4000  }
0x1e9: {  	[sflag:s10] =	ssyncset.done $0x0  }
0x1ea: {  	[sflag:s10] =	ssyncadd.s32 $0xFFFFC000  }
0x1eb: {  	[tilespmem:s14], [sflag:$0x2] =	stream.indirect.gather [hbm4b:s4+s12], $0x80, s19, s12, $0xb8;
	[tilespmem:$0x1D400] =	vst v63  }
0x1ec: {  	_ =	swait.ge [sflag:s15], $0x4000  }
0x1ed: {  	[sflag:s15] =	ssyncset.done $0x0  }
0x1ee: {  	[sflag:s15] =	ssyncadd.s32 $0xFFFFC000  }
0x1ef: {  	[spmem:s2] =	stream.indirect.scatter.add.f32 [tilespmem:s13], [sflag:$0x3], $0x80, s20, s12, $0xb8;
	[tilespmem:$0x1D400] =	vst v63  }
0x1f0: {  	_ =	swait.ge [sflag:s10], $0x4000  }
0x1f1: {  	[sflag:s10] =	ssyncset.done $0x0  }
0x1f2: {  	[sflag:s10] =	ssyncadd.s32 $0xFFFFC000  }
0x1f3: {  	[tilespmem:s13], [sflag:$0x1] =	stream.indirect.gather [hbm4b:s4+s12], $0x80, s21, s12, $0xb8;
	[tilespmem:$0x1D400] =	vst v63  }
0x1f4: {  	_ =	swait.ge [sflag:s16], $0x4000  }
0x1f5: {  	[sflag:s16] =	ssyncset.done $0x0  }
0x1f6: {  	[sflag:s16] =	ssyncadd.s32 $0xFFFFC000  }
0x1f7: {  	[spmem:s2] =	stream.indirect.scatter.add.f32 [tilespmem:s14], [sflag:$0x3], $0x80, s22, s12, $0xb8;
	[tilespmem:$0x1D400] =	vst v63  }
0x1f8: {  	_ =	swait.ge [sflag:s10], $0x4000  }
0x1f9: {  	[sflag:s10] =	ssyncset.done $0x0  }
0x1fa: {  	[sflag:s10] =	ssyncadd.s32 $0xFFFFC000  }
0x1fb: {  	[tilespmem:s14], [sflag:$0x2] =	stream.indirect.gather [hbm4b:s4+s12], $0x80, s23, s12, $0xb8;
	[tilespmem:$0x1D400] =	vst v63  }
0x1fc: {  	_ =	swait.ge [sflag:s15], $0x4000  }
0x1fd: {  	[sflag:s15] =	ssyncset.done $0x0  }
0x1fe: {  	[sflag:s15] =	ssyncadd.s32 $0xFFFFC000  }
0x1ff: {  	[spmem:s2] =	stream.indirect.scatter.add.f32 [tilespmem:s13], [sflag:$0x3], $0x80, s24, s12, $0xb8;
	[tilespmem:$0x1D400] =	vst v63  }
0x200: {  	_ =	swait.ge [sflag:s10], $0x4000  }
0x201: {  	[sflag:s10] =	ssyncset.done $0x0  }
0x202: {  	[sflag:s10] =	ssyncadd.s32 $0xFFFFC000  }
0x203: {  	[tilespmem:s13], [sflag:$0x1] =	stream.indirect.gather [hbm4b:s4+s12], $0x80, s25, s12, $0xb8;
	[tilespmem:$0x1D400] =	vst v63  }
0x204: {  	_ =	swait.ge [sflag:s16], $0x4000  }
0x205: {  	[sflag:s16] =	ssyncset.done $0x0  }
0x206: {  	[sflag:s16] =	ssyncadd.s32 $0xFFFFC000  }
0x207: {  	[spmem:s2] =	stream.indirect.scatter.add.f32 [tilespmem:s14], [sflag:$0x3], $0x80, s26, s12, $0xb8;
	[tilespmem:$0x1D400] =	vst v63  }
0x208: {  	_ =	swait.ge [sflag:s10], $0x4000  }
0x209: {  	[sflag:s10] =	ssyncset.done $0x0  }
0x20a: {  	[sflag:s10] =	ssyncadd.s32 $0xFFFFC000  }
0x20b: {  	[tilespmem:s14], [sflag:$0x2] =	stream.indirect.gather [hbm4b:s4+s12], $0x80, s28, s12, $0xb8;
	[tilespmem:$0x1D400] =	vst v63  }
0x20c: {  	_ =	swait.ge [sflag:s15], $0x4000  }
0x20d: {  	[sflag:s15] =	ssyncset.done $0x0  }
0x20e: {  	[sflag:s15] =	ssyncadd.s32 $0xFFFFC000  }
0x20f: {  	[spmem:s2] =	stream.indirect.scatter.add.f32 [tilespmem:s13], [sflag:$0x3], $0x80, s29, s12, $0xb8;
	[tilespmem:$0x1D400] =	vst v63  }
0x210: {  	_ =	swait.ge [sflag:s10], $0x4000  }
0x211: {  	[sflag:s10] =	ssyncset.done $0x0  }
0x212: {  	[sflag:s10] =	ssyncadd.s32 $0xFFFFC000  }
0x213: {  	[tilespmem:s13], [sflag:$0x1] =	stream.indirect.gather [hbm4b:s4+s12], $0x80, s30, s12, $0xb8;
	[tilespmem:$0x1D400] =	vst v63  }
0x214: {  	_ =	swait.ge [sflag:s16], $0x4000  }
0x215: {  	[sflag:s16] =	ssyncset.done $0x0  }
0x216: {  	[sflag:s16] =	ssyncadd.s32 $0xFFFFC000  }
0x217: {  	[spmem:s2] =	stream.indirect.scatter.add.f32 [tilespmem:s14], [sflag:$0x3], $0x80, s31, s12, $0xb8;
	[tilespmem:$0x1D400] =	vst v63  }
0x218: {  	_ =	swait.ge [sflag:s10], $0x4000  }
0x219: {  	[sflag:s10] =	ssyncset.done $0x0  }
0x21a: {  	[sflag:s10] =	ssyncadd.s32 $0xFFFFC000  }
0x21b: {  	[tilespmem:s14], [sflag:$0x2] =	stream.indirect.gather [hbm4b:s4+s12], $0x80, s1, s12, $0xb8;
	[tilespmem:$0x1D400] =	vst v63  }
0x21c: {  	_ =	swait.ge [sflag:s15], $0x4000  }
0x21d: {  	[sflag:s15] =	ssyncset.done $0x0  }
0x21e: {  	[sflag:s15] =	ssyncadd.s32 $0xFFFFC000  }
0x21f: {  	[spmem:s2] =	stream.indirect.scatter.add.f32 [tilespmem:s13], [sflag:$0x3], $0x80, s0, s12, $0xb8;
	[tilespmem:$0x1D400] =	vst v63  }
0x220: {  	_ =	swait.ge [sflag:s10], $0x4000  }
0x221: {  	[sflag:s10] =	ssyncset.done $0x0  }
0x222: {  	[sflag:s10] =	ssyncadd.s32 $0xFFFFC000  }
0x223: {  	_ =	swait.ge [sflag:s16], $0x4000  }
0x224: {  	[sflag:s16] =	ssyncset.done $0x0  }
0x225: {  	[sflag:s16] =	ssyncadd.s32 $0xFFFFC000  }
0x226: {  	[spmem:s2] =	stream.indirect.scatter.add.f32 [tilespmem:s14], [sflag:$0x3], $0x80, s5, s12, $0xb8;
	[tilespmem:$0x1D400] =	vst v63  }
0x227: {  	_ =	swait.ge [sflag:s10], $0x4000  }
0x228: {  	[sflag:s10] =	ssyncset.done $0x0  }
0x229: {  	[sflag:s10] =	ssyncadd.s32 $0xFFFFC000  }
0x22a: {  	[bflag:$0x0] =	sbarrier.arrive $0xFFFF  }
0x22b: {  	s7 =	rddreg [dreg:$0x1b]  }
0x22c: {  	s9 =	rddreg [dreg:$0x1c]  }
0x22d: {  	s8 =	rddreg [dreg:$0x1e]  }
0x22e: {  	[hbm:s9], [sflag:s7] =	dma.local [spmem:s8], $0x2780  }
0x22f: {  	_ =	swait.ge [sflag:s10], $0x2780  }
0x230: {  	s6 =	rddreg [dreg:$0x1f]  }
0x231: {  	s9 =	sadd.s32 $0x1, s6;
	s6 =	rddreg [dreg:$0x1d]  }
0x232: {  	p0 =	sne.s32 s9, s6  }
.Ltmp1:
0x233: {  	_ = 	snop;
	(pc) =	sbr.rel @p0 .LBB2_1-.Ltmp1, $3  }
0x234: {  	_ =	sdelay $0x1  }
0x235: {  	[sflag:s10] =	ssyncset.done $0x0  }
0x236: {  	[sflag:s10] =	ssyncadd.s32 $0xFFFFD880  }
0x237: {  	_ =	sfence.sel $0x180000  }
0x238: {  	[bflag:$0x0] =	sbarrier.arrive $0xFFFF  }
0x239: {  	_ =	strace $0x90000050  }
0x23a: {  	s0 =	stileid.u32;
	[bflag:$0x2] =	sbarrier.arrive $0xFFFF  }
0x23b: {  	p0 =	sne.s32 s0, $0x0;
	s0 =	rddreg [dreg:$0x3]  }
0x23c: {  	s0 =	sadd.s32 @!p0 $0x100000, s0  }
0x23d: {  	[sflag:s0] =	ssyncadd.tile.s32 @!p0 $0x1;
	_ =	shalt  }
.Lfunc_end2:
_tile_overlayer_lowered:
.L_overlay_start_2:
0x23e: {  	(tag) =	ssettag $0x2  }
0x23f: {  	s0 =	rddreg [dreg:$0x0];
	s2 =	stileid.u32  }
0x240: {  	s1 =	rddreg [dreg:$0x1];
	p0 =	sne.s32 s2, $0x0  }
0x241: {  	s3 =	rddreg [dreg:$0x2];
	[bflag:$0x3] =	sbarrier.arrive $0xFFFF;
	s2 =	simm.s32 @!p0 $0x1C03  }
0x242: {  	[timem:s3], [sflag:s2] =	dma.local @!p0 [hbm:s0], s1  }
0x243: {  	s0 =	simm.s32 @!p0 $0x3  }
0x244: {  	_ =	swait.ge @!p0 [sflag:s0], s1  }
0x245: {  	s1 =	ssub.s32 @!p0 $0x0, s1;
	[sflag:s0] =	ssyncset.done @!p0 $0x0  }
0x246: {  	[sflag:s0] =	ssyncadd.s32 @!p0 s1  }
0x247: {  	[bflag:$0x3] =	sbarrier.arrive $0xFFFF  }
0x248: {  	_ =	shalt  }

</sc_bundles>
